<compile_context>
chip_gen: v7x
topology: tpu7x:2x2x1
jax: 0.10.2.dev20260603
libtpu: 0.0.44.dev20260713+nightly
codegen_flags: <defaults>
</compile_context>

<pallas_src>
import functools

import jax
import jax.numpy as jnp
from jax import lax
from jax.experimental import pallas as pl
from jax.experimental.pallas import tpu as pltpu
from jax.experimental.pallas import tpu_sc as plsc

VOCAB = 1002
EMBED = 64
BATCH = 4096
SEQ = 200
NUM_CORES = 2
NUM_SUBCORES = 16
NUM_WORKERS = NUM_CORES * NUM_SUBCORES
LANES = 16

BSLICE = 256
UNITS = SEQ * (BATCH // BSLICE)
UNITS_PER_W = UNITS // NUM_WORKERS
GROUPS = BSLICE // LANES
UNIT_WORDS = EMBED * BSLICE
T_WORDS = EMBED * BATCH
EBLK_ROW_WORDS = 8 * BATCH
OUT_WORDS = BATCH * SEQ * EMBED
ROW_PAD = 65
TAB_WORDS = VOCAB * ROW_PAD

_mesh = plsc.VectorSubcoreMesh(core_axis_name="c", subcore_axis_name="s")


@functools.partial(
    pl.kernel,
    mesh=_mesh,
    out_type=jax.ShapeDtypeStruct((OUT_WORDS,), jnp.float32),
    scratch_types=[
        pltpu.VMEM((TAB_WORDS,), jnp.float32),
        pltpu.VMEM((2, UNIT_WORDS), jnp.float32),
        pltpu.VMEM((2, 2, 128), jnp.int32),
        pltpu.SemaphoreType.DMA,
        pltpu.SemaphoreType.DMA,
    ],
    compiler_params=pltpu.CompilerParams(
        use_tc_tiling_on_sc=False, needs_layout_passes=False
    ),
)
def _embed_lookup(idx_hbm, w_hbm, out_hbm, tab_v, outbuf, idx_v, osem, isem):
    wid = lax.axis_index("s") * NUM_CORES + lax.axis_index("c")
    u0 = wid * UNITS_PER_W

    def idx_src(u):
        return idx_hbm.at[u // 128, pl.ds((u % 16) * 2, 2), (u // 16) % 8]

    pltpu.sync_copy(w_hbm, tab_v)
    pltpu.sync_copy(idx_src(u0), idx_v.at[0])
    pltpu.make_async_copy(idx_src(u0 + 1), idx_v.at[1], isem).start()

    def drain_out(par):
        pltpu.make_async_copy(
            outbuf.at[par],
            out_hbm.at[pl.ds(0, UNIT_WORDS)],
            osem,
        ).wait()

    def body(i, carry):
        u = u0 + i
        par = i % 2
        t = u // (BATCH // BSLICE)
        bq = u % (BATCH // BSLICE)
        b0 = bq * BSLICE

        @pl.when(i >= 1)
        def _():
            pltpu.make_async_copy(idx_src(u), idx_v.at[par], isem).wait()

        @pl.when(i >= 2)
        def _():
            drain_out(par)

        @plsc.parallel_loop(0, GROUPS, 1, unroll=1)
        def group(g):
            goff = g * LANES
            idxv = idx_v[par, goff // 128, pl.ds(goff % 128, LANES)]
            rowbase = idxv * ROW_PAD
            dyn = (goff // 128) * 1024 + goff % 128
            for e in range(EMBED):
                vals = plsc.load_gather(tab_v, [rowbase + e])
                off = (e // 8) * 2048 + (e % 8) * 128
                outbuf[par, pl.ds(dyn + off, LANES)] = vals

        @pl.when(i + 2 < UNITS_PER_W)
        def _():
            pltpu.make_async_copy(idx_src(u + 2), idx_v.at[par], isem).start()

        base = t * T_WORDS + b0 * 8
        for eb in range(8):
            pltpu.make_async_copy(
                outbuf.at[par, pl.ds(eb * 2048, 2048)],
                out_hbm.at[pl.ds(base + eb * EBLK_ROW_WORDS, 2048)],
                osem,
            ).start()
        return carry

    lax.fori_loop(0, UNITS_PER_W, body, 0)
    drain_out(0)
    drain_out(1)


def kernel(indices, W):
    idx4 = (
        indices.astype(jnp.int32)
        .T.reshape(SEQ // 8, 8, BATCH // 128, 128)
        .transpose(0, 2, 1, 3)
    )
    w_flat = jnp.pad(W, ((0, 0), (0, ROW_PAD - EMBED))).reshape(-1)
    out = _embed_lookup(idx4, w_flat)
    out5 = out.reshape(SEQ, 8, BATCH // 128, 8, 128)
    return out5.transpose(2, 4, 0, 1, 3).reshape(BATCH, SEQ, EMBED)

# --- scband reference (transcript-rebuilt; emitter-appended) ---
"""Pipeline reference for scband-base-model-81509889344081 (READ-ONLY COPY).

The authoritative reference and input builder live on the scoring server;
editing this copy changes nothing except your own understanding.
"""

import jax, jax.numpy as jnp
import numpy as np

VOCAB = 1002  # len(dicts[0]) + 2
EMBED = 64

def setup_inputs(seed: int = 0) -> dict:
    key = jax.random.key(seed)
    k1, k2 = jax.random.split(key)
    indices = jax.random.randint(k1, (4096, 200), 0, 1000)
    # embedding table parameter, matching nn.Embedding(vocab_size + 2, embed_size)
    W = jax.random.normal(k2, (VOCAB, EMBED), dtype=jnp.float32)
    return {"indices": indices, "W": W}

def reference(indices, W):
    # BaseModel builds self.embed = nn.Embedding(vocab_size + 2, embed_size);
    # the forward lookup is simply embed(indices) -> W[indices]
    return jnp.take(W, indices, axis=0)

if __name__ == "__main__":
    import jax
    _d = setup_inputs()
    print(jax.jit(kernel)(*tuple(_d.values())))

</pallas_src>

<mosaic_0001>
#map = affine_map<(d0, d1) -> (0, 0, 0, 0)>
#map1 = affine_map<(d0, d1) -> (0)>
module attributes {stable_mosaic.version = 14 : i64} {
  func.func @_embed_lookup(%arg0: i32, %arg1: i32, %arg2: memref<25x32x8x128xi32, #tpu.memory_space<hbm>>, %arg3: memref<65130xf32, #tpu.memory_space<hbm>>, %arg4: memref<52428800xf32, #tpu.memory_space<hbm>>, %arg5: memref<65130xf32, #tpu.memory_space<vmem>>, %arg6: memref<2x16384xf32, #tpu.memory_space<vmem>>, %arg7: memref<2x2x128xi32, #tpu.memory_space<vmem>>, %arg8: memref<!tpu.dma_semaphore, #tpu.memory_space<semaphore_mem>>, %arg9: memref<!tpu.dma_semaphore, #tpu.memory_space<semaphore_mem>>) attributes {dimension_semantics = [#tpu.dimension_semantics<core_parallel>, #tpu.dimension_semantics<subcore_parallel>], iteration_bounds = array<i64: 2, 16>, scalar_prefetch = 0 : i64, scratch_operands = 5 : i64, tpu.core_type = #tpu.core_type<sc_vector_subcore>, window_params = [{transform_indices = #map}, {transform_indices = #map1}, {transform_indices = #map1}]} {
    %mul3A = arith.constant 2 : i32
    %mul3A_0 = arith.muli %arg1, %mul3A : i32
    %add3A = arith.addi %mul3A_0, %arg0 : i32
    %mul3A_1 = arith.constant 100 : i32
    %mul3A_2 = arith.muli %add3A, %mul3A_1 : i32
    "tpu.region"() ({
      %run_scoped3A_199 = tpu.sem_alloc : memref<!tpu.dma_semaphore, #tpu.memory_space<semaphore_mem>>
      tpu.enqueue_dma source(%arg3 : memref<65130xf32, #tpu.memory_space<hbm>>) target(%arg5 : memref<65130xf32, #tpu.memory_space<vmem>>) target_semaphore(%run_scoped3A_199 : memref<!tpu.dma_semaphore, #tpu.memory_space<semaphore_mem>>)
      tpu.wait_dma2 semaphore(%run_scoped3A_199 : memref<!tpu.dma_semaphore, #tpu.memory_space<semaphore_mem>>) src(%arg3 : memref<65130xf32, #tpu.memory_space<hbm>>) dst(%arg5 : memref<65130xf32, #tpu.memory_space<vmem>>)
      tpu.yield
    }) : () -> ()
    %jit3A = arith.constant 128 : i32
    %div3A = arith.divsi %mul3A_2, %jit3A : i32
    %sign3A = arith.constant 0 : i32
    %sign3A_3 = arith.cmpi sgt, %mul3A_2, %sign3A : i32
    %sign3A_4 = arith.extui %sign3A_3 : i1 to i32
    %sign3A_5 = arith.constant 0 : i32
    %sign3A_6 = arith.cmpi slt, %mul3A_2, %sign3A_5 : i32
    %sign3A_7 = arith.extui %sign3A_6 : i1 to i32
    %sign3A_8 = arith.subi %sign3A_4, %sign3A_7 : i32
    %sign3A_9 = arith.constant 0 : i32
    %sign3A_10 = arith.cmpi sgt, %jit3A, %sign3A_9 : i32
    %sign3A_11 = arith.extui %sign3A_10 : i1 to i32
    %sign3A_12 = arith.constant 0 : i32
    %sign3A_13 = arith.cmpi slt, %jit3A, %sign3A_12 : i32
    %sign3A_14 = arith.extui %sign3A_13 : i1 to i32
    %sign3A_15 = arith.subi %sign3A_11, %sign3A_14 : i32
    %ne3A = arith.cmpi ne, %sign3A_8, %sign3A_15 : i32
    %rem3A = arith.remsi %mul3A_2, %jit3A : i32
    %ne3A_16 = arith.constant 0 : i32
    %ne3A_17 = arith.cmpi ne, %rem3A, %ne3A_16 : i32
    %and3A = arith.andi %ne3A, %ne3A_17 : i1
    %sub3A = arith.constant 1 : i32
    %sub3A_18 = arith.subi %div3A, %sub3A : i32
    %select_n3A = arith.select %and3A, %sub3A_18, %div3A : i32
    %jit3A_19 = arith.constant 16 : i32
    %eq3A = arith.constant 0 : i32
    %eq3A_20 = arith.cmpi eq, %jit3A_19, %eq3A : i32
    %jit3A_21 = arith.constant 1 : i32
    %select_n3A_22 = arith.select %eq3A_20, %jit3A_21, %jit3A_19 : i32
    %rem3A_23 = arith.remsi %mul3A_2, %select_n3A_22 : i32
    %ne3A_24 = arith.constant 0 : i32
    %ne3A_25 = arith.cmpi ne, %rem3A_23, %ne3A_24 : i32
    %lt3A = arith.constant 0 : i32
    %lt3A_26 = arith.cmpi slt, %rem3A_23, %lt3A : i32
    %lt3A_27 = arith.constant 0 : i32
    %lt3A_28 = arith.cmpi slt, %select_n3A_22, %lt3A_27 : i32
    %ne3A_29 = arith.xori %lt3A_26, %lt3A_28 : i1
    %and3A_30 = arith.andi %ne3A_29, %ne3A_25 : i1
    %add3A_31 = arith.addi %rem3A_23, %select_n3A_22 : i32
    %select_n3A_32 = arith.select %and3A_30, %add3A_31, %rem3A_23 : i32
    %mul3A_33 = arith.constant 2 : i32
    %mul3A_34 = arith.muli %select_n3A_32, %mul3A_33 : i32
    %jit3A_35 = arith.constant 16 : i32
    %div3A_36 = arith.divsi %mul3A_2, %jit3A_35 : i32
    %sign3A_37 = arith.constant 0 : i32
    %sign3A_38 = arith.cmpi sgt, %mul3A_2, %sign3A_37 : i32
    %sign3A_39 = arith.extui %sign3A_38 : i1 to i32
    %sign3A_40 = arith.constant 0 : i32
    %sign3A_41 = arith.cmpi slt, %mul3A_2, %sign3A_40 : i32
    %sign3A_42 = arith.extui %sign3A_41 : i1 to i32
    %sign3A_43 = arith.subi %sign3A_39, %sign3A_42 : i32
    %sign3A_44 = arith.constant 0 : i32
    %sign3A_45 = arith.cmpi sgt, %jit3A_35, %sign3A_44 : i32
    %sign3A_46 = arith.extui %sign3A_45 : i1 to i32
    %sign3A_47 = arith.constant 0 : i32
    %sign3A_48 = arith.cmpi slt, %jit3A_35, %sign3A_47 : i32
    %sign3A_49 = arith.extui %sign3A_48 : i1 to i32
    %sign3A_50 = arith.subi %sign3A_46, %sign3A_49 : i32
    %ne3A_51 = arith.cmpi ne, %sign3A_43, %sign3A_50 : i32
    %rem3A_52 = arith.remsi %mul3A_2, %jit3A_35 : i32
    %ne3A_53 = arith.constant 0 : i32
    %ne3A_54 = arith.cmpi ne, %rem3A_52, %ne3A_53 : i32
    %and3A_55 = arith.andi %ne3A_51, %ne3A_54 : i1
    %sub3A_56 = arith.constant 1 : i32
    %sub3A_57 = arith.subi %div3A_36, %sub3A_56 : i32
    %select_n3A_58 = arith.select %and3A_55, %sub3A_57, %div3A_36 : i32
    %jit3A_59 = arith.constant 8 : i32
    %eq3A_60 = arith.constant 0 : i32
    %eq3A_61 = arith.cmpi eq, %jit3A_59, %eq3A_60 : i32
    %jit3A_62 = arith.constant 1 : i32
    %select_n3A_63 = arith.select %eq3A_61, %jit3A_62, %jit3A_59 : i32
    %rem3A_64 = arith.remsi %select_n3A_58, %select_n3A_63 : i32
    %ne3A_65 = arith.constant 0 : i32
    %ne3A_66 = arith.cmpi ne, %rem3A_64, %ne3A_65 : i32
    %lt3A_67 = arith.constant 0 : i32
    %lt3A_68 = arith.cmpi slt, %rem3A_64, %lt3A_67 : i32
    %lt3A_69 = arith.constant 0 : i32
    %lt3A_70 = arith.cmpi slt, %select_n3A_63, %lt3A_69 : i32
    %ne3A_71 = arith.xori %lt3A_68, %lt3A_70 : i1
    %and3A_72 = arith.andi %ne3A_71, %ne3A_66 : i1
    %add3A_73 = arith.addi %rem3A_64, %select_n3A_63 : i32
    %select_n3A_74 = arith.select %and3A_72, %add3A_73, %rem3A_64 : i32
    %run_scoped3A = arith.constant 0 : i32
    "tpu.region"() ({
      %run_scoped3A_199 = tpu.sem_alloc : memref<!tpu.dma_semaphore, #tpu.memory_space<semaphore_mem>>
      %dma_start3A_200 = arith.constant 0 : i32
      %dma_start3A_201 = arith.constant 0 : i32
      %dma_start3A_202 = tpu.memref_slice %arg7[%run_scoped3A, %dma_start3A_200, %dma_start3A_201] : memref<2x2x128xi32, #tpu.memory_space<vmem>> -> memref<1x2x128xi32, #tpu.memory_space<vmem>>
      %dma_start3A_203 = tpu.memref_squeeze %dma_start3A_202 : memref<1x2x128xi32, #tpu.memory_space<vmem>> -> memref<2x128xi32, #tpu.memory_space<vmem>>
      %dma_start3A_204 = arith.constant 0 : i32
      %dma_start3A_205 = tpu.memref_slice %arg2[%select_n3A, %mul3A_34, %select_n3A_74, %dma_start3A_204] : memref<25x32x8x128xi32, #tpu.memory_space<hbm>> -> memref<1x2x1x128xi32, #tpu.memory_space<hbm>>
      %dma_start3A_206 = tpu.memref_squeeze %dma_start3A_205 : memref<1x2x1x128xi32, #tpu.memory_space<hbm>> -> memref<2x128xi32, #tpu.memory_space<hbm>>
      %dma_start3A_207 = arith.constant 0 : i32
      %dma_start3A_208 = arith.constant 0 : i32
      %dma_start3A_209 = tpu.memref_slice %arg7[%run_scoped3A, %dma_start3A_207, %dma_start3A_208] : memref<2x2x128xi32, #tpu.memory_space<vmem>> -> memref<1x2x128xi32, #tpu.memory_space<vmem>>
      %dma_start3A_210 = tpu.memref_squeeze %dma_start3A_209 : memref<1x2x128xi32, #tpu.memory_space<vmem>> -> memref<2x128xi32, #tpu.memory_space<vmem>>
      %dma_start3A_211 = arith.constant 0 : i32
      %dma_start3A_212 = tpu.memref_slice %arg2[%select_n3A, %mul3A_34, %select_n3A_74, %dma_start3A_211] : memref<25x32x8x128xi32, #tpu.memory_space<hbm>> -> memref<1x2x1x128xi32, #tpu.memory_space<hbm>>
      %dma_start3A_213 = tpu.memref_squeeze %dma_start3A_212 : memref<1x2x1x128xi32, #tpu.memory_space<hbm>> -> memref<2x128xi32, #tpu.memory_space<hbm>>
      tpu.enqueue_dma source(%dma_start3A_213 : memref<2x128xi32, #tpu.memory_space<hbm>>) target(%dma_start3A_210 : memref<2x128xi32, #tpu.memory_space<vmem>>) target_semaphore(%run_scoped3A_199 : memref<!tpu.dma_semaphore, #tpu.memory_space<semaphore_mem>>)
      %dma_wait3A_214 = arith.constant 0 : i32
      %dma_wait3A_215 = arith.constant 0 : i32
      %dma_wait3A_216 = tpu.memref_slice %arg7[%run_scoped3A, %dma_wait3A_214, %dma_wait3A_215] : memref<2x2x128xi32, #tpu.memory_space<vmem>> -> memref<1x2x128xi32, #tpu.memory_space<vmem>>
      %dma_wait3A_217 = tpu.memref_squeeze %dma_wait3A_216 : memref<1x2x128xi32, #tpu.memory_space<vmem>> -> memref<2x128xi32, #tpu.memory_space<vmem>>
      %dma_wait3A_218 = arith.constant 0 : i32
      %dma_wait3A_219 = tpu.memref_slice %arg2[%select_n3A, %mul3A_34, %select_n3A_74, %dma_wait3A_218] : memref<25x32x8x128xi32, #tpu.memory_space<hbm>> -> memref<1x2x1x128xi32, #tpu.memory_space<hbm>>
      %dma_wait3A_220 = tpu.memref_squeeze %dma_wait3A_219 : memref<1x2x1x128xi32, #tpu.memory_space<hbm>> -> memref<2x128xi32, #tpu.memory_space<hbm>>
      %dma_wait3A_221 = arith.constant 0 : i32
      %dma_wait3A_222 = arith.constant 0 : i32
      %dma_wait3A_223 = tpu.memref_slice %arg7[%run_scoped3A, %dma_wait3A_221, %dma_wait3A_222] : memref<2x2x128xi32, #tpu.memory_space<vmem>> -> memref<1x2x128xi32, #tpu.memory_space<vmem>>
      %dma_wait3A_224 = tpu.memref_squeeze %dma_wait3A_223 : memref<1x2x128xi32, #tpu.memory_space<vmem>> -> memref<2x128xi32, #tpu.memory_space<vmem>>
      %dma_wait3A_225 = arith.constant 0 : i32
      %dma_wait3A_226 = tpu.memref_slice %arg2[%select_n3A, %mul3A_34, %select_n3A_74, %dma_wait3A_225] : memref<25x32x8x128xi32, #tpu.memory_space<hbm>> -> memref<1x2x1x128xi32, #tpu.memory_space<hbm>>
      %dma_wait3A_227 = tpu.memref_squeeze %dma_wait3A_226 : memref<1x2x1x128xi32, #tpu.memory_space<hbm>> -> memref<2x128xi32, #tpu.memory_space<hbm>>
      tpu.wait_dma2 semaphore(%run_scoped3A_199 : memref<!tpu.dma_semaphore, #tpu.memory_space<semaphore_mem>>) src(%dma_wait3A_227 : memref<2x128xi32, #tpu.memory_space<hbm>>) dst(%dma_wait3A_224 : memref<2x128xi32, #tpu.memory_space<vmem>>)
      tpu.yield
    }) : () -> ()
    %add3A_75 = arith.constant 1 : i32
    %add3A_76 = arith.addi %mul3A_2, %add3A_75 : i32
    %jit3A_77 = arith.constant 128 : i32
    %div3A_78 = arith.divsi %add3A_76, %jit3A_77 : i32
    %sign3A_79 = arith.constant 0 : i32
    %sign3A_80 = arith.cmpi sgt, %add3A_76, %sign3A_79 : i32
    %sign3A_81 = arith.extui %sign3A_80 : i1 to i32
    %sign3A_82 = arith.constant 0 : i32
    %sign3A_83 = arith.cmpi slt, %add3A_76, %sign3A_82 : i32
    %sign3A_84 = arith.extui %sign3A_83 : i1 to i32
    %sign3A_85 = arith.subi %sign3A_81, %sign3A_84 : i32
    %sign3A_86 = arith.constant 0 : i32
    %sign3A_87 = arith.cmpi sgt, %jit3A_77, %sign3A_86 : i32
    %sign3A_88 = arith.extui %sign3A_87 : i1 to i32
    %sign3A_89 = arith.constant 0 : i32
    %sign3A_90 = arith.cmpi slt, %jit3A_77, %sign3A_89 : i32
    %sign3A_91 = arith.extui %sign3A_90 : i1 to i32
    %sign3A_92 = arith.subi %sign3A_88, %sign3A_91 : i32
    %ne3A_93 = arith.cmpi ne, %sign3A_85, %sign3A_92 : i32
    %rem3A_94 = arith.remsi %add3A_76, %jit3A_77 : i32
    %ne3A_95 = arith.constant 0 : i32
    %ne3A_96 = arith.cmpi ne, %rem3A_94, %ne3A_95 : i32
    %and3A_97 = arith.andi %ne3A_93, %ne3A_96 : i1
    %sub3A_98 = arith.constant 1 : i32
    %sub3A_99 = arith.subi %div3A_78, %sub3A_98 : i32
    %select_n3A_100 = arith.select %and3A_97, %sub3A_99, %div3A_78 : i32
    %jit3A_101 = arith.constant 16 : i32
    %eq3A_102 = arith.constant 0 : i32
    %eq3A_103 = arith.cmpi eq, %jit3A_101, %eq3A_102 : i32
    %jit3A_104 = arith.constant 1 : i32
    %select_n3A_105 = arith.select %eq3A_103, %jit3A_104, %jit3A_101 : i32
    %rem3A_106 = arith.remsi %add3A_76, %select_n3A_105 : i32
    %ne3A_107 = arith.constant 0 : i32
    %ne3A_108 = arith.cmpi ne, %rem3A_106, %ne3A_107 : i32
    %lt3A_109 = arith.constant 0 : i32
    %lt3A_110 = arith.cmpi slt, %rem3A_106, %lt3A_109 : i32
    %lt3A_111 = arith.constant 0 : i32
    %lt3A_112 = arith.cmpi slt, %select_n3A_105, %lt3A_111 : i32
    %ne3A_113 = arith.xori %lt3A_110, %lt3A_112 : i1
    %and3A_114 = arith.andi %ne3A_113, %ne3A_108 : i1
    %add3A_115 = arith.addi %rem3A_106, %select_n3A_105 : i32
    %select_n3A_116 = arith.select %and3A_114, %add3A_115, %rem3A_106 : i32
    %mul3A_117 = arith.constant 2 : i32
    %mul3A_118 = arith.muli %select_n3A_116, %mul3A_117 : i32
    %jit3A_119 = arith.constant 16 : i32
    %div3A_120 = arith.divsi %add3A_76, %jit3A_119 : i32
    %sign3A_121 = arith.constant 0 : i32
    %sign3A_122 = arith.cmpi sgt, %add3A_76, %sign3A_121 : i32
    %sign3A_123 = arith.extui %sign3A_122 : i1 to i32
    %sign3A_124 = arith.constant 0 : i32
    %sign3A_125 = arith.cmpi slt, %add3A_76, %sign3A_124 : i32
    %sign3A_126 = arith.extui %sign3A_125 : i1 to i32
    %sign3A_127 = arith.subi %sign3A_123, %sign3A_126 : i32
    %sign3A_128 = arith.constant 0 : i32
    %sign3A_129 = arith.cmpi sgt, %jit3A_119, %sign3A_128 : i32
    %sign3A_130 = arith.extui %sign3A_129 : i1 to i32
    %sign3A_131 = arith.constant 0 : i32
    %sign3A_132 = arith.cmpi slt, %jit3A_119, %sign3A_131 : i32
    %sign3A_133 = arith.extui %sign3A_132 : i1 to i32
    %sign3A_134 = arith.subi %sign3A_130, %sign3A_133 : i32
    %ne3A_135 = arith.cmpi ne, %sign3A_127, %sign3A_134 : i32
    %rem3A_136 = arith.remsi %add3A_76, %jit3A_119 : i32
    %ne3A_137 = arith.constant 0 : i32
    %ne3A_138 = arith.cmpi ne, %rem3A_136, %ne3A_137 : i32
    %and3A_139 = arith.andi %ne3A_135, %ne3A_138 : i1
    %sub3A_140 = arith.constant 1 : i32
    %sub3A_141 = arith.subi %div3A_120, %sub3A_140 : i32
    %select_n3A_142 = arith.select %and3A_139, %sub3A_141, %div3A_120 : i32
    %jit3A_143 = arith.constant 8 : i32
    %eq3A_144 = arith.constant 0 : i32
    %eq3A_145 = arith.cmpi eq, %jit3A_143, %eq3A_144 : i32
    %jit3A_146 = arith.constant 1 : i32
    %select_n3A_147 = arith.select %eq3A_145, %jit3A_146, %jit3A_143 : i32
    %rem3A_148 = arith.remsi %select_n3A_142, %select_n3A_147 : i32
    %ne3A_149 = arith.constant 0 : i32
    %ne3A_150 = arith.cmpi ne, %rem3A_148, %ne3A_149 : i32
    %lt3A_151 = arith.constant 0 : i32
    %lt3A_152 = arith.cmpi slt, %rem3A_148, %lt3A_151 : i32
    %lt3A_153 = arith.constant 0 : i32
    %lt3A_154 = arith.cmpi slt, %select_n3A_147, %lt3A_153 : i32
    %ne3A_155 = arith.xori %lt3A_152, %lt3A_154 : i1
    %and3A_156 = arith.andi %ne3A_155, %ne3A_150 : i1
    %add3A_157 = arith.addi %rem3A_148, %select_n3A_147 : i32
    %select_n3A_158 = arith.select %and3A_156, %add3A_157, %rem3A_148 : i32
    %dma_start3A = arith.constant 1 : i32
    %dma_start3A_159 = arith.constant 0 : i32
    %dma_start3A_160 = arith.constant 0 : i32
    %dma_start3A_161 = tpu.memref_slice %arg7[%dma_start3A, %dma_start3A_159, %dma_start3A_160] : memref<2x2x128xi32, #tpu.memory_space<vmem>> -> memref<1x2x128xi32, #tpu.memory_space<vmem>>
    %dma_start3A_162 = tpu.memref_squeeze %dma_start3A_161 : memref<1x2x128xi32, #tpu.memory_space<vmem>> -> memref<2x128xi32, #tpu.memory_space<vmem>>
    %dma_start3A_163 = arith.constant 0 : i32
    %dma_start3A_164 = tpu.memref_slice %arg2[%select_n3A_100, %mul3A_118, %select_n3A_158, %dma_start3A_163] : memref<25x32x8x128xi32, #tpu.memory_space<hbm>> -> memref<1x2x1x128xi32, #tpu.memory_space<hbm>>
    %dma_start3A_165 = tpu.memref_squeeze %dma_start3A_164 : memref<1x2x1x128xi32, #tpu.memory_space<hbm>> -> memref<2x128xi32, #tpu.memory_space<hbm>>
    %dma_start3A_166 = arith.constant 0 : i32
    %dma_start3A_167 = arith.constant 0 : i32
    %dma_start3A_168 = tpu.memref_slice %arg7[%dma_start3A, %dma_start3A_166, %dma_start3A_167] : memref<2x2x128xi32, #tpu.memory_space<vmem>> -> memref<1x2x128xi32, #tpu.memory_space<vmem>>
    %dma_start3A_169 = tpu.memref_squeeze %dma_start3A_168 : memref<1x2x128xi32, #tpu.memory_space<vmem>> -> memref<2x128xi32, #tpu.memory_space<vmem>>
    %dma_start3A_170 = arith.constant 0 : i32
    %dma_start3A_171 = tpu.memref_slice %arg2[%select_n3A_100, %mul3A_118, %select_n3A_158, %dma_start3A_170] : memref<25x32x8x128xi32, #tpu.memory_space<hbm>> -> memref<1x2x1x128xi32, #tpu.memory_space<hbm>>
    %dma_start3A_172 = tpu.memref_squeeze %dma_start3A_171 : memref<1x2x1x128xi32, #tpu.memory_space<hbm>> -> memref<2x128xi32, #tpu.memory_space<hbm>>
    tpu.enqueue_dma source(%dma_start3A_172 : memref<2x128xi32, #tpu.memory_space<hbm>>) target(%dma_start3A_169 : memref<2x128xi32, #tpu.memory_space<vmem>>) target_semaphore(%arg9 : memref<!tpu.dma_semaphore, #tpu.memory_space<semaphore_mem>>)
    %scan3A = arith.constant 0 : i32
    %scan3A_173 = arith.constant 0 : i32
    %scan3A_174 = arith.constant 100 : i32
    %scan3A_175 = arith.addi %scan3A_173, %scan3A_174 : i32
    %scan3A_176 = arith.constant 1 : i32
    scf.for %scan3A_199 = %scan3A_173 to %scan3A_175 step %scan3A_176  : i32 {
      %add3A_200 = arith.addi %mul3A_2, %scan3A_199 : i32
      %jit3A_201 = arith.constant 2 : i32
      %eq3A_202 = arith.constant 0 : i32
      %eq3A_203 = arith.cmpi eq, %jit3A_201, %eq3A_202 : i32
      %jit3A_204 = arith.constant 1 : i32
      %select_n3A_205 = arith.select %eq3A_203, %jit3A_204, %jit3A_201 : i32
      %rem3A_206 = arith.remsi %scan3A_199, %select_n3A_205 : i32
      %ne3A_207 = arith.constant 0 : i32
      %ne3A_208 = arith.cmpi ne, %rem3A_206, %ne3A_207 : i32
      %lt3A_209 = arith.constant 0 : i32
      %lt3A_210 = arith.cmpi slt, %rem3A_206, %lt3A_209 : i32
      %lt3A_211 = arith.constant 0 : i32
      %lt3A_212 = arith.cmpi slt, %select_n3A_205, %lt3A_211 : i32
      %ne3A_213 = arith.xori %lt3A_210, %lt3A_212 : i1
      %and3A_214 = arith.andi %ne3A_213, %ne3A_208 : i1
      %add3A_215 = arith.addi %rem3A_206, %select_n3A_205 : i32
      %select_n3A_216 = arith.select %and3A_214, %add3A_215, %rem3A_206 : i32
      %jit3A_217 = arith.constant 16 : i32
      %div3A_218 = arith.divsi %add3A_200, %jit3A_217 : i32
      %sign3A_219 = arith.constant 0 : i32
      %sign3A_220 = arith.cmpi sgt, %add3A_200, %sign3A_219 : i32
      %sign3A_221 = arith.extui %sign3A_220 : i1 to i32
      %sign3A_222 = arith.constant 0 : i32
      %sign3A_223 = arith.cmpi slt, %add3A_200, %sign3A_222 : i32
      %sign3A_224 = arith.extui %sign3A_223 : i1 to i32
      %sign3A_225 = arith.subi %sign3A_221, %sign3A_224 : i32
      %sign3A_226 = arith.constant 0 : i32
      %sign3A_227 = arith.cmpi sgt, %jit3A_217, %sign3A_226 : i32
      %sign3A_228 = arith.extui %sign3A_227 : i1 to i32
      %sign3A_229 = arith.constant 0 : i32
      %sign3A_230 = arith.cmpi slt, %jit3A_217, %sign3A_229 : i32
      %sign3A_231 = arith.extui %sign3A_230 : i1 to i32
      %sign3A_232 = arith.subi %sign3A_228, %sign3A_231 : i32
      %ne3A_233 = arith.cmpi ne, %sign3A_225, %sign3A_232 : i32
      %rem3A_234 = arith.remsi %add3A_200, %jit3A_217 : i32
      %ne3A_235 = arith.constant 0 : i32
      %ne3A_236 = arith.cmpi ne, %rem3A_234, %ne3A_235 : i32
      %and3A_237 = arith.andi %ne3A_233, %ne3A_236 : i1
      %sub3A_238 = arith.constant 1 : i32
      %sub3A_239 = arith.subi %div3A_218, %sub3A_238 : i32
      %select_n3A_240 = arith.select %and3A_237, %sub3A_239, %div3A_218 : i32
      %jit3A_241 = arith.constant 16 : i32
      %eq3A_242 = arith.constant 0 : i32
      %eq3A_243 = arith.cmpi eq, %jit3A_241, %eq3A_242 : i32
      %jit3A_244 = arith.constant 1 : i32
      %select_n3A_245 = arith.select %eq3A_243, %jit3A_244, %jit3A_241 : i32
      %rem3A_246 = arith.remsi %add3A_200, %select_n3A_245 : i32
      %ne3A_247 = arith.constant 0 : i32
      %ne3A_248 = arith.cmpi ne, %rem3A_246, %ne3A_247 : i32
      %lt3A_249 = arith.constant 0 : i32
      %lt3A_250 = arith.cmpi slt, %rem3A_246, %lt3A_249 : i32
      %lt3A_251 = arith.constant 0 : i32
      %lt3A_252 = arith.cmpi slt, %select_n3A_245, %lt3A_251 : i32
      %ne3A_253 = arith.xori %lt3A_250, %lt3A_252 : i1
      %and3A_254 = arith.andi %ne3A_253, %ne3A_248 : i1
      %add3A_255 = arith.addi %rem3A_246, %select_n3A_245 : i32
      %select_n3A_256 = arith.select %and3A_254, %add3A_255, %rem3A_246 : i32
      %mul3A_257 = arith.constant 256 : i32
      %mul3A_258 = arith.muli %select_n3A_256, %mul3A_257 : i32
      %ge3A = arith.constant 1 : i32
      %ge3A_259 = arith.cmpi sge, %scan3A_199, %ge3A : i32
      %convert_element_type3A = arith.extui %ge3A_259 : i1 to i32
      %cond3A = arith.constant 0 : i32
      %cond3A_260 = arith.cmpi ne, %convert_element_type3A, %cond3A : i32
      scf.if %cond3A_260 {
        %jit3A_360 = arith.constant 128 : i32
        %div3A_361 = arith.divsi %add3A_200, %jit3A_360 : i32
        %sign3A_362 = arith.constant 0 : i32
        %sign3A_363 = arith.cmpi sgt, %add3A_200, %sign3A_362 : i32
        %sign3A_364 = arith.extui %sign3A_363 : i1 to i32
        %sign3A_365 = arith.constant 0 : i32
        %sign3A_366 = arith.cmpi slt, %add3A_200, %sign3A_365 : i32
        %sign3A_367 = arith.extui %sign3A_366 : i1 to i32
        %sign3A_368 = arith.subi %sign3A_364, %sign3A_367 : i32
        %sign3A_369 = arith.constant 0 : i32
        %sign3A_370 = arith.cmpi sgt, %jit3A_360, %sign3A_369 : i32
        %sign3A_371 = arith.extui %sign3A_370 : i1 to i32
        %sign3A_372 = arith.constant 0 : i32
        %sign3A_373 = arith.cmpi slt, %jit3A_360, %sign3A_372 : i32
        %sign3A_374 = arith.extui %sign3A_373 : i1 to i32
        %sign3A_375 = arith.subi %sign3A_371, %sign3A_374 : i32
        %ne3A_376 = arith.cmpi ne, %sign3A_368, %sign3A_375 : i32
        %rem3A_377 = arith.remsi %add3A_200, %jit3A_360 : i32
        %ne3A_378 = arith.constant 0 : i32
        %ne3A_379 = arith.cmpi ne, %rem3A_377, %ne3A_378 : i32
        %and3A_380 = arith.andi %ne3A_376, %ne3A_379 : i1
        %sub3A_381 = arith.constant 1 : i32
        %sub3A_382 = arith.subi %div3A_361, %sub3A_381 : i32
        %select_n3A_383 = arith.select %and3A_380, %sub3A_382, %div3A_361 : i32
        %jit3A_384 = arith.constant 16 : i32
        %eq3A_385 = arith.constant 0 : i32
        %eq3A_386 = arith.cmpi eq, %jit3A_384, %eq3A_385 : i32
        %jit3A_387 = arith.constant 1 : i32
        %select_n3A_388 = arith.select %eq3A_386, %jit3A_387, %jit3A_384 : i32
        %rem3A_389 = arith.remsi %add3A_200, %select_n3A_388 : i32
        %ne3A_390 = arith.constant 0 : i32
        %ne3A_391 = arith.cmpi ne, %rem3A_389, %ne3A_390 : i32
        %lt3A_392 = arith.constant 0 : i32
        %lt3A_393 = arith.cmpi slt, %rem3A_389, %lt3A_392 : i32
        %lt3A_394 = arith.constant 0 : i32
        %lt3A_395 = arith.cmpi slt, %select_n3A_388, %lt3A_394 : i32
        %ne3A_396 = arith.xori %lt3A_393, %lt3A_395 : i1
        %and3A_397 = arith.andi %ne3A_396, %ne3A_391 : i1
        %add3A_398 = arith.addi %rem3A_389, %select_n3A_388 : i32
        %select_n3A_399 = arith.select %and3A_397, %add3A_398, %rem3A_389 : i32
        %mul3A_400 = arith.constant 2 : i32
        %mul3A_401 = arith.muli %select_n3A_399, %mul3A_400 : i32
        %jit3A_402 = arith.constant 16 : i32
        %div3A_403 = arith.divsi %add3A_200, %jit3A_402 : i32
        %sign3A_404 = arith.constant 0 : i32
        %sign3A_405 = arith.cmpi sgt, %add3A_200, %sign3A_404 : i32
        %sign3A_406 = arith.extui %sign3A_405 : i1 to i32
        %sign3A_407 = arith.constant 0 : i32
        %sign3A_408 = arith.cmpi slt, %add3A_200, %sign3A_407 : i32
        %sign3A_409 = arith.extui %sign3A_408 : i1 to i32
        %sign3A_410 = arith.subi %sign3A_406, %sign3A_409 : i32
        %sign3A_411 = arith.constant 0 : i32
        %sign3A_412 = arith.cmpi sgt, %jit3A_402, %sign3A_411 : i32
        %sign3A_413 = arith.extui %sign3A_412 : i1 to i32
        %sign3A_414 = arith.constant 0 : i32
        %sign3A_415 = arith.cmpi slt, %jit3A_402, %sign3A_414 : i32
        %sign3A_416 = arith.extui %sign3A_415 : i1 to i32
        %sign3A_417 = arith.subi %sign3A_413, %sign3A_416 : i32
        %ne3A_418 = arith.cmpi ne, %sign3A_410, %sign3A_417 : i32
        %rem3A_419 = arith.remsi %add3A_200, %jit3A_402 : i32
        %ne3A_420 = arith.constant 0 : i32
        %ne3A_421 = arith.cmpi ne, %rem3A_419, %ne3A_420 : i32
        %and3A_422 = arith.andi %ne3A_418, %ne3A_421 : i1
        %sub3A_423 = arith.constant 1 : i32
        %sub3A_424 = arith.subi %div3A_403, %sub3A_423 : i32
        %select_n3A_425 = arith.select %and3A_422, %sub3A_424, %div3A_403 : i32
        %jit3A_426 = arith.constant 8 : i32
        %eq3A_427 = arith.constant 0 : i32
        %eq3A_428 = arith.cmpi eq, %jit3A_426, %eq3A_427 : i32
        %jit3A_429 = arith.constant 1 : i32
        %select_n3A_430 = arith.select %eq3A_428, %jit3A_429, %jit3A_426 : i32
        %rem3A_431 = arith.remsi %select_n3A_425, %select_n3A_430 : i32
        %ne3A_432 = arith.constant 0 : i32
        %ne3A_433 = arith.cmpi ne, %rem3A_431, %ne3A_432 : i32
        %lt3A_434 = arith.constant 0 : i32
        %lt3A_435 = arith.cmpi slt, %rem3A_431, %lt3A_434 : i32
        %lt3A_436 = arith.constant 0 : i32
        %lt3A_437 = arith.cmpi slt, %select_n3A_430, %lt3A_436 : i32
        %ne3A_438 = arith.xori %lt3A_435, %lt3A_437 : i1
        %and3A_439 = arith.andi %ne3A_438, %ne3A_433 : i1
        %add3A_440 = arith.addi %rem3A_431, %select_n3A_430 : i32
        %select_n3A_441 = arith.select %and3A_439, %add3A_440, %rem3A_431 : i32
        %dma_wait3A_442 = arith.constant 0 : i32
        %dma_wait3A_443 = arith.constant 0 : i32
        %dma_wait3A_444 = tpu.memref_slice %arg7[%select_n3A_216, %dma_wait3A_442, %dma_wait3A_443] : memref<2x2x128xi32, #tpu.memory_space<vmem>> -> memref<1x2x128xi32, #tpu.memory_space<vmem>>
        %dma_wait3A_445 = tpu.memref_squeeze %dma_wait3A_444 : memref<1x2x128xi32, #tpu.memory_space<vmem>> -> memref<2x128xi32, #tpu.memory_space<vmem>>
        %dma_wait3A_446 = arith.constant 0 : i32
        %dma_wait3A_447 = tpu.memref_slice %arg2[%select_n3A_383, %mul3A_401, %select_n3A_441, %dma_wait3A_446] : memref<25x32x8x128xi32, #tpu.memory_space<hbm>> -> memref<1x2x1x128xi32, #tpu.memory_space<hbm>>
        %dma_wait3A_448 = tpu.memref_squeeze %dma_wait3A_447 : memref<1x2x1x128xi32, #tpu.memory_space<hbm>> -> memref<2x128xi32, #tpu.memory_space<hbm>>
        %dma_wait3A_449 = arith.constant 0 : i32
        %dma_wait3A_450 = arith.constant 0 : i32
        %dma_wait3A_451 = tpu.memref_slice %arg7[%select_n3A_216, %dma_wait3A_449, %dma_wait3A_450] : memref<2x2x128xi32, #tpu.memory_space<vmem>> -> memref<1x2x128xi32, #tpu.memory_space<vmem>>
        %dma_wait3A_452 = tpu.memref_squeeze %dma_wait3A_451 : memref<1x2x128xi32, #tpu.memory_space<vmem>> -> memref<2x128xi32, #tpu.memory_space<vmem>>
        %dma_wait3A_453 = arith.constant 0 : i32
        %dma_wait3A_454 = tpu.memref_slice %arg2[%select_n3A_383, %mul3A_401, %select_n3A_441, %dma_wait3A_453] : memref<25x32x8x128xi32, #tpu.memory_space<hbm>> -> memref<1x2x1x128xi32, #tpu.memory_space<hbm>>
        %dma_wait3A_455 = tpu.memref_squeeze %dma_wait3A_454 : memref<1x2x1x128xi32, #tpu.memory_space<hbm>> -> memref<2x128xi32, #tpu.memory_space<hbm>>
        tpu.wait_dma2 semaphore(%arg9 : memref<!tpu.dma_semaphore, #tpu.memory_space<semaphore_mem>>) src(%dma_wait3A_455 : memref<2x128xi32, #tpu.memory_space<hbm>>) dst(%dma_wait3A_452 : memref<2x128xi32, #tpu.memory_space<vmem>>)
      } else {
      }
      %ge3A_261 = arith.constant 2 : i32
      %ge3A_262 = arith.cmpi sge, %scan3A_199, %ge3A_261 : i32
      %convert_element_type3A_263 = arith.extui %ge3A_262 : i1 to i32
      %cond3A_264 = arith.constant 0 : i32
      %cond3A_265 = arith.cmpi ne, %convert_element_type3A_263, %cond3A_264 : i32
      scf.if %cond3A_265 {
        %dma_wait3A_360 = arith.constant 0 : i32
        %dma_wait3A_361 = tpu.memref_slice %arg6[%select_n3A_216, %dma_wait3A_360] : memref<2x16384xf32, #tpu.memory_space<vmem>> -> memref<1x16384xf32, #tpu.memory_space<vmem>>
        %dma_wait3A_362 = tpu.memref_squeeze %dma_wait3A_361 : memref<1x16384xf32, #tpu.memory_space<vmem>> -> memref<16384xf32, #tpu.memory_space<vmem>>
        %dma_wait3A_363 = arith.constant 0 : i32
        %dma_wait3A_364 = tpu.memref_slice %arg4[%dma_wait3A_363] : memref<52428800xf32, #tpu.memory_space<hbm>> -> memref<16384xf32, #tpu.memory_space<hbm>>
        %dma_wait3A_365 = arith.constant 0 : i32
        %dma_wait3A_366 = tpu.memref_slice %arg4[%dma_wait3A_365] : memref<52428800xf32, #tpu.memory_space<hbm>> -> memref<16384xf32, #tpu.memory_space<hbm>>
        %dma_wait3A_367 = arith.constant 0 : i32
        %dma_wait3A_368 = tpu.memref_slice %arg6[%select_n3A_216, %dma_wait3A_367] : memref<2x16384xf32, #tpu.memory_space<vmem>> -> memref<1x16384xf32, #tpu.memory_space<vmem>>
        %dma_wait3A_369 = tpu.memref_squeeze %dma_wait3A_368 : memref<1x16384xf32, #tpu.memory_space<vmem>> -> memref<16384xf32, #tpu.memory_space<vmem>>
        tpu.wait_dma2 semaphore(%arg8 : memref<!tpu.dma_semaphore, #tpu.memory_space<semaphore_mem>>) src(%dma_wait3A_369 : memref<16384xf32, #tpu.memory_space<vmem>>) dst(%dma_wait3A_366 : memref<16384xf32, #tpu.memory_space<hbm>>)
      } else {
      }
      %parallel_loop3A = arith.constant 0 : i32
      %parallel_loop3A_266 = arith.constant 16 : i32
      %parallel_loop3A_267 = arith.constant 1 : i32
      scf.for %parallel_loop3A_360 = %parallel_loop3A to %parallel_loop3A_266 step %parallel_loop3A_267  : i32 {
        %parallel_loop3A_361 = arith.constant 16 : i32
        %parallel_loop3A_362 = arith.muli %parallel_loop3A_360, %parallel_loop3A_361 : i32
        %parallel_loop3A_363 = arith.constant 128 : i32
        %parallel_loop3A_364 = arith.divsi %parallel_loop3A_362, %parallel_loop3A_363 : i32
        %parallel_loop3A_365 = arith.constant 0 : i32
        %parallel_loop3A_366 = arith.cmpi sgt, %parallel_loop3A_362, %parallel_loop3A_365 : i32
        %parallel_loop3A_367 = arith.extui %parallel_loop3A_366 : i1 to i32
        %parallel_loop3A_368 = arith.constant 0 : i32
        %parallel_loop3A_369 = arith.cmpi slt, %parallel_loop3A_362, %parallel_loop3A_368 : i32
        %parallel_loop3A_370 = arith.extui %parallel_loop3A_369 : i1 to i32
        %parallel_loop3A_371 = arith.subi %parallel_loop3A_367, %parallel_loop3A_370 : i32
        %parallel_loop3A_372 = arith.constant 0 : i32
        %parallel_loop3A_373 = arith.cmpi sgt, %parallel_loop3A_363, %parallel_loop3A_372 : i32
        %parallel_loop3A_374 = arith.extui %parallel_loop3A_373 : i1 to i32
        %parallel_loop3A_375 = arith.constant 0 : i32
        %parallel_loop3A_376 = arith.cmpi slt, %parallel_loop3A_363, %parallel_loop3A_375 : i32
        %parallel_loop3A_377 = arith.extui %parallel_loop3A_376 : i1 to i32
        %parallel_loop3A_378 = arith.subi %parallel_loop3A_374, %parallel_loop3A_377 : i32
        %parallel_loop3A_379 = arith.cmpi ne, %parallel_loop3A_371, %parallel_loop3A_378 : i32
        %parallel_loop3A_380 = arith.remsi %parallel_loop3A_362, %parallel_loop3A_363 : i32
        %parallel_loop3A_381 = arith.constant 0 : i32
        %parallel_loop3A_382 = arith.cmpi ne, %parallel_loop3A_380, %parallel_loop3A_381 : i32
        %parallel_loop3A_383 = arith.andi %parallel_loop3A_379, %parallel_loop3A_382 : i1
        %parallel_loop3A_384 = arith.constant 1 : i32
        %parallel_loop3A_385 = arith.subi %parallel_loop3A_364, %parallel_loop3A_384 : i32
        %parallel_loop3A_386 = arith.select %parallel_loop3A_383, %parallel_loop3A_385, %parallel_loop3A_364 : i32
        %parallel_loop3A_387 = arith.constant 128 : i32
        %parallel_loop3A_388 = arith.constant 0 : i32
        %parallel_loop3A_389 = arith.cmpi eq, %parallel_loop3A_387, %parallel_loop3A_388 : i32
        %parallel_loop3A_390 = arith.constant 1 : i32
        %parallel_loop3A_391 = arith.select %parallel_loop3A_389, %parallel_loop3A_390, %parallel_loop3A_387 : i32
        %parallel_loop3A_392 = arith.remsi %parallel_loop3A_362, %parallel_loop3A_391 : i32
        %parallel_loop3A_393 = arith.constant 0 : i32
        %parallel_loop3A_394 = arith.cmpi ne, %parallel_loop3A_392, %parallel_loop3A_393 : i32
        %parallel_loop3A_395 = arith.constant 0 : i32
        %parallel_loop3A_396 = arith.cmpi slt, %parallel_loop3A_392, %parallel_loop3A_395 : i32
        %parallel_loop3A_397 = arith.constant 0 : i32
        %parallel_loop3A_398 = arith.cmpi slt, %parallel_loop3A_391, %parallel_loop3A_397 : i32
        %parallel_loop3A_399 = arith.xori %parallel_loop3A_396, %parallel_loop3A_398 : i1
        %parallel_loop3A_400 = arith.andi %parallel_loop3A_399, %parallel_loop3A_394 : i1
        %parallel_loop3A_401 = arith.addi %parallel_loop3A_392, %parallel_loop3A_391 : i32
        %parallel_loop3A_402 = arith.select %parallel_loop3A_400, %parallel_loop3A_401, %parallel_loop3A_392 : i32
        %parallel_loop3A_403 = arith.index_cast %select_n3A_216 : i32 to index
        %parallel_loop3A_404 = arith.index_cast %parallel_loop3A_386 : i32 to index
        %parallel_loop3A_405 = arith.index_cast %parallel_loop3A_402 : i32 to index
        %parallel_loop3A_406 = tpu.vector_load %arg7[%parallel_loop3A_403, %parallel_loop3A_404, %parallel_loop3A_405] {strides = array<i32>} : memref<2x2x128xi32, #tpu.memory_space<vmem>>, vector<16xi32>,
        %parallel_loop3A_407 = arith.constant 65 : i32
        %parallel_loop3A_408 = vector.broadcast %parallel_loop3A_407 : i32 to vector<16xi32>
        %parallel_loop3A_409 = arith.muli %parallel_loop3A_406, %parallel_loop3A_408 : vector<16xi32>
        %parallel_loop3A_410 = arith.constant 128 : i32
        %parallel_loop3A_411 = arith.divsi %parallel_loop3A_362, %parallel_loop3A_410 : i32
        %parallel_loop3A_412 = arith.constant 0 : i32
        %parallel_loop3A_413 = arith.cmpi sgt, %parallel_loop3A_362, %parallel_loop3A_412 : i32
        %parallel_loop3A_414 = arith.extui %parallel_loop3A_413 : i1 to i32
        %parallel_loop3A_415 = arith.constant 0 : i32
        %parallel_loop3A_416 = arith.cmpi slt, %parallel_loop3A_362, %parallel_loop3A_415 : i32
        %parallel_loop3A_417 = arith.extui %parallel_loop3A_416 : i1 to i32
        %parallel_loop3A_418 = arith.subi %parallel_loop3A_414, %parallel_loop3A_417 : i32
        %parallel_loop3A_419 = arith.constant 0 : i32
        %parallel_loop3A_420 = arith.cmpi sgt, %parallel_loop3A_410, %parallel_loop3A_419 : i32
        %parallel_loop3A_421 = arith.extui %parallel_loop3A_420 : i1 to i32
        %parallel_loop3A_422 = arith.constant 0 : i32
        %parallel_loop3A_423 = arith.cmpi slt, %parallel_loop3A_410, %parallel_loop3A_422 : i32
        %parallel_loop3A_424 = arith.extui %parallel_loop3A_423 : i1 to i32
        %parallel_loop3A_425 = arith.subi %parallel_loop3A_421, %parallel_loop3A_424 : i32
        %parallel_loop3A_426 = arith.cmpi ne, %parallel_loop3A_418, %parallel_loop3A_425 : i32
        %parallel_loop3A_427 = arith.remsi %parallel_loop3A_362, %parallel_loop3A_410 : i32
        %parallel_loop3A_428 = arith.constant 0 : i32
        %parallel_loop3A_429 = arith.cmpi ne, %parallel_loop3A_427, %parallel_loop3A_428 : i32
        %parallel_loop3A_430 = arith.andi %parallel_loop3A_426, %parallel_loop3A_429 : i1
        %parallel_loop3A_431 = arith.constant 1 : i32
        %parallel_loop3A_432 = arith.subi %parallel_loop3A_411, %parallel_loop3A_431 : i32
        %parallel_loop3A_433 = arith.select %parallel_loop3A_430, %parallel_loop3A_432, %parallel_loop3A_411 : i32
        %parallel_loop3A_434 = arith.constant 1024 : i32
        %parallel_loop3A_435 = arith.muli %parallel_loop3A_433, %parallel_loop3A_434 : i32
        %parallel_loop3A_436 = arith.constant 128 : i32
        %parallel_loop3A_437 = arith.constant 0 : i32
        %parallel_loop3A_438 = arith.cmpi eq, %parallel_loop3A_436, %parallel_loop3A_437 : i32
        %parallel_loop3A_439 = arith.constant 1 : i32
        %parallel_loop3A_440 = arith.select %parallel_loop3A_438, %parallel_loop3A_439, %parallel_loop3A_436 : i32
        %parallel_loop3A_441 = arith.remsi %parallel_loop3A_362, %parallel_loop3A_440 : i32
        %parallel_loop3A_442 = arith.constant 0 : i32
        %parallel_loop3A_443 = arith.cmpi ne, %parallel_loop3A_441, %parallel_loop3A_442 : i32
        %parallel_loop3A_444 = arith.constant 0 : i32
        %parallel_loop3A_445 = arith.cmpi slt, %parallel_loop3A_441, %parallel_loop3A_444 : i32
        %parallel_loop3A_446 = arith.constant 0 : i32
        %parallel_loop3A_447 = arith.cmpi slt, %parallel_loop3A_440, %parallel_loop3A_446 : i32
        %parallel_loop3A_448 = arith.xori %parallel_loop3A_445, %parallel_loop3A_447 : i1
        %parallel_loop3A_449 = arith.andi %parallel_loop3A_448, %parallel_loop3A_443 : i1
        %parallel_loop3A_450 = arith.addi %parallel_loop3A_441, %parallel_loop3A_440 : i32
        %parallel_loop3A_451 = arith.select %parallel_loop3A_449, %parallel_loop3A_450, %parallel_loop3A_441 : i32
        %parallel_loop3A_452 = arith.addi %parallel_loop3A_435, %parallel_loop3A_451 : i32
        %parallel_loop3A_453 = arith.constant 0 : i32
        %parallel_loop3A_454 = vector.broadcast %parallel_loop3A_453 : i32 to vector<16xi32>
        %parallel_loop3A_455 = arith.addi %parallel_loop3A_409, %parallel_loop3A_454 : vector<16xi32>
        %parallel_loop3A_456 = tpu.vector_load_idx %arg5[%parallel_loop3A_455] : memref<65130xf32, #tpu.memory_space<vmem>>[vector<16xi32>], vector<16xf32>,
        %parallel_loop3A_457 = arith.constant 0 : i32
        %parallel_loop3A_458 = arith.addi %parallel_loop3A_452, %parallel_loop3A_457 : i32
        %parallel_loop3A_459 = arith.index_cast %select_n3A_216 : i32 to index
        %parallel_loop3A_460 = arith.index_cast %parallel_loop3A_458 : i32 to index
        %parallel_loop3A_461 = tpu.vector_load %arg6[%parallel_loop3A_459, %parallel_loop3A_460] {strides = array<i32>} : memref<2x16384xf32, #tpu.memory_space<vmem>>, vector<16xf32>,
        tpu.vector_store %arg6[%parallel_loop3A_459, %parallel_loop3A_460], %parallel_loop3A_456 {strides = array<i32>} : memref<2x16384xf32, #tpu.memory_space<vmem>>, vector<16xf32>,
        %parallel_loop3A_462 = arith.constant 1 : i32
        %parallel_loop3A_463 = vector.broadcast %parallel_loop3A_462 : i32 to vector<16xi32>
        %parallel_loop3A_464 = arith.addi %parallel_loop3A_409, %parallel_loop3A_463 : vector<16xi32>
        %parallel_loop3A_465 = tpu.vector_load_idx %arg5[%parallel_loop3A_464] : memref<65130xf32, #tpu.memory_space<vmem>>[vector<16xi32>], vector<16xf32>,
        %parallel_loop3A_466 = arith.constant 128 : i32
        %parallel_loop3A_467 = arith.addi %parallel_loop3A_452, %parallel_loop3A_466 : i32
        %parallel_loop3A_468 = arith.index_cast %select_n3A_216 : i32 to index
        %parallel_loop3A_469 = arith.index_cast %parallel_loop3A_467 : i32 to index
        %parallel_loop3A_470 = tpu.vector_load %arg6[%parallel_loop3A_468, %parallel_loop3A_469] {strides = array<i32>} : memref<2x16384xf32, #tpu.memory_space<vmem>>, vector<16xf32>,
        tpu.vector_store %arg6[%parallel_loop3A_468, %parallel_loop3A_469], %parallel_loop3A_465 {strides = array<i32>} : memref<2x16384xf32, #tpu.memory_space<vmem>>, vector<16xf32>,
        %parallel_loop3A_471 = arith.constant 2 : i32
        %parallel_loop3A_472 = vector.broadcast %parallel_loop3A_471 : i32 to vector<16xi32>
        %parallel_loop3A_473 = arith.addi %parallel_loop3A_409, %parallel_loop3A_472 : vector<16xi32>
        %parallel_loop3A_474 = tpu.vector_load_idx %arg5[%parallel_loop3A_473] : memref<65130xf32, #tpu.memory_space<vmem>>[vector<16xi32>], vector<16xf32>,
        %parallel_loop3A_475 = arith.constant 256 : i32
        %parallel_loop3A_476 = arith.addi %parallel_loop3A_452, %parallel_loop3A_475 : i32
        %parallel_loop3A_477 = arith.index_cast %select_n3A_216 : i32 to index
        %parallel_loop3A_478 = arith.index_cast %parallel_loop3A_476 : i32 to index
        %parallel_loop3A_479 = tpu.vector_load %arg6[%parallel_loop3A_477, %parallel_loop3A_478] {strides = array<i32>} : memref<2x16384xf32, #tpu.memory_space<vmem>>, vector<16xf32>,
        tpu.vector_store %arg6[%parallel_loop3A_477, %parallel_loop3A_478], %parallel_loop3A_474 {strides = array<i32>} : memref<2x16384xf32, #tpu.memory_space<vmem>>, vector<16xf32>,
        %parallel_loop3A_480 = arith.constant 3 : i32
        %parallel_loop3A_481 = vector.broadcast %parallel_loop3A_480 : i32 to vector<16xi32>
        %parallel_loop3A_482 = arith.addi %parallel_loop3A_409, %parallel_loop3A_481 : vector<16xi32>
        %parallel_loop3A_483 = tpu.vector_load_idx %arg5[%parallel_loop3A_482] : memref<65130xf32, #tpu.memory_space<vmem>>[vector<16xi32>], vector<16xf32>,
        %parallel_loop3A_484 = arith.constant 384 : i32
        %parallel_loop3A_485 = arith.addi %parallel_loop3A_452, %parallel_loop3A_484 : i32
        %parallel_loop3A_486 = arith.index_cast %select_n3A_216 : i32 to index
        %parallel_loop3A_487 = arith.index_cast %parallel_loop3A_485 : i32 to index
        %parallel_loop3A_488 = tpu.vector_load %arg6[%parallel_loop3A_486, %parallel_loop3A_487] {strides = array<i32>} : memref<2x16384xf32, #tpu.memory_space<vmem>>, vector<16xf32>,
        tpu.vector_store %arg6[%parallel_loop3A_486, %parallel_loop3A_487], %parallel_loop3A_483 {strides = array<i32>} : memref<2x16384xf32, #tpu.memory_space<vmem>>, vector<16xf32>,
        %parallel_loop3A_489 = arith.constant 4 : i32
        %parallel_loop3A_490 = vector.broadcast %parallel_loop3A_489 : i32 to vector<16xi32>
        %parallel_loop3A_491 = arith.addi %parallel_loop3A_409, %parallel_loop3A_490 : vector<16xi32>
        %parallel_loop3A_492 = tpu.vector_load_idx %arg5[%parallel_loop3A_491] : memref<65130xf32, #tpu.memory_space<vmem>>[vector<16xi32>], vector<16xf32>,
        %parallel_loop3A_493 = arith.constant 512 : i32
        %parallel_loop3A_494 = arith.addi %parallel_loop3A_452, %parallel_loop3A_493 : i32
        %parallel_loop3A_495 = arith.index_cast %select_n3A_216 : i32 to index
        %parallel_loop3A_496 = arith.index_cast %parallel_loop3A_494 : i32 to index
        %parallel_loop3A_497 = tpu.vector_load %arg6[%parallel_loop3A_495, %parallel_loop3A_496] {strides = array<i32>} : memref<2x16384xf32, #tpu.memory_space<vmem>>, vector<16xf32>,
        tpu.vector_store %arg6[%parallel_loop3A_495, %parallel_loop3A_496], %parallel_loop3A_492 {strides = array<i32>} : memref<2x16384xf32, #tpu.memory_space<vmem>>, vector<16xf32>,
        %parallel_loop3A_498 = arith.constant 5 : i32
        %parallel_loop3A_499 = vector.broadcast %parallel_loop3A_498 : i32 to vector<16xi32>
        %parallel_loop3A_500 = arith.addi %parallel_loop3A_409, %parallel_loop3A_499 : vector<16xi32>
        %parallel_loop3A_501 = tpu.vector_load_idx %arg5[%parallel_loop3A_500] : memref<65130xf32, #tpu.memory_space<vmem>>[vector<16xi32>], vector<16xf32>,
        %parallel_loop3A_502 = arith.constant 640 : i32
        %parallel_loop3A_503 = arith.addi %parallel_loop3A_452, %parallel_loop3A_502 : i32
        %parallel_loop3A_504 = arith.index_cast %select_n3A_216 : i32 to index
        %parallel_loop3A_505 = arith.index_cast %parallel_loop3A_503 : i32 to index
        %parallel_loop3A_506 = tpu.vector_load %arg6[%parallel_loop3A_504, %parallel_loop3A_505] {strides = array<i32>} : memref<2x16384xf32, #tpu.memory_space<vmem>>, vector<16xf32>,
        tpu.vector_store %arg6[%parallel_loop3A_504, %parallel_loop3A_505], %parallel_loop3A_501 {strides = array<i32>} : memref<2x16384xf32, #tpu.memory_space<vmem>>, vector<16xf32>,
        %parallel_loop3A_507 = arith.constant 6 : i32
        %parallel_loop3A_508 = vector.broadcast %parallel_loop3A_507 : i32 to vector<16xi32>
        %parallel_loop3A_509 = arith.addi %parallel_loop3A_409, %parallel_loop3A_508 : vector<16xi32>
        %parallel_loop3A_510 = tpu.vector_load_idx %arg5[%parallel_loop3A_509] : memref<65130xf32, #tpu.memory_space<vmem>>[vector<16xi32>], vector<16xf32>,
        %parallel_loop3A_511 = arith.constant 768 : i32
        %parallel_loop3A_512 = arith.addi %parallel_loop3A_452, %parallel_loop3A_511 : i32
        %parallel_loop3A_513 = arith.index_cast %select_n3A_216 : i32 to index
        %parallel_loop3A_514 = arith.index_cast %parallel_loop3A_512 : i32 to index
        %parallel_loop3A_515 = tpu.vector_load %arg6[%parallel_loop3A_513, %parallel_loop3A_514] {strides = array<i32>} : memref<2x16384xf32, #tpu.memory_space<vmem>>, vector<16xf32>,
        tpu.vector_store %arg6[%parallel_loop3A_513, %parallel_loop3A_514], %parallel_loop3A_510 {strides = array<i32>} : memref<2x16384xf32, #tpu.memory_space<vmem>>, vector<16xf32>,
        %parallel_loop3A_516 = arith.constant 7 : i32
        %parallel_loop3A_517 = vector.broadcast %parallel_loop3A_516 : i32 to vector<16xi32>
        %parallel_loop3A_518 = arith.addi %parallel_loop3A_409, %parallel_loop3A_517 : vector<16xi32>
        %parallel_loop3A_519 = tpu.vector_load_idx %arg5[%parallel_loop3A_518] : memref<65130xf32, #tpu.memory_space<vmem>>[vector<16xi32>], vector<16xf32>,
        %parallel_loop3A_520 = arith.constant 896 : i32
        %parallel_loop3A_521 = arith.addi %parallel_loop3A_452, %parallel_loop3A_520 : i32
        %parallel_loop3A_522 = arith.index_cast %select_n3A_216 : i32 to index
        %parallel_loop3A_523 = arith.index_cast %parallel_loop3A_521 : i32 to index
        %parallel_loop3A_524 = tpu.vector_load %arg6[%parallel_loop3A_522, %parallel_loop3A_523] {strides = array<i32>} : memref<2x16384xf32, #tpu.memory_space<vmem>>, vector<16xf32>,
        tpu.vector_store %arg6[%parallel_loop3A_522, %parallel_loop3A_523], %parallel_loop3A_519 {strides = array<i32>} : memref<2x16384xf32, #tpu.memory_space<vmem>>, vector<16xf32>,
        %parallel_loop3A_525 = arith.constant 8 : i32
        %parallel_loop3A_526 = vector.broadcast %parallel_loop3A_525 : i32 to vector<16xi32>
        %parallel_loop3A_527 = arith.addi %parallel_loop3A_409, %parallel_loop3A_526 : vector<16xi32>
        %parallel_loop3A_528 = tpu.vector_load_idx %arg5[%parallel_loop3A_527] : memref<65130xf32, #tpu.memory_space<vmem>>[vector<16xi32>], vector<16xf32>,
        %parallel_loop3A_529 = arith.constant 2048 : i32
        %parallel_loop3A_530 = arith.addi %parallel_loop3A_452, %parallel_loop3A_529 : i32
        %parallel_loop3A_531 = arith.index_cast %select_n3A_216 : i32 to index
        %parallel_loop3A_532 = arith.index_cast %parallel_loop3A_530 : i32 to index
        %parallel_loop3A_533 = tpu.vector_load %arg6[%parallel_loop3A_531, %parallel_loop3A_532] {strides = array<i32>} : memref<2x16384xf32, #tpu.memory_space<vmem>>, vector<16xf32>,
        tpu.vector_store %arg6[%parallel_loop3A_531, %parallel_loop3A_532], %parallel_loop3A_528 {strides = array<i32>} : memref<2x16384xf32, #tpu.memory_space<vmem>>, vector<16xf32>,
        %parallel_loop3A_534 = arith.constant 9 : i32
        %parallel_loop3A_535 = vector.broadcast %parallel_loop3A_534 : i32 to vector<16xi32>
        %parallel_loop3A_536 = arith.addi %parallel_loop3A_409, %parallel_loop3A_535 : vector<16xi32>
        %parallel_loop3A_537 = tpu.vector_load_idx %arg5[%parallel_loop3A_536] : memref<65130xf32, #tpu.memory_space<vmem>>[vector<16xi32>], vector<16xf32>,
        %parallel_loop3A_538 = arith.constant 2176 : i32
        %parallel_loop3A_539 = arith.addi %parallel_loop3A_452, %parallel_loop3A_538 : i32
        %parallel_loop3A_540 = arith.index_cast %select_n3A_216 : i32 to index
        %parallel_loop3A_541 = arith.index_cast %parallel_loop3A_539 : i32 to index
        %parallel_loop3A_542 = tpu.vector_load %arg6[%parallel_loop3A_540, %parallel_loop3A_541] {strides = array<i32>} : memref<2x16384xf32, #tpu.memory_space<vmem>>, vector<16xf32>,
        tpu.vector_store %arg6[%parallel_loop3A_540, %parallel_loop3A_541], %parallel_loop3A_537 {strides = array<i32>} : memref<2x16384xf32, #tpu.memory_space<vmem>>, vector<16xf32>,
        %parallel_loop3A_543 = arith.constant 10 : i32
        %parallel_loop3A_544 = vector.broadcast %parallel_loop3A_543 : i32 to vector<16xi32>
        %parallel_loop3A_545 = arith.addi %parallel_loop3A_409, %parallel_loop3A_544 : vector<16xi32>
        %parallel_loop3A_546 = tpu.vector_load_idx %arg5[%parallel_loop3A_545] : memref<65130xf32, #tpu.memory_space<vmem>>[vector<16xi32>], vector<16xf32>,
        %parallel_loop3A_547 = arith.constant 2304 : i32
        %parallel_loop3A_548 = arith.addi %parallel_loop3A_452, %parallel_loop3A_547 : i32
        %parallel_loop3A_549 = arith.index_cast %select_n3A_216 : i32 to index
        %parallel_loop3A_550 = arith.index_cast %parallel_loop3A_548 : i32 to index
        %parallel_loop3A_551 = tpu.vector_load %arg6[%parallel_loop3A_549, %parallel_loop3A_550] {strides = array<i32>} : memref<2x16384xf32, #tpu.memory_space<vmem>>, vector<16xf32>,
        tpu.vector_store %arg6[%parallel_loop3A_549, %parallel_loop3A_550], %parallel_loop3A_546 {strides = array<i32>} : memref<2x16384xf32, #tpu.memory_space<vmem>>, vector<16xf32>,
        %parallel_loop3A_552 = arith.constant 11 : i32
        %parallel_loop3A_553 = vector.broadcast %parallel_loop3A_552 : i32 to vector<16xi32>
        %parallel_loop3A_554 = arith.addi %parallel_loop3A_409, %parallel_loop3A_553 : vector<16xi32>
        %parallel_loop3A_555 = tpu.vector_load_idx %arg5[%parallel_loop3A_554] : memref<65130xf32, #tpu.memory_space<vmem>>[vector<16xi32>], vector<16xf32>,
        %parallel_loop3A_556 = arith.constant 2432 : i32
        %parallel_loop3A_557 = arith.addi %parallel_loop3A_452, %parallel_loop3A_556 : i32
        %parallel_loop3A_558 = arith.index_cast %select_n3A_216 : i32 to index
        %parallel_loop3A_559 = arith.index_cast %parallel_loop3A_557 : i32 to index
        %parallel_loop3A_560 = tpu.vector_load %arg6[%parallel_loop3A_558, %parallel_loop3A_559] {strides = array<i32>} : memref<2x16384xf32, #tpu.memory_space<vmem>>, vector<16xf32>,
        tpu.vector_store %arg6[%parallel_loop3A_558, %parallel_loop3A_559], %parallel_loop3A_555 {strides = array<i32>} : memref<2x16384xf32, #tpu.memory_space<vmem>>, vector<16xf32>,
        %parallel_loop3A_561 = arith.constant 12 : i32
        %parallel_loop3A_562 = vector.broadcast %parallel_loop3A_561 : i32 to vector<16xi32>
        %parallel_loop3A_563 = arith.addi %parallel_loop3A_409, %parallel_loop3A_562 : vector<16xi32>
        %parallel_loop3A_564 = tpu.vector_load_idx %arg5[%parallel_loop3A_563] : memref<65130xf32, #tpu.memory_space<vmem>>[vector<16xi32>], vector<16xf32>,
        %parallel_loop3A_565 = arith.constant 2560 : i32
        %parallel_loop3A_566 = arith.addi %parallel_loop3A_452, %parallel_loop3A_565 : i32
        %parallel_loop3A_567 = arith.index_cast %select_n3A_216 : i32 to index
        %parallel_loop3A_568 = arith.index_cast %parallel_loop3A_566 : i32 to index
        %parallel_loop3A_569 = tpu.vector_load %arg6[%parallel_loop3A_567, %parallel_loop3A_568] {strides = array<i32>} : memref<2x16384xf32, #tpu.memory_space<vmem>>, vector<16xf32>,
        tpu.vector_store %arg6[%parallel_loop3A_567, %parallel_loop3A_568], %parallel_loop3A_564 {strides = array<i32>} : memref<2x16384xf32, #tpu.memory_space<vmem>>, vector<16xf32>,
        %parallel_loop3A_570 = arith.constant 13 : i32
        %parallel_loop3A_571 = vector.broadcast %parallel_loop3A_570 : i32 to vector<16xi32>
        %parallel_loop3A_572 = arith.addi %parallel_loop3A_409, %parallel_loop3A_571 : vector<16xi32>
        %parallel_loop3A_573 = tpu.vector_load_idx %arg5[%parallel_loop3A_572] : memref<65130xf32, #tpu.memory_space<vmem>>[vector<16xi32>], vector<16xf32>,
        %parallel_loop3A_574 = arith.constant 2688 : i32
        %parallel_loop3A_575 = arith.addi %parallel_loop3A_452, %parallel_loop3A_574 : i32
        %parallel_loop3A_576 = arith.index_cast %select_n3A_216 : i32 to index
        %parallel_loop3A_577 = arith.index_cast %parallel_loop3A_575 : i32 to index
        %parallel_loop3A_578 = tpu.vector_load %arg6[%parallel_loop3A_576, %parallel_loop3A_577] {strides = array<i32>} : memref<2x16384xf32, #tpu.memory_space<vmem>>, vector<16xf32>,
        tpu.vector_store %arg6[%parallel_loop3A_576, %parallel_loop3A_577], %parallel_loop3A_573 {strides = array<i32>} : memref<2x16384xf32, #tpu.memory_space<vmem>>, vector<16xf32>,
        %parallel_loop3A_579 = arith.constant 14 : i32
        %parallel_loop3A_580 = vector.broadcast %parallel_loop3A_579 : i32 to vector<16xi32>
        %parallel_loop3A_581 = arith.addi %parallel_loop3A_409, %parallel_loop3A_580 : vector<16xi32>
        %parallel_loop3A_582 = tpu.vector_load_idx %arg5[%parallel_loop3A_581] : memref<65130xf32, #tpu.memory_space<vmem>>[vector<16xi32>], vector<16xf32>,
        %parallel_loop3A_583 = arith.constant 2816 : i32
        %parallel_loop3A_584 = arith.addi %parallel_loop3A_452, %parallel_loop3A_583 : i32
        %parallel_loop3A_585 = arith.index_cast %select_n3A_216 : i32 to index
        %parallel_loop3A_586 = arith.index_cast %parallel_loop3A_584 : i32 to index
        %parallel_loop3A_587 = tpu.vector_load %arg6[%parallel_loop3A_585, %parallel_loop3A_586] {strides = array<i32>} : memref<2x16384xf32, #tpu.memory_space<vmem>>, vector<16xf32>,
        tpu.vector_store %arg6[%parallel_loop3A_585, %parallel_loop3A_586], %parallel_loop3A_582 {strides = array<i32>} : memref<2x16384xf32, #tpu.memory_space<vmem>>, vector<16xf32>,
        %parallel_loop3A_588 = arith.constant 15 : i32
        %parallel_loop3A_589 = vector.broadcast %parallel_loop3A_588 : i32 to vector<16xi32>
        %parallel_loop3A_590 = arith.addi %parallel_loop3A_409, %parallel_loop3A_589 : vector<16xi32>
        %parallel_loop3A_591 = tpu.vector_load_idx %arg5[%parallel_loop3A_590] : memref<65130xf32, #tpu.memory_space<vmem>>[vector<16xi32>], vector<16xf32>,
        %parallel_loop3A_592 = arith.constant 2944 : i32
        %parallel_loop3A_593 = arith.addi %parallel_loop3A_452, %parallel_loop3A_592 : i32
        %parallel_loop3A_594 = arith.index_cast %select_n3A_216 : i32 to index
        %parallel_loop3A_595 = arith.index_cast %parallel_loop3A_593 : i32 to index
        %parallel_loop3A_596 = tpu.vector_load %arg6[%parallel_loop3A_594, %parallel_loop3A_595] {strides = array<i32>} : memref<2x16384xf32, #tpu.memory_space<vmem>>, vector<16xf32>,
        tpu.vector_store %arg6[%parallel_loop3A_594, %parallel_loop3A_595], %parallel_loop3A_591 {strides = array<i32>} : memref<2x16384xf32, #tpu.memory_space<vmem>>, vector<16xf32>,
        %parallel_loop3A_597 = arith.constant 16 : i32
        %parallel_loop3A_598 = vector.broadcast %parallel_loop3A_597 : i32 to vector<16xi32>
        %parallel_loop3A_599 = arith.addi %parallel_loop3A_409, %parallel_loop3A_598 : vector<16xi32>
        %parallel_loop3A_600 = tpu.vector_load_idx %arg5[%parallel_loop3A_599] : memref<65130xf32, #tpu.memory_space<vmem>>[vector<16xi32>], vector<16xf32>,
        %parallel_loop3A_601 = arith.constant 4096 : i32
        %parallel_loop3A_602 = arith.addi %parallel_loop3A_452, %parallel_loop3A_601 : i32
        %parallel_loop3A_603 = arith.index_cast %select_n3A_216 : i32 to index
        %parallel_loop3A_604 = arith.index_cast %parallel_loop3A_602 : i32 to index
        %parallel_loop3A_605 = tpu.vector_load %arg6[%parallel_loop3A_603, %parallel_loop3A_604] {strides = array<i32>} : memref<2x16384xf32, #tpu.memory_space<vmem>>, vector<16xf32>,
        tpu.vector_store %arg6[%parallel_loop3A_603, %parallel_loop3A_604], %parallel_loop3A_600 {strides = array<i32>} : memref<2x16384xf32, #tpu.memory_space<vmem>>, vector<16xf32>,
        %parallel_loop3A_606 = arith.constant 17 : i32
        %parallel_loop3A_607 = vector.broadcast %parallel_loop3A_606 : i32 to vector<16xi32>
        %parallel_loop3A_608 = arith.addi %parallel_loop3A_409, %parallel_loop3A_607 : vector<16xi32>
        %parallel_loop3A_609 = tpu.vector_load_idx %arg5[%parallel_loop3A_608] : memref<65130xf32, #tpu.memory_space<vmem>>[vector<16xi32>], vector<16xf32>,
        %parallel_loop3A_610 = arith.constant 4224 : i32
        %parallel_loop3A_611 = arith.addi %parallel_loop3A_452, %parallel_loop3A_610 : i32
        %parallel_loop3A_612 = arith.index_cast %select_n3A_216 : i32 to index
        %parallel_loop3A_613 = arith.index_cast %parallel_loop3A_611 : i32 to index
        %parallel_loop3A_614 = tpu.vector_load %arg6[%parallel_loop3A_612, %parallel_loop3A_613] {strides = array<i32>} : memref<2x16384xf32, #tpu.memory_space<vmem>>, vector<16xf32>,
        tpu.vector_store %arg6[%parallel_loop3A_612, %parallel_loop3A_613], %parallel_loop3A_609 {strides = array<i32>} : memref<2x16384xf32, #tpu.memory_space<vmem>>, vector<16xf32>,
        %parallel_loop3A_615 = arith.constant 18 : i32
        %parallel_loop3A_616 = vector.broadcast %parallel_loop3A_615 : i32 to vector<16xi32>
        %parallel_loop3A_617 = arith.addi %parallel_loop3A_409, %parallel_loop3A_616 : vector<16xi32>
        %parallel_loop3A_618 = tpu.vector_load_idx %arg5[%parallel_loop3A_617] : memref<65130xf32, #tpu.memory_space<vmem>>[vector<16xi32>], vector<16xf32>,
        %parallel_loop3A_619 = arith.constant 4352 : i32
        %parallel_loop3A_620 = arith.addi %parallel_loop3A_452, %parallel_loop3A_619 : i32
        %parallel_loop3A_621 = arith.index_cast %select_n3A_216 : i32 to index
        %parallel_loop3A_622 = arith.index_cast %parallel_loop3A_620 : i32 to index
        %parallel_loop3A_623 = tpu.vector_load %arg6[%parallel_loop3A_621, %parallel_loop3A_622] {strides = array<i32>} : memref<2x16384xf32, #tpu.memory_space<vmem>>, vector<16xf32>,
        tpu.vector_store %arg6[%parallel_loop3A_621, %parallel_loop3A_622], %parallel_loop3A_618 {strides = array<i32>} : memref<2x16384xf32, #tpu.memory_space<vmem>>, vector<16xf32>,
        %parallel_loop3A_624 = arith.constant 19 : i32
        %parallel_loop3A_625 = vector.broadcast %parallel_loop3A_624 : i32 to vector<16xi32>
        %parallel_loop3A_626 = arith.addi %parallel_loop3A_409, %parallel_loop3A_625 : vector<16xi32>
        %parallel_loop3A_627 = tpu.vector_load_idx %arg5[%parallel_loop3A_626] : memref<65130xf32, #tpu.memory_space<vmem>>[vector<16xi32>], vector<16xf32>,
        %parallel_loop3A_628 = arith.constant 4480 : i32
        %parallel_loop3A_629 = arith.addi %parallel_loop3A_452, %parallel_loop3A_628 : i32
        %parallel_loop3A_630 = arith.index_cast %select_n3A_216 : i32 to index
        %parallel_loop3A_631 = arith.index_cast %parallel_loop3A_629 : i32 to index
        %parallel_loop3A_632 = tpu.vector_load %arg6[%parallel_loop3A_630, %parallel_loop3A_631] {strides = array<i32>} : memref<2x16384xf32, #tpu.memory_space<vmem>>, vector<16xf32>,
        tpu.vector_store %arg6[%parallel_loop3A_630, %parallel_loop3A_631], %parallel_loop3A_627 {strides = array<i32>} : memref<2x16384xf32, #tpu.memory_space<vmem>>, vector<16xf32>,
        %parallel_loop3A_633 = arith.constant 20 : i32
        %parallel_loop3A_634 = vector.broadcast %parallel_loop3A_633 : i32 to vector<16xi32>
        %parallel_loop3A_635 = arith.addi %parallel_loop3A_409, %parallel_loop3A_634 : vector<16xi32>
        %parallel_loop3A_636 = tpu.vector_load_idx %arg5[%parallel_loop3A_635] : memref<65130xf32, #tpu.memory_space<vmem>>[vector<16xi32>], vector<16xf32>,
        %parallel_loop3A_637 = arith.constant 4608 : i32
        %parallel_loop3A_638 = arith.addi %parallel_loop3A_452, %parallel_loop3A_637 : i32
        %parallel_loop3A_639 = arith.index_cast %select_n3A_216 : i32 to index
        %parallel_loop3A_640 = arith.index_cast %parallel_loop3A_638 : i32 to index
        %parallel_loop3A_641 = tpu.vector_load %arg6[%parallel_loop3A_639, %parallel_loop3A_640] {strides = array<i32>} : memref<2x16384xf32, #tpu.memory_space<vmem>>, vector<16xf32>,
        tpu.vector_store %arg6[%parallel_loop3A_639, %parallel_loop3A_640], %parallel_loop3A_636 {strides = array<i32>} : memref<2x16384xf32, #tpu.memory_space<vmem>>, vector<16xf32>,
        %parallel_loop3A_642 = arith.constant 21 : i32
        %parallel_loop3A_643 = vector.broadcast %parallel_loop3A_642 : i32 to vector<16xi32>
        %parallel_loop3A_644 = arith.addi %parallel_loop3A_409, %parallel_loop3A_643 : vector<16xi32>
        %parallel_loop3A_645 = tpu.vector_load_idx %arg5[%parallel_loop3A_644] : memref<65130xf32, #tpu.memory_space<vmem>>[vector<16xi32>], vector<16xf32>,
        %parallel_loop3A_646 = arith.constant 4736 : i32
        %parallel_loop3A_647 = arith.addi %parallel_loop3A_452, %parallel_loop3A_646 : i32
        %parallel_loop3A_648 = arith.index_cast %select_n3A_216 : i32 to index
        %parallel_loop3A_649 = arith.index_cast %parallel_loop3A_647 : i32 to index
        %parallel_loop3A_650 = tpu.vector_load %arg6[%parallel_loop3A_648, %parallel_loop3A_649] {strides = array<i32>} : memref<2x16384xf32, #tpu.memory_space<vmem>>, vector<16xf32>,
        tpu.vector_store %arg6[%parallel_loop3A_648, %parallel_loop3A_649], %parallel_loop3A_645 {strides = array<i32>} : memref<2x16384xf32, #tpu.memory_space<vmem>>, vector<16xf32>,
        %parallel_loop3A_651 = arith.constant 22 : i32
        %parallel_loop3A_652 = vector.broadcast %parallel_loop3A_651 : i32 to vector<16xi32>
        %parallel_loop3A_653 = arith.addi %parallel_loop3A_409, %parallel_loop3A_652 : vector<16xi32>
        %parallel_loop3A_654 = tpu.vector_load_idx %arg5[%parallel_loop3A_653] : memref<65130xf32, #tpu.memory_space<vmem>>[vector<16xi32>], vector<16xf32>,
        %parallel_loop3A_655 = arith.constant 4864 : i32
        %parallel_loop3A_656 = arith.addi %parallel_loop3A_452, %parallel_loop3A_655 : i32
        %parallel_loop3A_657 = arith.index_cast %select_n3A_216 : i32 to index
        %parallel_loop3A_658 = arith.index_cast %parallel_loop3A_656 : i32 to index
        %parallel_loop3A_659 = tpu.vector_load %arg6[%parallel_loop3A_657, %parallel_loop3A_658] {strides = array<i32>} : memref<2x16384xf32, #tpu.memory_space<vmem>>, vector<16xf32>,
        tpu.vector_store %arg6[%parallel_loop3A_657, %parallel_loop3A_658], %parallel_loop3A_654 {strides = array<i32>} : memref<2x16384xf32, #tpu.memory_space<vmem>>, vector<16xf32>,
        %parallel_loop3A_660 = arith.constant 23 : i32
        %parallel_loop3A_661 = vector.broadcast %parallel_loop3A_660 : i32 to vector<16xi32>
        %parallel_loop3A_662 = arith.addi %parallel_loop3A_409, %parallel_loop3A_661 : vector<16xi32>
        %parallel_loop3A_663 = tpu.vector_load_idx %arg5[%parallel_loop3A_662] : memref<65130xf32, #tpu.memory_space<vmem>>[vector<16xi32>], vector<16xf32>,
        %parallel_loop3A_664 = arith.constant 4992 : i32
        %parallel_loop3A_665 = arith.addi %parallel_loop3A_452, %parallel_loop3A_664 : i32
        %parallel_loop3A_666 = arith.index_cast %select_n3A_216 : i32 to index
        %parallel_loop3A_667 = arith.index_cast %parallel_loop3A_665 : i32 to index
        %parallel_loop3A_668 = tpu.vector_load %arg6[%parallel_loop3A_666, %parallel_loop3A_667] {strides = array<i32>} : memref<2x16384xf32, #tpu.memory_space<vmem>>, vector<16xf32>,
        tpu.vector_store %arg6[%parallel_loop3A_666, %parallel_loop3A_667], %parallel_loop3A_663 {strides = array<i32>} : memref<2x16384xf32, #tpu.memory_space<vmem>>, vector<16xf32>,
        %parallel_loop3A_669 = arith.constant 24 : i32
        %parallel_loop3A_670 = vector.broadcast %parallel_loop3A_669 : i32 to vector<16xi32>
        %parallel_loop3A_671 = arith.addi %parallel_loop3A_409, %parallel_loop3A_670 : vector<16xi32>
        %parallel_loop3A_672 = tpu.vector_load_idx %arg5[%parallel_loop3A_671] : memref<65130xf32, #tpu.memory_space<vmem>>[vector<16xi32>], vector<16xf32>,
        %parallel_loop3A_673 = arith.constant 6144 : i32
        %parallel_loop3A_674 = arith.addi %parallel_loop3A_452, %parallel_loop3A_673 : i32
        %parallel_loop3A_675 = arith.index_cast %select_n3A_216 : i32 to index
        %parallel_loop3A_676 = arith.index_cast %parallel_loop3A_674 : i32 to index
        %parallel_loop3A_677 = tpu.vector_load %arg6[%parallel_loop3A_675, %parallel_loop3A_676] {strides = array<i32>} : memref<2x16384xf32, #tpu.memory_space<vmem>>, vector<16xf32>,
        tpu.vector_store %arg6[%parallel_loop3A_675, %parallel_loop3A_676], %parallel_loop3A_672 {strides = array<i32>} : memref<2x16384xf32, #tpu.memory_space<vmem>>, vector<16xf32>,
        %parallel_loop3A_678 = arith.constant 25 : i32
        %parallel_loop3A_679 = vector.broadcast %parallel_loop3A_678 : i32 to vector<16xi32>
        %parallel_loop3A_680 = arith.addi %parallel_loop3A_409, %parallel_loop3A_679 : vector<16xi32>
        %parallel_loop3A_681 = tpu.vector_load_idx %arg5[%parallel_loop3A_680] : memref<65130xf32, #tpu.memory_space<vmem>>[vector<16xi32>], vector<16xf32>,
        %parallel_loop3A_682 = arith.constant 6272 : i32
        %parallel_loop3A_683 = arith.addi %parallel_loop3A_452, %parallel_loop3A_682 : i32
        %parallel_loop3A_684 = arith.index_cast %select_n3A_216 : i32 to index
        %parallel_loop3A_685 = arith.index_cast %parallel_loop3A_683 : i32 to index
        %parallel_loop3A_686 = tpu.vector_load %arg6[%parallel_loop3A_684, %parallel_loop3A_685] {strides = array<i32>} : memref<2x16384xf32, #tpu.memory_space<vmem>>, vector<16xf32>,
        tpu.vector_store %arg6[%parallel_loop3A_684, %parallel_loop3A_685], %parallel_loop3A_681 {strides = array<i32>} : memref<2x16384xf32, #tpu.memory_space<vmem>>, vector<16xf32>,
        %parallel_loop3A_687 = arith.constant 26 : i32
        %parallel_loop3A_688 = vector.broadcast %parallel_loop3A_687 : i32 to vector<16xi32>
        %parallel_loop3A_689 = arith.addi %parallel_loop3A_409, %parallel_loop3A_688 : vector<16xi32>
        %parallel_loop3A_690 = tpu.vector_load_idx %arg5[%parallel_loop3A_689] : memref<65130xf32, #tpu.memory_space<vmem>>[vector<16xi32>], vector<16xf32>,
        %parallel_loop3A_691 = arith.constant 6400 : i32
        %parallel_loop3A_692 = arith.addi %parallel_loop3A_452, %parallel_loop3A_691 : i32
        %parallel_loop3A_693 = arith.index_cast %select_n3A_216 : i32 to index
        %parallel_loop3A_694 = arith.index_cast %parallel_loop3A_692 : i32 to index
        %parallel_loop3A_695 = tpu.vector_load %arg6[%parallel_loop3A_693, %parallel_loop3A_694] {strides = array<i32>} : memref<2x16384xf32, #tpu.memory_space<vmem>>, vector<16xf32>,
        tpu.vector_store %arg6[%parallel_loop3A_693, %parallel_loop3A_694], %parallel_loop3A_690 {strides = array<i32>} : memref<2x16384xf32, #tpu.memory_space<vmem>>, vector<16xf32>,
        %parallel_loop3A_696 = arith.constant 27 : i32
        %parallel_loop3A_697 = vector.broadcast %parallel_loop3A_696 : i32 to vector<16xi32>
        %parallel_loop3A_698 = arith.addi %parallel_loop3A_409, %parallel_loop3A_697 : vector<16xi32>
        %parallel_loop3A_699 = tpu.vector_load_idx %arg5[%parallel_loop3A_698] : memref<65130xf32, #tpu.memory_space<vmem>>[vector<16xi32>], vector<16xf32>,
        %parallel_loop3A_700 = arith.constant 6528 : i32
        %parallel_loop3A_701 = arith.addi %parallel_loop3A_452, %parallel_loop3A_700 : i32
        %parallel_loop3A_702 = arith.index_cast %select_n3A_216 : i32 to index
        %parallel_loop3A_703 = arith.index_cast %parallel_loop3A_701 : i32 to index
        %parallel_loop3A_704 = tpu.vector_load %arg6[%parallel_loop3A_702, %parallel_loop3A_703] {strides = array<i32>} : memref<2x16384xf32, #tpu.memory_space<vmem>>, vector<16xf32>,
        tpu.vector_store %arg6[%parallel_loop3A_702, %parallel_loop3A_703], %parallel_loop3A_699 {strides = array<i32>} : memref<2x16384xf32, #tpu.memory_space<vmem>>, vector<16xf32>,
        %parallel_loop3A_705 = arith.constant 28 : i32
        %parallel_loop3A_706 = vector.broadcast %parallel_loop3A_705 : i32 to vector<16xi32>
        %parallel_loop3A_707 = arith.addi %parallel_loop3A_409, %parallel_loop3A_706 : vector<16xi32>
        %parallel_loop3A_708 = tpu.vector_load_idx %arg5[%parallel_loop3A_707] : memref<65130xf32, #tpu.memory_space<vmem>>[vector<16xi32>], vector<16xf32>,
        %parallel_loop3A_709 = arith.constant 6656 : i32
        %parallel_loop3A_710 = arith.addi %parallel_loop3A_452, %parallel_loop3A_709 : i32
        %parallel_loop3A_711 = arith.index_cast %select_n3A_216 : i32 to index
        %parallel_loop3A_712 = arith.index_cast %parallel_loop3A_710 : i32 to index
        %parallel_loop3A_713 = tpu.vector_load %arg6[%parallel_loop3A_711, %parallel_loop3A_712] {strides = array<i32>} : memref<2x16384xf32, #tpu.memory_space<vmem>>, vector<16xf32>,
        tpu.vector_store %arg6[%parallel_loop3A_711, %parallel_loop3A_712], %parallel_loop3A_708 {strides = array<i32>} : memref<2x16384xf32, #tpu.memory_space<vmem>>, vector<16xf32>,
        %parallel_loop3A_714 = arith.constant 29 : i32
        %parallel_loop3A_715 = vector.broadcast %parallel_loop3A_714 : i32 to vector<16xi32>
        %parallel_loop3A_716 = arith.addi %parallel_loop3A_409, %parallel_loop3A_715 : vector<16xi32>
        %parallel_loop3A_717 = tpu.vector_load_idx %arg5[%parallel_loop3A_716] : memref<65130xf32, #tpu.memory_space<vmem>>[vector<16xi32>], vector<16xf32>,
        %parallel_loop3A_718 = arith.constant 6784 : i32
        %parallel_loop3A_719 = arith.addi %parallel_loop3A_452, %parallel_loop3A_718 : i32
        %parallel_loop3A_720 = arith.index_cast %select_n3A_216 : i32 to index
        %parallel_loop3A_721 = arith.index_cast %parallel_loop3A_719 : i32 to index
        %parallel_loop3A_722 = tpu.vector_load %arg6[%parallel_loop3A_720, %parallel_loop3A_721] {strides = array<i32>} : memref<2x16384xf32, #tpu.memory_space<vmem>>, vector<16xf32>,
        tpu.vector_store %arg6[%parallel_loop3A_720, %parallel_loop3A_721], %parallel_loop3A_717 {strides = array<i32>} : memref<2x16384xf32, #tpu.memory_space<vmem>>, vector<16xf32>,
        %parallel_loop3A_723 = arith.constant 30 : i32
        %parallel_loop3A_724 = vector.broadcast %parallel_loop3A_723 : i32 to vector<16xi32>
        %parallel_loop3A_725 = arith.addi %parallel_loop3A_409, %parallel_loop3A_724 : vector<16xi32>
        %parallel_loop3A_726 = tpu.vector_load_idx %arg5[%parallel_loop3A_725] : memref<65130xf32, #tpu.memory_space<vmem>>[vector<16xi32>], vector<16xf32>,
        %parallel_loop3A_727 = arith.constant 6912 : i32
        %parallel_loop3A_728 = arith.addi %parallel_loop3A_452, %parallel_loop3A_727 : i32
        %parallel_loop3A_729 = arith.index_cast %select_n3A_216 : i32 to index
        %parallel_loop3A_730 = arith.index_cast %parallel_loop3A_728 : i32 to index
        %parallel_loop3A_731 = tpu.vector_load %arg6[%parallel_loop3A_729, %parallel_loop3A_730] {strides = array<i32>} : memref<2x16384xf32, #tpu.memory_space<vmem>>, vector<16xf32>,
        tpu.vector_store %arg6[%parallel_loop3A_729, %parallel_loop3A_730], %parallel_loop3A_726 {strides = array<i32>} : memref<2x16384xf32, #tpu.memory_space<vmem>>, vector<16xf32>,
        %parallel_loop3A_732 = arith.constant 31 : i32
        %parallel_loop3A_733 = vector.broadcast %parallel_loop3A_732 : i32 to vector<16xi32>
        %parallel_loop3A_734 = arith.addi %parallel_loop3A_409, %parallel_loop3A_733 : vector<16xi32>
        %parallel_loop3A_735 = tpu.vector_load_idx %arg5[%parallel_loop3A_734] : memref<65130xf32, #tpu.memory_space<vmem>>[vector<16xi32>], vector<16xf32>,
        %parallel_loop3A_736 = arith.constant 7040 : i32
        %parallel_loop3A_737 = arith.addi %parallel_loop3A_452, %parallel_loop3A_736 : i32
        %parallel_loop3A_738 = arith.index_cast %select_n3A_216 : i32 to index
        %parallel_loop3A_739 = arith.index_cast %parallel_loop3A_737 : i32 to index
        %parallel_loop3A_740 = tpu.vector_load %arg6[%parallel_loop3A_738, %parallel_loop3A_739] {strides = array<i32>} : memref<2x16384xf32, #tpu.memory_space<vmem>>, vector<16xf32>,
        tpu.vector_store %arg6[%parallel_loop3A_738, %parallel_loop3A_739], %parallel_loop3A_735 {strides = array<i32>} : memref<2x16384xf32, #tpu.memory_space<vmem>>, vector<16xf32>,
        %parallel_loop3A_741 = arith.constant 32 : i32
        %parallel_loop3A_742 = vector.broadcast %parallel_loop3A_741 : i32 to vector<16xi32>
        %parallel_loop3A_743 = arith.addi %parallel_loop3A_409, %parallel_loop3A_742 : vector<16xi32>
        %parallel_loop3A_744 = tpu.vector_load_idx %arg5[%parallel_loop3A_743] : memref<65130xf32, #tpu.memory_space<vmem>>[vector<16xi32>], vector<16xf32>,
        %parallel_loop3A_745 = arith.constant 8192 : i32
        %parallel_loop3A_746 = arith.addi %parallel_loop3A_452, %parallel_loop3A_745 : i32
        %parallel_loop3A_747 = arith.index_cast %select_n3A_216 : i32 to index
        %parallel_loop3A_748 = arith.index_cast %parallel_loop3A_746 : i32 to index
        %parallel_loop3A_749 = tpu.vector_load %arg6[%parallel_loop3A_747, %parallel_loop3A_748] {strides = array<i32>} : memref<2x16384xf32, #tpu.memory_space<vmem>>, vector<16xf32>,
        tpu.vector_store %arg6[%parallel_loop3A_747, %parallel_loop3A_748], %parallel_loop3A_744 {strides = array<i32>} : memref<2x16384xf32, #tpu.memory_space<vmem>>, vector<16xf32>,
        %parallel_loop3A_750 = arith.constant 33 : i32
        %parallel_loop3A_751 = vector.broadcast %parallel_loop3A_750 : i32 to vector<16xi32>
        %parallel_loop3A_752 = arith.addi %parallel_loop3A_409, %parallel_loop3A_751 : vector<16xi32>
        %parallel_loop3A_753 = tpu.vector_load_idx %arg5[%parallel_loop3A_752] : memref<65130xf32, #tpu.memory_space<vmem>>[vector<16xi32>], vector<16xf32>,
        %parallel_loop3A_754 = arith.constant 8320 : i32
        %parallel_loop3A_755 = arith.addi %parallel_loop3A_452, %parallel_loop3A_754 : i32
        %parallel_loop3A_756 = arith.index_cast %select_n3A_216 : i32 to index
        %parallel_loop3A_757 = arith.index_cast %parallel_loop3A_755 : i32 to index
        %parallel_loop3A_758 = tpu.vector_load %arg6[%parallel_loop3A_756, %parallel_loop3A_757] {strides = array<i32>} : memref<2x16384xf32, #tpu.memory_space<vmem>>, vector<16xf32>,
        tpu.vector_store %arg6[%parallel_loop3A_756, %parallel_loop3A_757], %parallel_loop3A_753 {strides = array<i32>} : memref<2x16384xf32, #tpu.memory_space<vmem>>, vector<16xf32>,
        %parallel_loop3A_759 = arith.constant 34 : i32
        %parallel_loop3A_760 = vector.broadcast %parallel_loop3A_759 : i32 to vector<16xi32>
        %parallel_loop3A_761 = arith.addi %parallel_loop3A_409, %parallel_loop3A_760 : vector<16xi32>
        %parallel_loop3A_762 = tpu.vector_load_idx %arg5[%parallel_loop3A_761] : memref<65130xf32, #tpu.memory_space<vmem>>[vector<16xi32>], vector<16xf32>,
        %parallel_loop3A_763 = arith.constant 8448 : i32
        %parallel_loop3A_764 = arith.addi %parallel_loop3A_452, %parallel_loop3A_763 : i32
        %parallel_loop3A_765 = arith.index_cast %select_n3A_216 : i32 to index
        %parallel_loop3A_766 = arith.index_cast %parallel_loop3A_764 : i32 to index
        %parallel_loop3A_767 = tpu.vector_load %arg6[%parallel_loop3A_765, %parallel_loop3A_766] {strides = array<i32>} : memref<2x16384xf32, #tpu.memory_space<vmem>>, vector<16xf32>,
        tpu.vector_store %arg6[%parallel_loop3A_765, %parallel_loop3A_766], %parallel_loop3A_762 {strides = array<i32>} : memref<2x16384xf32, #tpu.memory_space<vmem>>, vector<16xf32>,
        %parallel_loop3A_768 = arith.constant 35 : i32
        %parallel_loop3A_769 = vector.broadcast %parallel_loop3A_768 : i32 to vector<16xi32>
        %parallel_loop3A_770 = arith.addi %parallel_loop3A_409, %parallel_loop3A_769 : vector<16xi32>
        %parallel_loop3A_771 = tpu.vector_load_idx %arg5[%parallel_loop3A_770] : memref<65130xf32, #tpu.memory_space<vmem>>[vector<16xi32>], vector<16xf32>,
        %parallel_loop3A_772 = arith.constant 8576 : i32
        %parallel_loop3A_773 = arith.addi %parallel_loop3A_452, %parallel_loop3A_772 : i32
        %parallel_loop3A_774 = arith.index_cast %select_n3A_216 : i32 to index
        %parallel_loop3A_775 = arith.index_cast %parallel_loop3A_773 : i32 to index
        %parallel_loop3A_776 = tpu.vector_load %arg6[%parallel_loop3A_774, %parallel_loop3A_775] {strides = array<i32>} : memref<2x16384xf32, #tpu.memory_space<vmem>>, vector<16xf32>,
        tpu.vector_store %arg6[%parallel_loop3A_774, %parallel_loop3A_775], %parallel_loop3A_771 {strides = array<i32>} : memref<2x16384xf32, #tpu.memory_space<vmem>>, vector<16xf32>,
        %parallel_loop3A_777 = arith.constant 36 : i32
        %parallel_loop3A_778 = vector.broadcast %parallel_loop3A_777 : i32 to vector<16xi32>
        %parallel_loop3A_779 = arith.addi %parallel_loop3A_409, %parallel_loop3A_778 : vector<16xi32>
        %parallel_loop3A_780 = tpu.vector_load_idx %arg5[%parallel_loop3A_779] : memref<65130xf32, #tpu.memory_space<vmem>>[vector<16xi32>], vector<16xf32>,
        %parallel_loop3A_781 = arith.constant 8704 : i32
        %parallel_loop3A_782 = arith.addi %parallel_loop3A_452, %parallel_loop3A_781 : i32
        %parallel_loop3A_783 = arith.index_cast %select_n3A_216 : i32 to index
        %parallel_loop3A_784 = arith.index_cast %parallel_loop3A_782 : i32 to index
        %parallel_loop3A_785 = tpu.vector_load %arg6[%parallel_loop3A_783, %parallel_loop3A_784] {strides = array<i32>} : memref<2x16384xf32, #tpu.memory_space<vmem>>, vector<16xf32>,
        tpu.vector_store %arg6[%parallel_loop3A_783, %parallel_loop3A_784], %parallel_loop3A_780 {strides = array<i32>} : memref<2x16384xf32, #tpu.memory_space<vmem>>, vector<16xf32>,
        %parallel_loop3A_786 = arith.constant 37 : i32
        %parallel_loop3A_787 = vector.broadcast %parallel_loop3A_786 : i32 to vector<16xi32>
        %parallel_loop3A_788 = arith.addi %parallel_loop3A_409, %parallel_loop3A_787 : vector<16xi32>
        %parallel_loop3A_789 = tpu.vector_load_idx %arg5[%parallel_loop3A_788] : memref<65130xf32, #tpu.memory_space<vmem>>[vector<16xi32>], vector<16xf32>,
        %parallel_loop3A_790 = arith.constant 8832 : i32
        %parallel_loop3A_791 = arith.addi %parallel_loop3A_452, %parallel_loop3A_790 : i32
        %parallel_loop3A_792 = arith.index_cast %select_n3A_216 : i32 to index
        %parallel_loop3A_793 = arith.index_cast %parallel_loop3A_791 : i32 to index
        %parallel_loop3A_794 = tpu.vector_load %arg6[%parallel_loop3A_792, %parallel_loop3A_793] {strides = array<i32>} : memref<2x16384xf32, #tpu.memory_space<vmem>>, vector<16xf32>,
        tpu.vector_store %arg6[%parallel_loop3A_792, %parallel_loop3A_793], %parallel_loop3A_789 {strides = array<i32>} : memref<2x16384xf32, #tpu.memory_space<vmem>>, vector<16xf32>,
        %parallel_loop3A_795 = arith.constant 38 : i32
        %parallel_loop3A_796 = vector.broadcast %parallel_loop3A_795 : i32 to vector<16xi32>
        %parallel_loop3A_797 = arith.addi %parallel_loop3A_409, %parallel_loop3A_796 : vector<16xi32>
        %parallel_loop3A_798 = tpu.vector_load_idx %arg5[%parallel_loop3A_797] : memref<65130xf32, #tpu.memory_space<vmem>>[vector<16xi32>], vector<16xf32>,
        %parallel_loop3A_799 = arith.constant 8960 : i32
        %parallel_loop3A_800 = arith.addi %parallel_loop3A_452, %parallel_loop3A_799 : i32
        %parallel_loop3A_801 = arith.index_cast %select_n3A_216 : i32 to index
        %parallel_loop3A_802 = arith.index_cast %parallel_loop3A_800 : i32 to index
        %parallel_loop3A_803 = tpu.vector_load %arg6[%parallel_loop3A_801, %parallel_loop3A_802] {strides = array<i32>} : memref<2x16384xf32, #tpu.memory_space<vmem>>, vector<16xf32>,
        tpu.vector_store %arg6[%parallel_loop3A_801, %parallel_loop3A_802], %parallel_loop3A_798 {strides = array<i32>} : memref<2x16384xf32, #tpu.memory_space<vmem>>, vector<16xf32>,
        %parallel_loop3A_804 = arith.constant 39 : i32
        %parallel_loop3A_805 = vector.broadcast %parallel_loop3A_804 : i32 to vector<16xi32>
        %parallel_loop3A_806 = arith.addi %parallel_loop3A_409, %parallel_loop3A_805 : vector<16xi32>
        %parallel_loop3A_807 = tpu.vector_load_idx %arg5[%parallel_loop3A_806] : memref<65130xf32, #tpu.memory_space<vmem>>[vector<16xi32>], vector<16xf32>,
        %parallel_loop3A_808 = arith.constant 9088 : i32
        %parallel_loop3A_809 = arith.addi %parallel_loop3A_452, %parallel_loop3A_808 : i32
        %parallel_loop3A_810 = arith.index_cast %select_n3A_216 : i32 to index
        %parallel_loop3A_811 = arith.index_cast %parallel_loop3A_809 : i32 to index
        %parallel_loop3A_812 = tpu.vector_load %arg6[%parallel_loop3A_810, %parallel_loop3A_811] {strides = array<i32>} : memref<2x16384xf32, #tpu.memory_space<vmem>>, vector<16xf32>,
        tpu.vector_store %arg6[%parallel_loop3A_810, %parallel_loop3A_811], %parallel_loop3A_807 {strides = array<i32>} : memref<2x16384xf32, #tpu.memory_space<vmem>>, vector<16xf32>,
        %parallel_loop3A_813 = arith.constant 40 : i32
        %parallel_loop3A_814 = vector.broadcast %parallel_loop3A_813 : i32 to vector<16xi32>
        %parallel_loop3A_815 = arith.addi %parallel_loop3A_409, %parallel_loop3A_814 : vector<16xi32>
        %parallel_loop3A_816 = tpu.vector_load_idx %arg5[%parallel_loop3A_815] : memref<65130xf32, #tpu.memory_space<vmem>>[vector<16xi32>], vector<16xf32>,
        %parallel_loop3A_817 = arith.constant 10240 : i32
        %parallel_loop3A_818 = arith.addi %parallel_loop3A_452, %parallel_loop3A_817 : i32
        %parallel_loop3A_819 = arith.index_cast %select_n3A_216 : i32 to index
        %parallel_loop3A_820 = arith.index_cast %parallel_loop3A_818 : i32 to index
        %parallel_loop3A_821 = tpu.vector_load %arg6[%parallel_loop3A_819, %parallel_loop3A_820] {strides = array<i32>} : memref<2x16384xf32, #tpu.memory_space<vmem>>, vector<16xf32>,
        tpu.vector_store %arg6[%parallel_loop3A_819, %parallel_loop3A_820], %parallel_loop3A_816 {strides = array<i32>} : memref<2x16384xf32, #tpu.memory_space<vmem>>, vector<16xf32>,
        %parallel_loop3A_822 = arith.constant 41 : i32
        %parallel_loop3A_823 = vector.broadcast %parallel_loop3A_822 : i32 to vector<16xi32>
        %parallel_loop3A_824 = arith.addi %parallel_loop3A_409, %parallel_loop3A_823 : vector<16xi32>
        %parallel_loop3A_825 = tpu.vector_load_idx %arg5[%parallel_loop3A_824] : memref<65130xf32, #tpu.memory_space<vmem>>[vector<16xi32>], vector<16xf32>,
        %parallel_loop3A_826 = arith.constant 10368 : i32
        %parallel_loop3A_827 = arith.addi %parallel_loop3A_452, %parallel_loop3A_826 : i32
        %parallel_loop3A_828 = arith.index_cast %select_n3A_216 : i32 to index
        %parallel_loop3A_829 = arith.index_cast %parallel_loop3A_827 : i32 to index
        %parallel_loop3A_830 = tpu.vector_load %arg6[%parallel_loop3A_828, %parallel_loop3A_829] {strides = array<i32>} : memref<2x16384xf32, #tpu.memory_space<vmem>>, vector<16xf32>,
        tpu.vector_store %arg6[%parallel_loop3A_828, %parallel_loop3A_829], %parallel_loop3A_825 {strides = array<i32>} : memref<2x16384xf32, #tpu.memory_space<vmem>>, vector<16xf32>,
        %parallel_loop3A_831 = arith.constant 42 : i32
        %parallel_loop3A_832 = vector.broadcast %parallel_loop3A_831 : i32 to vector<16xi32>
        %parallel_loop3A_833 = arith.addi %parallel_loop3A_409, %parallel_loop3A_832 : vector<16xi32>
        %parallel_loop3A_834 = tpu.vector_load_idx %arg5[%parallel_loop3A_833] : memref<65130xf32, #tpu.memory_space<vmem>>[vector<16xi32>], vector<16xf32>,
        %parallel_loop3A_835 = arith.constant 10496 : i32
        %parallel_loop3A_836 = arith.addi %parallel_loop3A_452, %parallel_loop3A_835 : i32
        %parallel_loop3A_837 = arith.index_cast %select_n3A_216 : i32 to index
        %parallel_loop3A_838 = arith.index_cast %parallel_loop3A_836 : i32 to index
        %parallel_loop3A_839 = tpu.vector_load %arg6[%parallel_loop3A_837, %parallel_loop3A_838] {strides = array<i32>} : memref<2x16384xf32, #tpu.memory_space<vmem>>, vector<16xf32>,
        tpu.vector_store %arg6[%parallel_loop3A_837, %parallel_loop3A_838], %parallel_loop3A_834 {strides = array<i32>} : memref<2x16384xf32, #tpu.memory_space<vmem>>, vector<16xf32>,
        %parallel_loop3A_840 = arith.constant 43 : i32
        %parallel_loop3A_841 = vector.broadcast %parallel_loop3A_840 : i32 to vector<16xi32>
        %parallel_loop3A_842 = arith.addi %parallel_loop3A_409, %parallel_loop3A_841 : vector<16xi32>
        %parallel_loop3A_843 = tpu.vector_load_idx %arg5[%parallel_loop3A_842] : memref<65130xf32, #tpu.memory_space<vmem>>[vector<16xi32>], vector<16xf32>,
        %parallel_loop3A_844 = arith.constant 10624 : i32
        %parallel_loop3A_845 = arith.addi %parallel_loop3A_452, %parallel_loop3A_844 : i32
        %parallel_loop3A_846 = arith.index_cast %select_n3A_216 : i32 to index
        %parallel_loop3A_847 = arith.index_cast %parallel_loop3A_845 : i32 to index
        %parallel_loop3A_848 = tpu.vector_load %arg6[%parallel_loop3A_846, %parallel_loop3A_847] {strides = array<i32>} : memref<2x16384xf32, #tpu.memory_space<vmem>>, vector<16xf32>,
        tpu.vector_store %arg6[%parallel_loop3A_846, %parallel_loop3A_847], %parallel_loop3A_843 {strides = array<i32>} : memref<2x16384xf32, #tpu.memory_space<vmem>>, vector<16xf32>,
        %parallel_loop3A_849 = arith.constant 44 : i32
        %parallel_loop3A_850 = vector.broadcast %parallel_loop3A_849 : i32 to vector<16xi32>
        %parallel_loop3A_851 = arith.addi %parallel_loop3A_409, %parallel_loop3A_850 : vector<16xi32>
        %parallel_loop3A_852 = tpu.vector_load_idx %arg5[%parallel_loop3A_851] : memref<65130xf32, #tpu.memory_space<vmem>>[vector<16xi32>], vector<16xf32>,
        %parallel_loop3A_853 = arith.constant 10752 : i32
        %parallel_loop3A_854 = arith.addi %parallel_loop3A_452, %parallel_loop3A_853 : i32
        %parallel_loop3A_855 = arith.index_cast %select_n3A_216 : i32 to index
        %parallel_loop3A_856 = arith.index_cast %parallel_loop3A_854 : i32 to index
        %parallel_loop3A_857 = tpu.vector_load %arg6[%parallel_loop3A_855, %parallel_loop3A_856] {strides = array<i32>} : memref<2x16384xf32, #tpu.memory_space<vmem>>, vector<16xf32>,
        tpu.vector_store %arg6[%parallel_loop3A_855, %parallel_loop3A_856], %parallel_loop3A_852 {strides = array<i32>} : memref<2x16384xf32, #tpu.memory_space<vmem>>, vector<16xf32>,
        %parallel_loop3A_858 = arith.constant 45 : i32
        %parallel_loop3A_859 = vector.broadcast %parallel_loop3A_858 : i32 to vector<16xi32>
        %parallel_loop3A_860 = arith.addi %parallel_loop3A_409, %parallel_loop3A_859 : vector<16xi32>
        %parallel_loop3A_861 = tpu.vector_load_idx %arg5[%parallel_loop3A_860] : memref<65130xf32, #tpu.memory_space<vmem>>[vector<16xi32>], vector<16xf32>,
        %parallel_loop3A_862 = arith.constant 10880 : i32
        %parallel_loop3A_863 = arith.addi %parallel_loop3A_452, %parallel_loop3A_862 : i32
        %parallel_loop3A_864 = arith.index_cast %select_n3A_216 : i32 to index
        %parallel_loop3A_865 = arith.index_cast %parallel_loop3A_863 : i32 to index
        %parallel_loop3A_866 = tpu.vector_load %arg6[%parallel_loop3A_864, %parallel_loop3A_865] {strides = array<i32>} : memref<2x16384xf32, #tpu.memory_space<vmem>>, vector<16xf32>,
        tpu.vector_store %arg6[%parallel_loop3A_864, %parallel_loop3A_865], %parallel_loop3A_861 {strides = array<i32>} : memref<2x16384xf32, #tpu.memory_space<vmem>>, vector<16xf32>,
        %parallel_loop3A_867 = arith.constant 46 : i32
        %parallel_loop3A_868 = vector.broadcast %parallel_loop3A_867 : i32 to vector<16xi32>
        %parallel_loop3A_869 = arith.addi %parallel_loop3A_409, %parallel_loop3A_868 : vector<16xi32>
        %parallel_loop3A_870 = tpu.vector_load_idx %arg5[%parallel_loop3A_869] : memref<65130xf32, #tpu.memory_space<vmem>>[vector<16xi32>], vector<16xf32>,
        %parallel_loop3A_871 = arith.constant 11008 : i32
        %parallel_loop3A_872 = arith.addi %parallel_loop3A_452, %parallel_loop3A_871 : i32
        %parallel_loop3A_873 = arith.index_cast %select_n3A_216 : i32 to index
        %parallel_loop3A_874 = arith.index_cast %parallel_loop3A_872 : i32 to index
        %parallel_loop3A_875 = tpu.vector_load %arg6[%parallel_loop3A_873, %parallel_loop3A_874] {strides = array<i32>} : memref<2x16384xf32, #tpu.memory_space<vmem>>, vector<16xf32>,
        tpu.vector_store %arg6[%parallel_loop3A_873, %parallel_loop3A_874], %parallel_loop3A_870 {strides = array<i32>} : memref<2x16384xf32, #tpu.memory_space<vmem>>, vector<16xf32>,
        %parallel_loop3A_876 = arith.constant 47 : i32
        %parallel_loop3A_877 = vector.broadcast %parallel_loop3A_876 : i32 to vector<16xi32>
        %parallel_loop3A_878 = arith.addi %parallel_loop3A_409, %parallel_loop3A_877 : vector<16xi32>
        %parallel_loop3A_879 = tpu.vector_load_idx %arg5[%parallel_loop3A_878] : memref<65130xf32, #tpu.memory_space<vmem>>[vector<16xi32>], vector<16xf32>,
        %parallel_loop3A_880 = arith.constant 11136 : i32
        %parallel_loop3A_881 = arith.addi %parallel_loop3A_452, %parallel_loop3A_880 : i32
        %parallel_loop3A_882 = arith.index_cast %select_n3A_216 : i32 to index
        %parallel_loop3A_883 = arith.index_cast %parallel_loop3A_881 : i32 to index
        %parallel_loop3A_884 = tpu.vector_load %arg6[%parallel_loop3A_882, %parallel_loop3A_883] {strides = array<i32>} : memref<2x16384xf32, #tpu.memory_space<vmem>>, vector<16xf32>,
        tpu.vector_store %arg6[%parallel_loop3A_882, %parallel_loop3A_883], %parallel_loop3A_879 {strides = array<i32>} : memref<2x16384xf32, #tpu.memory_space<vmem>>, vector<16xf32>,
        %parallel_loop3A_885 = arith.constant 48 : i32
        %parallel_loop3A_886 = vector.broadcast %parallel_loop3A_885 : i32 to vector<16xi32>
        %parallel_loop3A_887 = arith.addi %parallel_loop3A_409, %parallel_loop3A_886 : vector<16xi32>
        %parallel_loop3A_888 = tpu.vector_load_idx %arg5[%parallel_loop3A_887] : memref<65130xf32, #tpu.memory_space<vmem>>[vector<16xi32>], vector<16xf32>,
        %parallel_loop3A_889 = arith.constant 12288 : i32
        %parallel_loop3A_890 = arith.addi %parallel_loop3A_452, %parallel_loop3A_889 : i32
        %parallel_loop3A_891 = arith.index_cast %select_n3A_216 : i32 to index
        %parallel_loop3A_892 = arith.index_cast %parallel_loop3A_890 : i32 to index
        %parallel_loop3A_893 = tpu.vector_load %arg6[%parallel_loop3A_891, %parallel_loop3A_892] {strides = array<i32>} : memref<2x16384xf32, #tpu.memory_space<vmem>>, vector<16xf32>,
        tpu.vector_store %arg6[%parallel_loop3A_891, %parallel_loop3A_892], %parallel_loop3A_888 {strides = array<i32>} : memref<2x16384xf32, #tpu.memory_space<vmem>>, vector<16xf32>,
        %parallel_loop3A_894 = arith.constant 49 : i32
        %parallel_loop3A_895 = vector.broadcast %parallel_loop3A_894 : i32 to vector<16xi32>
        %parallel_loop3A_896 = arith.addi %parallel_loop3A_409, %parallel_loop3A_895 : vector<16xi32>
        %parallel_loop3A_897 = tpu.vector_load_idx %arg5[%parallel_loop3A_896] : memref<65130xf32, #tpu.memory_space<vmem>>[vector<16xi32>], vector<16xf32>,
        %parallel_loop3A_898 = arith.constant 12416 : i32
        %parallel_loop3A_899 = arith.addi %parallel_loop3A_452, %parallel_loop3A_898 : i32
        %parallel_loop3A_900 = arith.index_cast %select_n3A_216 : i32 to index
        %parallel_loop3A_901 = arith.index_cast %parallel_loop3A_899 : i32 to index
        %parallel_loop3A_902 = tpu.vector_load %arg6[%parallel_loop3A_900, %parallel_loop3A_901] {strides = array<i32>} : memref<2x16384xf32, #tpu.memory_space<vmem>>, vector<16xf32>,
        tpu.vector_store %arg6[%parallel_loop3A_900, %parallel_loop3A_901], %parallel_loop3A_897 {strides = array<i32>} : memref<2x16384xf32, #tpu.memory_space<vmem>>, vector<16xf32>,
        %parallel_loop3A_903 = arith.constant 50 : i32
        %parallel_loop3A_904 = vector.broadcast %parallel_loop3A_903 : i32 to vector<16xi32>
        %parallel_loop3A_905 = arith.addi %parallel_loop3A_409, %parallel_loop3A_904 : vector<16xi32>
        %parallel_loop3A_906 = tpu.vector_load_idx %arg5[%parallel_loop3A_905] : memref<65130xf32, #tpu.memory_space<vmem>>[vector<16xi32>], vector<16xf32>,
        %parallel_loop3A_907 = arith.constant 12544 : i32
        %parallel_loop3A_908 = arith.addi %parallel_loop3A_452, %parallel_loop3A_907 : i32
        %parallel_loop3A_909 = arith.index_cast %select_n3A_216 : i32 to index
        %parallel_loop3A_910 = arith.index_cast %parallel_loop3A_908 : i32 to index
        %parallel_loop3A_911 = tpu.vector_load %arg6[%parallel_loop3A_909, %parallel_loop3A_910] {strides = array<i32>} : memref<2x16384xf32, #tpu.memory_space<vmem>>, vector<16xf32>,
        tpu.vector_store %arg6[%parallel_loop3A_909, %parallel_loop3A_910], %parallel_loop3A_906 {strides = array<i32>} : memref<2x16384xf32, #tpu.memory_space<vmem>>, vector<16xf32>,
        %parallel_loop3A_912 = arith.constant 51 : i32
        %parallel_loop3A_913 = vector.broadcast %parallel_loop3A_912 : i32 to vector<16xi32>
        %parallel_loop3A_914 = arith.addi %parallel_loop3A_409, %parallel_loop3A_913 : vector<16xi32>
        %parallel_loop3A_915 = tpu.vector_load_idx %arg5[%parallel_loop3A_914] : memref<65130xf32, #tpu.memory_space<vmem>>[vector<16xi32>], vector<16xf32>,
        %parallel_loop3A_916 = arith.constant 12672 : i32
        %parallel_loop3A_917 = arith.addi %parallel_loop3A_452, %parallel_loop3A_916 : i32
        %parallel_loop3A_918 = arith.index_cast %select_n3A_216 : i32 to index
        %parallel_loop3A_919 = arith.index_cast %parallel_loop3A_917 : i32 to index
        %parallel_loop3A_920 = tpu.vector_load %arg6[%parallel_loop3A_918, %parallel_loop3A_919] {strides = array<i32>} : memref<2x16384xf32, #tpu.memory_space<vmem>>, vector<16xf32>,
        tpu.vector_store %arg6[%parallel_loop3A_918, %parallel_loop3A_919], %parallel_loop3A_915 {strides = array<i32>} : memref<2x16384xf32, #tpu.memory_space<vmem>>, vector<16xf32>,
        %parallel_loop3A_921 = arith.constant 52 : i32
        %parallel_loop3A_922 = vector.broadcast %parallel_loop3A_921 : i32 to vector<16xi32>
        %parallel_loop3A_923 = arith.addi %parallel_loop3A_409, %parallel_loop3A_922 : vector<16xi32>
        %parallel_loop3A_924 = tpu.vector_load_idx %arg5[%parallel_loop3A_923] : memref<65130xf32, #tpu.memory_space<vmem>>[vector<16xi32>], vector<16xf32>,
        %parallel_loop3A_925 = arith.constant 12800 : i32
        %parallel_loop3A_926 = arith.addi %parallel_loop3A_452, %parallel_loop3A_925 : i32
        %parallel_loop3A_927 = arith.index_cast %select_n3A_216 : i32 to index
        %parallel_loop3A_928 = arith.index_cast %parallel_loop3A_926 : i32 to index
        %parallel_loop3A_929 = tpu.vector_load %arg6[%parallel_loop3A_927, %parallel_loop3A_928] {strides = array<i32>} : memref<2x16384xf32, #tpu.memory_space<vmem>>, vector<16xf32>,
        tpu.vector_store %arg6[%parallel_loop3A_927, %parallel_loop3A_928], %parallel_loop3A_924 {strides = array<i32>} : memref<2x16384xf32, #tpu.memory_space<vmem>>, vector<16xf32>,
        %parallel_loop3A_930 = arith.constant 53 : i32
        %parallel_loop3A_931 = vector.broadcast %parallel_loop3A_930 : i32 to vector<16xi32>
        %parallel_loop3A_932 = arith.addi %parallel_loop3A_409, %parallel_loop3A_931 : vector<16xi32>
        %parallel_loop3A_933 = tpu.vector_load_idx %arg5[%parallel_loop3A_932] : memref<65130xf32, #tpu.memory_space<vmem>>[vector<16xi32>], vector<16xf32>,
        %parallel_loop3A_934 = arith.constant 12928 : i32
        %parallel_loop3A_935 = arith.addi %parallel_loop3A_452, %parallel_loop3A_934 : i32
        %parallel_loop3A_936 = arith.index_cast %select_n3A_216 : i32 to index
        %parallel_loop3A_937 = arith.index_cast %parallel_loop3A_935 : i32 to index
        %parallel_loop3A_938 = tpu.vector_load %arg6[%parallel_loop3A_936, %parallel_loop3A_937] {strides = array<i32>} : memref<2x16384xf32, #tpu.memory_space<vmem>>, vector<16xf32>,
        tpu.vector_store %arg6[%parallel_loop3A_936, %parallel_loop3A_937], %parallel_loop3A_933 {strides = array<i32>} : memref<2x16384xf32, #tpu.memory_space<vmem>>, vector<16xf32>,
        %parallel_loop3A_939 = arith.constant 54 : i32
        %parallel_loop3A_940 = vector.broadcast %parallel_loop3A_939 : i32 to vector<16xi32>
        %parallel_loop3A_941 = arith.addi %parallel_loop3A_409, %parallel_loop3A_940 : vector<16xi32>
        %parallel_loop3A_942 = tpu.vector_load_idx %arg5[%parallel_loop3A_941] : memref<65130xf32, #tpu.memory_space<vmem>>[vector<16xi32>], vector<16xf32>,
        %parallel_loop3A_943 = arith.constant 13056 : i32
        %parallel_loop3A_944 = arith.addi %parallel_loop3A_452, %parallel_loop3A_943 : i32
        %parallel_loop3A_945 = arith.index_cast %select_n3A_216 : i32 to index
        %parallel_loop3A_946 = arith.index_cast %parallel_loop3A_944 : i32 to index
        %parallel_loop3A_947 = tpu.vector_load %arg6[%parallel_loop3A_945, %parallel_loop3A_946] {strides = array<i32>} : memref<2x16384xf32, #tpu.memory_space<vmem>>, vector<16xf32>,
        tpu.vector_store %arg6[%parallel_loop3A_945, %parallel_loop3A_946], %parallel_loop3A_942 {strides = array<i32>} : memref<2x16384xf32, #tpu.memory_space<vmem>>, vector<16xf32>,
        %parallel_loop3A_948 = arith.constant 55 : i32
        %parallel_loop3A_949 = vector.broadcast %parallel_loop3A_948 : i32 to vector<16xi32>
        %parallel_loop3A_950 = arith.addi %parallel_loop3A_409, %parallel_loop3A_949 : vector<16xi32>
        %parallel_loop3A_951 = tpu.vector_load_idx %arg5[%parallel_loop3A_950] : memref<65130xf32, #tpu.memory_space<vmem>>[vector<16xi32>], vector<16xf32>,
        %parallel_loop3A_952 = arith.constant 13184 : i32
        %parallel_loop3A_953 = arith.addi %parallel_loop3A_452, %parallel_loop3A_952 : i32
        %parallel_loop3A_954 = arith.index_cast %select_n3A_216 : i32 to index
        %parallel_loop3A_955 = arith.index_cast %parallel_loop3A_953 : i32 to index
        %parallel_loop3A_956 = tpu.vector_load %arg6[%parallel_loop3A_954, %parallel_loop3A_955] {strides = array<i32>} : memref<2x16384xf32, #tpu.memory_space<vmem>>, vector<16xf32>,
        tpu.vector_store %arg6[%parallel_loop3A_954, %parallel_loop3A_955], %parallel_loop3A_951 {strides = array<i32>} : memref<2x16384xf32, #tpu.memory_space<vmem>>, vector<16xf32>,
        %parallel_loop3A_957 = arith.constant 56 : i32
        %parallel_loop3A_958 = vector.broadcast %parallel_loop3A_957 : i32 to vector<16xi32>
        %parallel_loop3A_959 = arith.addi %parallel_loop3A_409, %parallel_loop3A_958 : vector<16xi32>
        %parallel_loop3A_960 = tpu.vector_load_idx %arg5[%parallel_loop3A_959] : memref<65130xf32, #tpu.memory_space<vmem>>[vector<16xi32>], vector<16xf32>,
        %parallel_loop3A_961 = arith.constant 14336 : i32
        %parallel_loop3A_962 = arith.addi %parallel_loop3A_452, %parallel_loop3A_961 : i32
        %parallel_loop3A_963 = arith.index_cast %select_n3A_216 : i32 to index
        %parallel_loop3A_964 = arith.index_cast %parallel_loop3A_962 : i32 to index
        %parallel_loop3A_965 = tpu.vector_load %arg6[%parallel_loop3A_963, %parallel_loop3A_964] {strides = array<i32>} : memref<2x16384xf32, #tpu.memory_space<vmem>>, vector<16xf32>,
        tpu.vector_store %arg6[%parallel_loop3A_963, %parallel_loop3A_964], %parallel_loop3A_960 {strides = array<i32>} : memref<2x16384xf32, #tpu.memory_space<vmem>>, vector<16xf32>,
        %parallel_loop3A_966 = arith.constant 57 : i32
        %parallel_loop3A_967 = vector.broadcast %parallel_loop3A_966 : i32 to vector<16xi32>
        %parallel_loop3A_968 = arith.addi %parallel_loop3A_409, %parallel_loop3A_967 : vector<16xi32>
        %parallel_loop3A_969 = tpu.vector_load_idx %arg5[%parallel_loop3A_968] : memref<65130xf32, #tpu.memory_space<vmem>>[vector<16xi32>], vector<16xf32>,
        %parallel_loop3A_970 = arith.constant 14464 : i32
        %parallel_loop3A_971 = arith.addi %parallel_loop3A_452, %parallel_loop3A_970 : i32
        %parallel_loop3A_972 = arith.index_cast %select_n3A_216 : i32 to index
        %parallel_loop3A_973 = arith.index_cast %parallel_loop3A_971 : i32 to index
        %parallel_loop3A_974 = tpu.vector_load %arg6[%parallel_loop3A_972, %parallel_loop3A_973] {strides = array<i32>} : memref<2x16384xf32, #tpu.memory_space<vmem>>, vector<16xf32>,
        tpu.vector_store %arg6[%parallel_loop3A_972, %parallel_loop3A_973], %parallel_loop3A_969 {strides = array<i32>} : memref<2x16384xf32, #tpu.memory_space<vmem>>, vector<16xf32>,
        %parallel_loop3A_975 = arith.constant 58 : i32
        %parallel_loop3A_976 = vector.broadcast %parallel_loop3A_975 : i32 to vector<16xi32>
        %parallel_loop3A_977 = arith.addi %parallel_loop3A_409, %parallel_loop3A_976 : vector<16xi32>
        %parallel_loop3A_978 = tpu.vector_load_idx %arg5[%parallel_loop3A_977] : memref<65130xf32, #tpu.memory_space<vmem>>[vector<16xi32>], vector<16xf32>,
        %parallel_loop3A_979 = arith.constant 14592 : i32
        %parallel_loop3A_980 = arith.addi %parallel_loop3A_452, %parallel_loop3A_979 : i32
        %parallel_loop3A_981 = arith.index_cast %select_n3A_216 : i32 to index
        %parallel_loop3A_982 = arith.index_cast %parallel_loop3A_980 : i32 to index
        %parallel_loop3A_983 = tpu.vector_load %arg6[%parallel_loop3A_981, %parallel_loop3A_982] {strides = array<i32>} : memref<2x16384xf32, #tpu.memory_space<vmem>>, vector<16xf32>,
        tpu.vector_store %arg6[%parallel_loop3A_981, %parallel_loop3A_982], %parallel_loop3A_978 {strides = array<i32>} : memref<2x16384xf32, #tpu.memory_space<vmem>>, vector<16xf32>,
        %parallel_loop3A_984 = arith.constant 59 : i32
        %parallel_loop3A_985 = vector.broadcast %parallel_loop3A_984 : i32 to vector<16xi32>
        %parallel_loop3A_986 = arith.addi %parallel_loop3A_409, %parallel_loop3A_985 : vector<16xi32>
        %parallel_loop3A_987 = tpu.vector_load_idx %arg5[%parallel_loop3A_986] : memref<65130xf32, #tpu.memory_space<vmem>>[vector<16xi32>], vector<16xf32>,
        %parallel_loop3A_988 = arith.constant 14720 : i32
        %parallel_loop3A_989 = arith.addi %parallel_loop3A_452, %parallel_loop3A_988 : i32
        %parallel_loop3A_990 = arith.index_cast %select_n3A_216 : i32 to index
        %parallel_loop3A_991 = arith.index_cast %parallel_loop3A_989 : i32 to index
        %parallel_loop3A_992 = tpu.vector_load %arg6[%parallel_loop3A_990, %parallel_loop3A_991] {strides = array<i32>} : memref<2x16384xf32, #tpu.memory_space<vmem>>, vector<16xf32>,
        tpu.vector_store %arg6[%parallel_loop3A_990, %parallel_loop3A_991], %parallel_loop3A_987 {strides = array<i32>} : memref<2x16384xf32, #tpu.memory_space<vmem>>, vector<16xf32>,
        %parallel_loop3A_993 = arith.constant 60 : i32
        %parallel_loop3A_994 = vector.broadcast %parallel_loop3A_993 : i32 to vector<16xi32>
        %parallel_loop3A_995 = arith.addi %parallel_loop3A_409, %parallel_loop3A_994 : vector<16xi32>
        %parallel_loop3A_996 = tpu.vector_load_idx %arg5[%parallel_loop3A_995] : memref<65130xf32, #tpu.memory_space<vmem>>[vector<16xi32>], vector<16xf32>,
        %parallel_loop3A_997 = arith.constant 14848 : i32
        %parallel_loop3A_998 = arith.addi %parallel_loop3A_452, %parallel_loop3A_997 : i32
        %parallel_loop3A_999 = arith.index_cast %select_n3A_216 : i32 to index
        %parallel_loop3A_1000 = arith.index_cast %parallel_loop3A_998 : i32 to index
        %parallel_loop3A_1001 = tpu.vector_load %arg6[%parallel_loop3A_999, %parallel_loop3A_1000] {strides = array<i32>} : memref<2x16384xf32, #tpu.memory_space<vmem>>, vector<16xf32>,
        tpu.vector_store %arg6[%parallel_loop3A_999, %parallel_loop3A_1000], %parallel_loop3A_996 {strides = array<i32>} : memref<2x16384xf32, #tpu.memory_space<vmem>>, vector<16xf32>,
        %parallel_loop3A_1002 = arith.constant 61 : i32
        %parallel_loop3A_1003 = vector.broadcast %parallel_loop3A_1002 : i32 to vector<16xi32>
        %parallel_loop3A_1004 = arith.addi %parallel_loop3A_409, %parallel_loop3A_1003 : vector<16xi32>
        %parallel_loop3A_1005 = tpu.vector_load_idx %arg5[%parallel_loop3A_1004] : memref<65130xf32, #tpu.memory_space<vmem>>[vector<16xi32>], vector<16xf32>,
        %parallel_loop3A_1006 = arith.constant 14976 : i32
        %parallel_loop3A_1007 = arith.addi %parallel_loop3A_452, %parallel_loop3A_1006 : i32
        %parallel_loop3A_1008 = arith.index_cast %select_n3A_216 : i32 to index
        %parallel_loop3A_1009 = arith.index_cast %parallel_loop3A_1007 : i32 to index
        %parallel_loop3A_1010 = tpu.vector_load %arg6[%parallel_loop3A_1008, %parallel_loop3A_1009] {strides = array<i32>} : memref<2x16384xf32, #tpu.memory_space<vmem>>, vector<16xf32>,
        tpu.vector_store %arg6[%parallel_loop3A_1008, %parallel_loop3A_1009], %parallel_loop3A_1005 {strides = array<i32>} : memref<2x16384xf32, #tpu.memory_space<vmem>>, vector<16xf32>,
        %parallel_loop3A_1011 = arith.constant 62 : i32
        %parallel_loop3A_1012 = vector.broadcast %parallel_loop3A_1011 : i32 to vector<16xi32>
        %parallel_loop3A_1013 = arith.addi %parallel_loop3A_409, %parallel_loop3A_1012 : vector<16xi32>
        %parallel_loop3A_1014 = tpu.vector_load_idx %arg5[%parallel_loop3A_1013] : memref<65130xf32, #tpu.memory_space<vmem>>[vector<16xi32>], vector<16xf32>,
        %parallel_loop3A_1015 = arith.constant 15104 : i32
        %parallel_loop3A_1016 = arith.addi %parallel_loop3A_452, %parallel_loop3A_1015 : i32
        %parallel_loop3A_1017 = arith.index_cast %select_n3A_216 : i32 to index
        %parallel_loop3A_1018 = arith.index_cast %parallel_loop3A_1016 : i32 to index
        %parallel_loop3A_1019 = tpu.vector_load %arg6[%parallel_loop3A_1017, %parallel_loop3A_1018] {strides = array<i32>} : memref<2x16384xf32, #tpu.memory_space<vmem>>, vector<16xf32>,
        tpu.vector_store %arg6[%parallel_loop3A_1017, %parallel_loop3A_1018], %parallel_loop3A_1014 {strides = array<i32>} : memref<2x16384xf32, #tpu.memory_space<vmem>>, vector<16xf32>,
        %parallel_loop3A_1020 = arith.constant 63 : i32
        %parallel_loop3A_1021 = vector.broadcast %parallel_loop3A_1020 : i32 to vector<16xi32>
        %parallel_loop3A_1022 = arith.addi %parallel_loop3A_409, %parallel_loop3A_1021 : vector<16xi32>
        %parallel_loop3A_1023 = tpu.vector_load_idx %arg5[%parallel_loop3A_1022] : memref<65130xf32, #tpu.memory_space<vmem>>[vector<16xi32>], vector<16xf32>,
        %parallel_loop3A_1024 = arith.constant 15232 : i32
        %parallel_loop3A_1025 = arith.addi %parallel_loop3A_452, %parallel_loop3A_1024 : i32
        %parallel_loop3A_1026 = arith.index_cast %select_n3A_216 : i32 to index
        %parallel_loop3A_1027 = arith.index_cast %parallel_loop3A_1025 : i32 to index
        %parallel_loop3A_1028 = tpu.vector_load %arg6[%parallel_loop3A_1026, %parallel_loop3A_1027] {strides = array<i32>} : memref<2x16384xf32, #tpu.memory_space<vmem>>, vector<16xf32>,
        tpu.vector_store %arg6[%parallel_loop3A_1026, %parallel_loop3A_1027], %parallel_loop3A_1023 {strides = array<i32>} : memref<2x16384xf32, #tpu.memory_space<vmem>>, vector<16xf32>,
      } {sc.loop_unroll_factor = 1 : i64, sc.parallel_access}
      %add3A_268 = arith.constant 2 : i32
      %add3A_269 = arith.addi %scan3A_199, %add3A_268 : i32
      %lt3A_270 = arith.constant 100 : i32
      %lt3A_271 = arith.cmpi slt, %add3A_269, %lt3A_270 : i32
      %convert_element_type3A_272 = arith.extui %lt3A_271 : i1 to i32
      %cond3A_273 = arith.constant 0 : i32
      %cond3A_274 = arith.cmpi ne, %convert_element_type3A_272, %cond3A_273 : i32
      scf.if %cond3A_274 {
        %add3A_360 = arith.constant 2 : i32
        %add3A_361 = arith.addi %add3A_200, %add3A_360 : i32
        %jit3A_362 = arith.constant 128 : i32
        %div3A_363 = arith.divsi %add3A_361, %jit3A_362 : i32
        %sign3A_364 = arith.constant 0 : i32
        %sign3A_365 = arith.cmpi sgt, %add3A_361, %sign3A_364 : i32
        %sign3A_366 = arith.extui %sign3A_365 : i1 to i32
        %sign3A_367 = arith.constant 0 : i32
        %sign3A_368 = arith.cmpi slt, %add3A_361, %sign3A_367 : i32
        %sign3A_369 = arith.extui %sign3A_368 : i1 to i32
        %sign3A_370 = arith.subi %sign3A_366, %sign3A_369 : i32
        %sign3A_371 = arith.constant 0 : i32
        %sign3A_372 = arith.cmpi sgt, %jit3A_362, %sign3A_371 : i32
        %sign3A_373 = arith.extui %sign3A_372 : i1 to i32
        %sign3A_374 = arith.constant 0 : i32
        %sign3A_375 = arith.cmpi slt, %jit3A_362, %sign3A_374 : i32
        %sign3A_376 = arith.extui %sign3A_375 : i1 to i32
        %sign3A_377 = arith.subi %sign3A_373, %sign3A_376 : i32
        %ne3A_378 = arith.cmpi ne, %sign3A_370, %sign3A_377 : i32
        %rem3A_379 = arith.remsi %add3A_361, %jit3A_362 : i32
        %ne3A_380 = arith.constant 0 : i32
        %ne3A_381 = arith.cmpi ne, %rem3A_379, %ne3A_380 : i32
        %and3A_382 = arith.andi %ne3A_378, %ne3A_381 : i1
        %sub3A_383 = arith.constant 1 : i32
        %sub3A_384 = arith.subi %div3A_363, %sub3A_383 : i32
        %select_n3A_385 = arith.select %and3A_382, %sub3A_384, %div3A_363 : i32
        %jit3A_386 = arith.constant 16 : i32
        %eq3A_387 = arith.constant 0 : i32
        %eq3A_388 = arith.cmpi eq, %jit3A_386, %eq3A_387 : i32
        %jit3A_389 = arith.constant 1 : i32
        %select_n3A_390 = arith.select %eq3A_388, %jit3A_389, %jit3A_386 : i32
        %rem3A_391 = arith.remsi %add3A_361, %select_n3A_390 : i32
        %ne3A_392 = arith.constant 0 : i32
        %ne3A_393 = arith.cmpi ne, %rem3A_391, %ne3A_392 : i32
        %lt3A_394 = arith.constant 0 : i32
        %lt3A_395 = arith.cmpi slt, %rem3A_391, %lt3A_394 : i32
        %lt3A_396 = arith.constant 0 : i32
        %lt3A_397 = arith.cmpi slt, %select_n3A_390, %lt3A_396 : i32
        %ne3A_398 = arith.xori %lt3A_395, %lt3A_397 : i1
        %and3A_399 = arith.andi %ne3A_398, %ne3A_393 : i1
        %add3A_400 = arith.addi %rem3A_391, %select_n3A_390 : i32
        %select_n3A_401 = arith.select %and3A_399, %add3A_400, %rem3A_391 : i32
        %mul3A_402 = arith.constant 2 : i32
        %mul3A_403 = arith.muli %select_n3A_401, %mul3A_402 : i32
        %jit3A_404 = arith.constant 16 : i32
        %div3A_405 = arith.divsi %add3A_361, %jit3A_404 : i32
        %sign3A_406 = arith.constant 0 : i32
        %sign3A_407 = arith.cmpi sgt, %add3A_361, %sign3A_406 : i32
        %sign3A_408 = arith.extui %sign3A_407 : i1 to i32
        %sign3A_409 = arith.constant 0 : i32
        %sign3A_410 = arith.cmpi slt, %add3A_361, %sign3A_409 : i32
        %sign3A_411 = arith.extui %sign3A_410 : i1 to i32
        %sign3A_412 = arith.subi %sign3A_408, %sign3A_411 : i32
        %sign3A_413 = arith.constant 0 : i32
        %sign3A_414 = arith.cmpi sgt, %jit3A_404, %sign3A_413 : i32
        %sign3A_415 = arith.extui %sign3A_414 : i1 to i32
        %sign3A_416 = arith.constant 0 : i32
        %sign3A_417 = arith.cmpi slt, %jit3A_404, %sign3A_416 : i32
        %sign3A_418 = arith.extui %sign3A_417 : i1 to i32
        %sign3A_419 = arith.subi %sign3A_415, %sign3A_418 : i32
        %ne3A_420 = arith.cmpi ne, %sign3A_412, %sign3A_419 : i32
        %rem3A_421 = arith.remsi %add3A_361, %jit3A_404 : i32
        %ne3A_422 = arith.constant 0 : i32
        %ne3A_423 = arith.cmpi ne, %rem3A_421, %ne3A_422 : i32
        %and3A_424 = arith.andi %ne3A_420, %ne3A_423 : i1
        %sub3A_425 = arith.constant 1 : i32
        %sub3A_426 = arith.subi %div3A_405, %sub3A_425 : i32
        %select_n3A_427 = arith.select %and3A_424, %sub3A_426, %div3A_405 : i32
        %jit3A_428 = arith.constant 8 : i32
        %eq3A_429 = arith.constant 0 : i32
        %eq3A_430 = arith.cmpi eq, %jit3A_428, %eq3A_429 : i32
        %jit3A_431 = arith.constant 1 : i32
        %select_n3A_432 = arith.select %eq3A_430, %jit3A_431, %jit3A_428 : i32
        %rem3A_433 = arith.remsi %select_n3A_427, %select_n3A_432 : i32
        %ne3A_434 = arith.constant 0 : i32
        %ne3A_435 = arith.cmpi ne, %rem3A_433, %ne3A_434 : i32
        %lt3A_436 = arith.constant 0 : i32
        %lt3A_437 = arith.cmpi slt, %rem3A_433, %lt3A_436 : i32
        %lt3A_438 = arith.constant 0 : i32
        %lt3A_439 = arith.cmpi slt, %select_n3A_432, %lt3A_438 : i32
        %ne3A_440 = arith.xori %lt3A_437, %lt3A_439 : i1
        %and3A_441 = arith.andi %ne3A_440, %ne3A_435 : i1
        %add3A_442 = arith.addi %rem3A_433, %select_n3A_432 : i32
        %select_n3A_443 = arith.select %and3A_441, %add3A_442, %rem3A_433 : i32
        %dma_start3A_444 = arith.constant 0 : i32
        %dma_start3A_445 = arith.constant 0 : i32
        %dma_start3A_446 = tpu.memref_slice %arg7[%select_n3A_216, %dma_start3A_444, %dma_start3A_445] : memref<2x2x128xi32, #tpu.memory_space<vmem>> -> memref<1x2x128xi32, #tpu.memory_space<vmem>>
        %dma_start3A_447 = tpu.memref_squeeze %dma_start3A_446 : memref<1x2x128xi32, #tpu.memory_space<vmem>> -> memref<2x128xi32, #tpu.memory_space<vmem>>
        %dma_start3A_448 = arith.constant 0 : i32
        %dma_start3A_449 = tpu.memref_slice %arg2[%select_n3A_385, %mul3A_403, %select_n3A_443, %dma_start3A_448] : memref<25x32x8x128xi32, #tpu.memory_space<hbm>> -> memref<1x2x1x128xi32, #tpu.memory_space<hbm>>
        %dma_start3A_450 = tpu.memref_squeeze %dma_start3A_449 : memref<1x2x1x128xi32, #tpu.memory_space<hbm>> -> memref<2x128xi32, #tpu.memory_space<hbm>>
        %dma_start3A_451 = arith.constant 0 : i32
        %dma_start3A_452 = arith.constant 0 : i32
        %dma_start3A_453 = tpu.memref_slice %arg7[%select_n3A_216, %dma_start3A_451, %dma_start3A_452] : memref<2x2x128xi32, #tpu.memory_space<vmem>> -> memref<1x2x128xi32, #tpu.memory_space<vmem>>
        %dma_start3A_454 = tpu.memref_squeeze %dma_start3A_453 : memref<1x2x128xi32, #tpu.memory_space<vmem>> -> memref<2x128xi32, #tpu.memory_space<vmem>>
        %dma_start3A_455 = arith.constant 0 : i32
        %dma_start3A_456 = tpu.memref_slice %arg2[%select_n3A_385, %mul3A_403, %select_n3A_443, %dma_start3A_455] : memref<25x32x8x128xi32, #tpu.memory_space<hbm>> -> memref<1x2x1x128xi32, #tpu.memory_space<hbm>>
        %dma_start3A_457 = tpu.memref_squeeze %dma_start3A_456 : memref<1x2x1x128xi32, #tpu.memory_space<hbm>> -> memref<2x128xi32, #tpu.memory_space<hbm>>
        tpu.enqueue_dma source(%dma_start3A_457 : memref<2x128xi32, #tpu.memory_space<hbm>>) target(%dma_start3A_454 : memref<2x128xi32, #tpu.memory_space<vmem>>) target_semaphore(%arg9 : memref<!tpu.dma_semaphore, #tpu.memory_space<semaphore_mem>>)
      } else {
      }
      %mul3A_275 = arith.constant 262144 : i32
      %mul3A_276 = arith.muli %select_n3A_240, %mul3A_275 : i32
      %mul3A_277 = arith.constant 8 : i32
      %mul3A_278 = arith.muli %mul3A_258, %mul3A_277 : i32
      %add3A_279 = arith.addi %mul3A_276, %mul3A_278 : i32
      %add3A_280 = arith.constant 0 : i32
      %add3A_281 = arith.addi %add3A_279, %add3A_280 : i32
      %dma_start3A_282 = arith.constant 0 : i32
      %dma_start3A_283 = tpu.memref_slice %arg6[%select_n3A_216, %dma_start3A_282] : memref<2x16384xf32, #tpu.memory_space<vmem>> -> memref<1x2048xf32, #tpu.memory_space<vmem>>
      %dma_start3A_284 = tpu.memref_squeeze %dma_start3A_283 : memref<1x2048xf32, #tpu.memory_space<vmem>> -> memref<2048xf32, #tpu.memory_space<vmem>>
      %dma_start3A_285 = tpu.memref_slice %arg4[%add3A_281] : memref<52428800xf32, #tpu.memory_space<hbm>> -> memref<2048xf32, #tpu.memory_space<hbm>>
      %dma_start3A_286 = tpu.memref_slice %arg4[%add3A_281] : memref<52428800xf32, #tpu.memory_space<hbm>> -> memref<2048xf32, #tpu.memory_space<hbm>>
      %dma_start3A_287 = arith.constant 0 : i32
      %dma_start3A_288 = tpu.memref_slice %arg6[%select_n3A_216, %dma_start3A_287] : memref<2x16384xf32, #tpu.memory_space<vmem>> -> memref<1x2048xf32, #tpu.memory_space<vmem>>
      %dma_start3A_289 = tpu.memref_squeeze %dma_start3A_288 : memref<1x2048xf32, #tpu.memory_space<vmem>> -> memref<2048xf32, #tpu.memory_space<vmem>>
      tpu.enqueue_dma source(%dma_start3A_289 : memref<2048xf32, #tpu.memory_space<vmem>>) target(%dma_start3A_286 : memref<2048xf32, #tpu.memory_space<hbm>>) target_semaphore(%arg8 : memref<!tpu.dma_semaphore, #tpu.memory_space<semaphore_mem>>)
      %add3A_290 = arith.constant 32768 : i32
      %add3A_291 = arith.addi %add3A_279, %add3A_290 : i32
      %dma_start3A_292 = arith.constant 2048 : i32
      %dma_start3A_293 = tpu.memref_slice %arg6[%select_n3A_216, %dma_start3A_292] : memref<2x16384xf32, #tpu.memory_space<vmem>> -> memref<1x2048xf32, #tpu.memory_space<vmem>>
      %dma_start3A_294 = tpu.memref_squeeze %dma_start3A_293 : memref<1x2048xf32, #tpu.memory_space<vmem>> -> memref<2048xf32, #tpu.memory_space<vmem>>
      %dma_start3A_295 = tpu.memref_slice %arg4[%add3A_291] : memref<52428800xf32, #tpu.memory_space<hbm>> -> memref<2048xf32, #tpu.memory_space<hbm>>
      %dma_start3A_296 = tpu.memref_slice %arg4[%add3A_291] : memref<52428800xf32, #tpu.memory_space<hbm>> -> memref<2048xf32, #tpu.memory_space<hbm>>
      %dma_start3A_297 = arith.constant 2048 : i32
      %dma_start3A_298 = tpu.memref_slice %arg6[%select_n3A_216, %dma_start3A_297] : memref<2x16384xf32, #tpu.memory_space<vmem>> -> memref<1x2048xf32, #tpu.memory_space<vmem>>
      %dma_start3A_299 = tpu.memref_squeeze %dma_start3A_298 : memref<1x2048xf32, #tpu.memory_space<vmem>> -> memref<2048xf32, #tpu.memory_space<vmem>>
      tpu.enqueue_dma source(%dma_start3A_299 : memref<2048xf32, #tpu.memory_space<vmem>>) target(%dma_start3A_296 : memref<2048xf32, #tpu.memory_space<hbm>>) target_semaphore(%arg8 : memref<!tpu.dma_semaphore, #tpu.memory_space<semaphore_mem>>)
      %add3A_300 = arith.constant 65536 : i32
      %add3A_301 = arith.addi %add3A_279, %add3A_300 : i32
      %dma_start3A_302 = arith.constant 4096 : i32
      %dma_start3A_303 = tpu.memref_slice %arg6[%select_n3A_216, %dma_start3A_302] : memref<2x16384xf32, #tpu.memory_space<vmem>> -> memref<1x2048xf32, #tpu.memory_space<vmem>>
      %dma_start3A_304 = tpu.memref_squeeze %dma_start3A_303 : memref<1x2048xf32, #tpu.memory_space<vmem>> -> memref<2048xf32, #tpu.memory_space<vmem>>
      %dma_start3A_305 = tpu.memref_slice %arg4[%add3A_301] : memref<52428800xf32, #tpu.memory_space<hbm>> -> memref<2048xf32, #tpu.memory_space<hbm>>
      %dma_start3A_306 = tpu.memref_slice %arg4[%add3A_301] : memref<52428800xf32, #tpu.memory_space<hbm>> -> memref<2048xf32, #tpu.memory_space<hbm>>
      %dma_start3A_307 = arith.constant 4096 : i32
      %dma_start3A_308 = tpu.memref_slice %arg6[%select_n3A_216, %dma_start3A_307] : memref<2x16384xf32, #tpu.memory_space<vmem>> -> memref<1x2048xf32, #tpu.memory_space<vmem>>
      %dma_start3A_309 = tpu.memref_squeeze %dma_start3A_308 : memref<1x2048xf32, #tpu.memory_space<vmem>> -> memref<2048xf32, #tpu.memory_space<vmem>>
      tpu.enqueue_dma source(%dma_start3A_309 : memref<2048xf32, #tpu.memory_space<vmem>>) target(%dma_start3A_306 : memref<2048xf32, #tpu.memory_space<hbm>>) target_semaphore(%arg8 : memref<!tpu.dma_semaphore, #tpu.memory_space<semaphore_mem>>)
      %add3A_310 = arith.constant 98304 : i32
      %add3A_311 = arith.addi %add3A_279, %add3A_310 : i32
      %dma_start3A_312 = arith.constant 6144 : i32
      %dma_start3A_313 = tpu.memref_slice %arg6[%select_n3A_216, %dma_start3A_312] : memref<2x16384xf32, #tpu.memory_space<vmem>> -> memref<1x2048xf32, #tpu.memory_space<vmem>>
      %dma_start3A_314 = tpu.memref_squeeze %dma_start3A_313 : memref<1x2048xf32, #tpu.memory_space<vmem>> -> memref<2048xf32, #tpu.memory_space<vmem>>
      %dma_start3A_315 = tpu.memref_slice %arg4[%add3A_311] : memref<52428800xf32, #tpu.memory_space<hbm>> -> memref<2048xf32, #tpu.memory_space<hbm>>
      %dma_start3A_316 = tpu.memref_slice %arg4[%add3A_311] : memref<52428800xf32, #tpu.memory_space<hbm>> -> memref<2048xf32, #tpu.memory_space<hbm>>
      %dma_start3A_317 = arith.constant 6144 : i32
      %dma_start3A_318 = tpu.memref_slice %arg6[%select_n3A_216, %dma_start3A_317] : memref<2x16384xf32, #tpu.memory_space<vmem>> -> memref<1x2048xf32, #tpu.memory_space<vmem>>
      %dma_start3A_319 = tpu.memref_squeeze %dma_start3A_318 : memref<1x2048xf32, #tpu.memory_space<vmem>> -> memref<2048xf32, #tpu.memory_space<vmem>>
      tpu.enqueue_dma source(%dma_start3A_319 : memref<2048xf32, #tpu.memory_space<vmem>>) target(%dma_start3A_316 : memref<2048xf32, #tpu.memory_space<hbm>>) target_semaphore(%arg8 : memref<!tpu.dma_semaphore, #tpu.memory_space<semaphore_mem>>)
      %add3A_320 = arith.constant 131072 : i32
      %add3A_321 = arith.addi %add3A_279, %add3A_320 : i32
      %dma_start3A_322 = arith.constant 8192 : i32
      %dma_start3A_323 = tpu.memref_slice %arg6[%select_n3A_216, %dma_start3A_322] : memref<2x16384xf32, #tpu.memory_space<vmem>> -> memref<1x2048xf32, #tpu.memory_space<vmem>>
      %dma_start3A_324 = tpu.memref_squeeze %dma_start3A_323 : memref<1x2048xf32, #tpu.memory_space<vmem>> -> memref<2048xf32, #tpu.memory_space<vmem>>
      %dma_start3A_325 = tpu.memref_slice %arg4[%add3A_321] : memref<52428800xf32, #tpu.memory_space<hbm>> -> memref<2048xf32, #tpu.memory_space<hbm>>
      %dma_start3A_326 = tpu.memref_slice %arg4[%add3A_321] : memref<52428800xf32, #tpu.memory_space<hbm>> -> memref<2048xf32, #tpu.memory_space<hbm>>
      %dma_start3A_327 = arith.constant 8192 : i32
      %dma_start3A_328 = tpu.memref_slice %arg6[%select_n3A_216, %dma_start3A_327] : memref<2x16384xf32, #tpu.memory_space<vmem>> -> memref<1x2048xf32, #tpu.memory_space<vmem>>
      %dma_start3A_329 = tpu.memref_squeeze %dma_start3A_328 : memref<1x2048xf32, #tpu.memory_space<vmem>> -> memref<2048xf32, #tpu.memory_space<vmem>>
      tpu.enqueue_dma source(%dma_start3A_329 : memref<2048xf32, #tpu.memory_space<vmem>>) target(%dma_start3A_326 : memref<2048xf32, #tpu.memory_space<hbm>>) target_semaphore(%arg8 : memref<!tpu.dma_semaphore, #tpu.memory_space<semaphore_mem>>)
      %add3A_330 = arith.constant 163840 : i32
      %add3A_331 = arith.addi %add3A_279, %add3A_330 : i32
      %dma_start3A_332 = arith.constant 10240 : i32
      %dma_start3A_333 = tpu.memref_slice %arg6[%select_n3A_216, %dma_start3A_332] : memref<2x16384xf32, #tpu.memory_space<vmem>> -> memref<1x2048xf32, #tpu.memory_space<vmem>>
      %dma_start3A_334 = tpu.memref_squeeze %dma_start3A_333 : memref<1x2048xf32, #tpu.memory_space<vmem>> -> memref<2048xf32, #tpu.memory_space<vmem>>
      %dma_start3A_335 = tpu.memref_slice %arg4[%add3A_331] : memref<52428800xf32, #tpu.memory_space<hbm>> -> memref<2048xf32, #tpu.memory_space<hbm>>
      %dma_start3A_336 = tpu.memref_slice %arg4[%add3A_331] : memref<52428800xf32, #tpu.memory_space<hbm>> -> memref<2048xf32, #tpu.memory_space<hbm>>
      %dma_start3A_337 = arith.constant 10240 : i32
      %dma_start3A_338 = tpu.memref_slice %arg6[%select_n3A_216, %dma_start3A_337] : memref<2x16384xf32, #tpu.memory_space<vmem>> -> memref<1x2048xf32, #tpu.memory_space<vmem>>
      %dma_start3A_339 = tpu.memref_squeeze %dma_start3A_338 : memref<1x2048xf32, #tpu.memory_space<vmem>> -> memref<2048xf32, #tpu.memory_space<vmem>>
      tpu.enqueue_dma source(%dma_start3A_339 : memref<2048xf32, #tpu.memory_space<vmem>>) target(%dma_start3A_336 : memref<2048xf32, #tpu.memory_space<hbm>>) target_semaphore(%arg8 : memref<!tpu.dma_semaphore, #tpu.memory_space<semaphore_mem>>)
      %add3A_340 = arith.constant 196608 : i32
      %add3A_341 = arith.addi %add3A_279, %add3A_340 : i32
      %dma_start3A_342 = arith.constant 12288 : i32
      %dma_start3A_343 = tpu.memref_slice %arg6[%select_n3A_216, %dma_start3A_342] : memref<2x16384xf32, #tpu.memory_space<vmem>> -> memref<1x2048xf32, #tpu.memory_space<vmem>>
      %dma_start3A_344 = tpu.memref_squeeze %dma_start3A_343 : memref<1x2048xf32, #tpu.memory_space<vmem>> -> memref<2048xf32, #tpu.memory_space<vmem>>
      %dma_start3A_345 = tpu.memref_slice %arg4[%add3A_341] : memref<52428800xf32, #tpu.memory_space<hbm>> -> memref<2048xf32, #tpu.memory_space<hbm>>
      %dma_start3A_346 = tpu.memref_slice %arg4[%add3A_341] : memref<52428800xf32, #tpu.memory_space<hbm>> -> memref<2048xf32, #tpu.memory_space<hbm>>
      %dma_start3A_347 = arith.constant 12288 : i32
      %dma_start3A_348 = tpu.memref_slice %arg6[%select_n3A_216, %dma_start3A_347] : memref<2x16384xf32, #tpu.memory_space<vmem>> -> memref<1x2048xf32, #tpu.memory_space<vmem>>
      %dma_start3A_349 = tpu.memref_squeeze %dma_start3A_348 : memref<1x2048xf32, #tpu.memory_space<vmem>> -> memref<2048xf32, #tpu.memory_space<vmem>>
      tpu.enqueue_dma source(%dma_start3A_349 : memref<2048xf32, #tpu.memory_space<vmem>>) target(%dma_start3A_346 : memref<2048xf32, #tpu.memory_space<hbm>>) target_semaphore(%arg8 : memref<!tpu.dma_semaphore, #tpu.memory_space<semaphore_mem>>)
      %add3A_350 = arith.constant 229376 : i32
      %add3A_351 = arith.addi %add3A_279, %add3A_350 : i32
      %dma_start3A_352 = arith.constant 14336 : i32
      %dma_start3A_353 = tpu.memref_slice %arg6[%select_n3A_216, %dma_start3A_352] : memref<2x16384xf32, #tpu.memory_space<vmem>> -> memref<1x2048xf32, #tpu.memory_space<vmem>>
      %dma_start3A_354 = tpu.memref_squeeze %dma_start3A_353 : memref<1x2048xf32, #tpu.memory_space<vmem>> -> memref<2048xf32, #tpu.memory_space<vmem>>
      %dma_start3A_355 = tpu.memref_slice %arg4[%add3A_351] : memref<52428800xf32, #tpu.memory_space<hbm>> -> memref<2048xf32, #tpu.memory_space<hbm>>
      %dma_start3A_356 = tpu.memref_slice %arg4[%add3A_351] : memref<52428800xf32, #tpu.memory_space<hbm>> -> memref<2048xf32, #tpu.memory_space<hbm>>
      %dma_start3A_357 = arith.constant 14336 : i32
      %dma_start3A_358 = tpu.memref_slice %arg6[%select_n3A_216, %dma_start3A_357] : memref<2x16384xf32, #tpu.memory_space<vmem>> -> memref<1x2048xf32, #tpu.memory_space<vmem>>
      %dma_start3A_359 = tpu.memref_squeeze %dma_start3A_358 : memref<1x2048xf32, #tpu.memory_space<vmem>> -> memref<2048xf32, #tpu.memory_space<vmem>>
      tpu.enqueue_dma source(%dma_start3A_359 : memref<2048xf32, #tpu.memory_space<vmem>>) target(%dma_start3A_356 : memref<2048xf32, #tpu.memory_space<hbm>>) target_semaphore(%arg8 : memref<!tpu.dma_semaphore, #tpu.memory_space<semaphore_mem>>)
    }
    %scan3A_177 = arith.constant 100 : i32
    %dma_wait3A = arith.constant 0 : i32
    %dma_wait3A_178 = arith.constant 0 : i32
    %dma_wait3A_179 = tpu.memref_slice %arg6[%dma_wait3A, %dma_wait3A_178] : memref<2x16384xf32, #tpu.memory_space<vmem>> -> memref<1x16384xf32, #tpu.memory_space<vmem>>
    %dma_wait3A_180 = tpu.memref_squeeze %dma_wait3A_179 : memref<1x16384xf32, #tpu.memory_space<vmem>> -> memref<16384xf32, #tpu.memory_space<vmem>>
    %dma_wait3A_181 = arith.constant 0 : i32
    %dma_wait3A_182 = tpu.memref_slice %arg4[%dma_wait3A_181] : memref<52428800xf32, #tpu.memory_space<hbm>> -> memref<16384xf32, #tpu.memory_space<hbm>>
    %dma_wait3A_183 = arith.constant 0 : i32
    %dma_wait3A_184 = tpu.memref_slice %arg4[%dma_wait3A_183] : memref<52428800xf32, #tpu.memory_space<hbm>> -> memref<16384xf32, #tpu.memory_space<hbm>>
    %dma_wait3A_185 = arith.constant 0 : i32
    %dma_wait3A_186 = tpu.memref_slice %arg6[%dma_wait3A, %dma_wait3A_185] : memref<2x16384xf32, #tpu.memory_space<vmem>> -> memref<1x16384xf32, #tpu.memory_space<vmem>>
    %dma_wait3A_187 = tpu.memref_squeeze %dma_wait3A_186 : memref<1x16384xf32, #tpu.memory_space<vmem>> -> memref<16384xf32, #tpu.memory_space<vmem>>
    tpu.wait_dma2 semaphore(%arg8 : memref<!tpu.dma_semaphore, #tpu.memory_space<semaphore_mem>>) src(%dma_wait3A_187 : memref<16384xf32, #tpu.memory_space<vmem>>) dst(%dma_wait3A_184 : memref<16384xf32, #tpu.memory_space<hbm>>)
    %dma_wait3A_188 = arith.constant 1 : i32
    %dma_wait3A_189 = arith.constant 0 : i32
    %dma_wait3A_190 = tpu.memref_slice %arg6[%dma_wait3A_188, %dma_wait3A_189] : memref<2x16384xf32, #tpu.memory_space<vmem>> -> memref<1x16384xf32, #tpu.memory_space<vmem>>
    %dma_wait3A_191 = tpu.memref_squeeze %dma_wait3A_190 : memref<1x16384xf32, #tpu.memory_space<vmem>> -> memref<16384xf32, #tpu.memory_space<vmem>>
    %dma_wait3A_192 = arith.constant 0 : i32
    %dma_wait3A_193 = tpu.memref_slice %arg4[%dma_wait3A_192] : memref<52428800xf32, #tpu.memory_space<hbm>> -> memref<16384xf32, #tpu.memory_space<hbm>>
    %dma_wait3A_194 = arith.constant 0 : i32
    %dma_wait3A_195 = tpu.memref_slice %arg4[%dma_wait3A_194] : memref<52428800xf32, #tpu.memory_space<hbm>> -> memref<16384xf32, #tpu.memory_space<hbm>>
    %dma_wait3A_196 = arith.constant 0 : i32
    %dma_wait3A_197 = tpu.memref_slice %arg6[%dma_wait3A_188, %dma_wait3A_196] : memref<2x16384xf32, #tpu.memory_space<vmem>> -> memref<1x16384xf32, #tpu.memory_space<vmem>>
    %dma_wait3A_198 = tpu.memref_squeeze %dma_wait3A_197 : memref<1x16384xf32, #tpu.memory_space<vmem>> -> memref<16384xf32, #tpu.memory_space<vmem>>
    tpu.wait_dma2 semaphore(%arg8 : memref<!tpu.dma_semaphore, #tpu.memory_space<semaphore_mem>>) src(%dma_wait3A_198 : memref<16384xf32, #tpu.memory_space<vmem>>) dst(%dma_wait3A_195 : memref<16384xf32, #tpu.memory_space<hbm>>)
    return
  }
}

</mosaic_0001>

<sc_bundles>
// kernel: kernel.3.cloned.1.call-start
scs
__scs_entry_jumppad:
0x0: {  	(pc) =	sbr.rel $0x88, $3  }
0x1: {  	(tag) =	ssettag $0x0;
	lr =	simm.s32 $0x1  }
0x2: {  	[smem:$0x3F9F] =	sst lr;
	_ =	strace $0xD0000000  }
0x3: {  	_ = 	snop  }
0x4: {  	_ = 	snop  }
0x5: {  	_ = 	snop  }
0x6: {  	_ = 	snop  }
0x7: {  	_ = 	snop  }
__scs_overlays_trampoline_lowered:
0x8: {  	[smem:$0x3FAE] =	sst s0  }
0x9: {  	[smem:$0x3FAF] =	sst s1  }
0xa: {  	[smem:$0x3FB0] =	sst s2  }
0xb: {  	[smem:$0x3FB1] =	sst s3  }
0xc: {  	[smem:$0x3FB2] =	sst s4  }
0xd: {  	[smem:$0x3FB3] =	sst s5  }
0xe: {  	[smem:$0x3FB4] =	sst s6  }
0xf: {  	[smem:$0x3FB5] =	sst s7  }
0x10: {  	[smem:$0x3FB6] =	sst s8  }
0x11: {  	[smem:$0x3FB7] =	sst s9;
	s0 =	simm.s32 @!p0 $0x0  }
0x12: {  	s1 =	sld [smem:$0x3F9D];
	s0 =	simm.s32 @p0 $0x1  }
0x13: {  	[smem:$0x3FB8] =	sst s0;
	s0 =	simm.s32 @!p1 $0x0  }
0x14: {  	s2 =	sld [smem:$0x3F9C];
	s0 =	simm.s32 @p1 $0x1  }
0x15: {  	[smem:$0x3FB9] =	sst s0;
	s0 =	simm.s32 @!p2 $0x0  }
0x16: {  	s3 =	sld [smem:$0x3FDB];
	s0 =	simm.s32 @p2 $0x1  }
0x17: {  	s4 =	simm.s32 $0x1BF5;
	[smem:$0x3FBB] =	sst s0  }
0x18: {  	s0 =	sld [smem:$0x3F9E];
	_ =	swait.ge [sflag:s4], $0x0  }
0x19: {  	s7 =	sld [smem:$0x3F9F]  }
0x1a: {  	s8 =	sadd.s32 $0xFFFFE003, lr  }
0x1b: {  	s9 =	sadd.s32 $0xFFFFFEF7, lr;
	s5 =	simm.s32 $0xFFFFFFFF;
	p2 =	slt.u32 s8, $0xFFFFF086  }
0x1c: {  	p1 =	slt.u32 s9, $0xF7A;
	s5 =	simm.s32 @!p2 $0x0  }
0x1d: {  	s5 =	simm.s32 @p1 $0x1;
	p0 =	seq.s32 s7, s2  }
0x1e: {  	s7 =	smul.u32 @!p0 $0xF7A, s2;
	p2 =	seq.s32 @!p0 s5, $0x0  }
0x1f: {  	s9 =	smul.u32 $0xF7A, s1;
	s8 =	simm.s32 @!p0 $0x1BF5;
	p2 =	por !p2, p0  }
0x20: {  	[sflag:s8] =	ssyncset.s32 @!p0 $0xFFFFF086;
	s6 =	sadd.s32 @!p0 s3, s7;
	s7 =	simm.s32 @!p0 $0x108  }
0x21: {  	s3 =	sadd.s32 s3, s9;
	s6 =	sadd.s32 @!p0 $0x88, s6;
	s7 =	simm.s32 @p2 $0x1082  }
0x22: {  	[simem:s7], [sflag:s8] =	dma.local @!p0 [hbm:s6], $0xF7A  }
0x23: {  	s9 =	sor.u32 $0xD0000000, s2;
	s6 =	simm.s32 $0x108;
	_ =	swait.ge @!p0 [sflag:s8], $0x0  }
0x24: {  	s3 =	sadd.s32 $0x88, s3;
	s6 =	simm.s32 @!p1 $0x1082;
	[sflag:s4] =	ssyncset.s32 $0xFFFFF086  }
0x25: {  	[simem:s6], [sflag:s4] =	dma.local [hbm:s3], $0xF7A  }
0x26: {  	[smem:$0x3F9F] =	sst s1;
	(tag) =	ssettag s2;
	_ =	strace s9  }
0x27: {  	s1 =	sld [smem:$0x3FAF]  }
0x28: {  	s2 =	sld [smem:$0x3FB0]  }
0x29: {  	s4 =	sld [smem:$0x3FB2]  }
0x2a: {  	p0 =	seq.s32 s5, $0x0;
	s5 =	sld [smem:$0x3FB3]  }
0x2b: {  	s6 =	sld [smem:$0x3FB4]  }
0x2c: {  	s7 =	sld [smem:$0x3FB5]  }
0x2d: {  	s3 =	simm.s32 $0x108;
	s8 =	sld [smem:$0x3FB6]  }
0x2e: {  	s3 =	simm.s32 @!p0 $0x1082;
	s9 =	sld [smem:$0x3FB7]  }
0x2f: {  	lr =	sadd.s32 s0, s3;
	s0 =	sld [smem:$0x3FAE]  }
0x30: {  	s3 =	sld [smem:$0x3FB1]  }
0x31: {  	[smem:$0x3FBA] =	sst s10  }
0x32: {  	s10 =	sld [smem:$0x3FB8];
	_ =	sdelay $0x3  }
0x33: {  	p0 =	seq.s32 s10, $0x1;
	s10 =	sld [smem:$0x3FBA];
	_ =	sdelay $0x3  }
0x34: {  	[smem:$0x3FBA] =	sst s10  }
0x35: {  	s10 =	sld [smem:$0x3FB9];
	_ =	sdelay $0x3  }
0x36: {  	p1 =	seq.s32 s10, $0x1;
	s10 =	sld [smem:$0x3FBA];
	_ =	sdelay $0x3  }
0x37: {  	[smem:$0x3FBA] =	sst s10  }
0x38: {  	s10 =	sld [smem:$0x3FBB]  }
0x39: {  	_ = 	snop;
	(pc) =	sbr.ind lr, $3  }
0x3a: {  	_ = 	snop  }
0x3b: {  	_ = 	snop  }
0x3c: {  	p2 =	seq.s32 s10, $0x1;
	s10 =	sld [smem:$0x3FBA]  }
0x3d: {  	_ =	shalt  }
0x3e: {  	_ =	shalt  }
0x3f: {  	_ =	shalt  }
0x40: {  	_ =	shalt  }
0x41: {  	_ =	shalt  }
0x42: {  	_ =	shalt  }
0x43: {  	_ =	shalt  }
0x44: {  	_ =	shalt  }
0x45: {  	_ =	shalt  }
0x46: {  	_ =	shalt  }
0x47: {  	_ =	shalt  }
0x48: {  	_ =	shalt  }
0x49: {  	_ =	shalt  }
0x4a: {  	_ =	shalt  }
0x4b: {  	_ =	shalt  }
0x4c: {  	_ =	shalt  }
0x4d: {  	_ =	shalt  }
0x4e: {  	_ =	shalt  }
0x4f: {  	_ =	shalt  }
0x50: {  	_ =	shalt  }
0x51: {  	_ =	shalt  }
0x52: {  	_ =	shalt  }
0x53: {  	_ =	shalt  }
0x54: {  	_ =	shalt  }
0x55: {  	_ =	shalt  }
0x56: {  	_ =	shalt  }
0x57: {  	_ =	shalt  }
0x58: {  	_ =	shalt  }
0x59: {  	_ =	shalt  }
0x5a: {  	_ =	shalt  }
0x5b: {  	_ =	shalt  }
0x5c: {  	_ =	shalt  }
0x5d: {  	_ =	shalt  }
0x5e: {  	_ =	shalt  }
0x5f: {  	_ =	shalt  }
0x60: {  	_ =	shalt  }
0x61: {  	_ =	shalt  }
0x62: {  	_ =	shalt  }
0x63: {  	_ =	shalt  }
0x64: {  	_ =	shalt  }
0x65: {  	_ =	shalt  }
0x66: {  	_ =	shalt  }
0x67: {  	_ =	shalt  }
0x68: {  	_ =	shalt  }
0x69: {  	_ =	shalt  }
0x6a: {  	_ =	shalt  }
0x6b: {  	_ =	shalt  }
0x6c: {  	_ =	shalt  }
0x6d: {  	_ =	shalt  }
0x6e: {  	_ =	shalt  }
0x6f: {  	_ =	shalt  }
0x70: {  	_ =	shalt  }
0x71: {  	_ =	shalt  }
0x72: {  	_ =	shalt  }
0x73: {  	_ =	shalt  }
0x74: {  	_ =	shalt  }
0x75: {  	_ =	shalt  }
0x76: {  	_ =	shalt  }
0x77: {  	_ =	shalt  }
0x78: {  	_ =	shalt  }
0x79: {  	_ =	shalt  }
0x7a: {  	_ =	shalt  }
0x7b: {  	_ =	shalt  }
0x7c: {  	_ =	shalt  }
0x7d: {  	_ =	shalt  }
0x7e: {  	_ =	shalt  }
0x7f: {  	_ =	shalt  }
0x80: {  	_ =	shalt  }
0x81: {  	_ =	shalt  }
0x82: {  	_ =	shalt  }
0x83: {  	_ =	shalt  }
0x84: {  	_ =	shalt  }
0x85: {  	_ =	shalt  }
0x86: {  	_ =	shalt  }
0x87: {  	_ =	shalt  }
.Lfunc_end0:
.L_simem_size_0:
called_computation_lowered:
.L_overlay_start_0:
0x88: {  	s2 =	sld [smem:$0x3FD9]  }
0x89: {  	s3 =	sld [smem:$0x3FFE];
	_ =	sdelay $0x1  }
0x8a: {  	s1 =	srdreg.scid  }
0x8b: {  	s0 =	sand.u32 $0x1, s1  }
0x8c: {  	s17 =	sshll.u32 s0, $0xA;
	s2 =	sadd.s32 s3, s2  }
0x8d: {  	s2 =	sadd.s32 s2, s17  }
0x8e: {  	[smem:$0x3FC6] =	sst s2  }
0x8f: {  	_ = 	snop  }
0x90: {  	s2 =	sld [smem:$0x3FC9]  }
0x91: {  	s18 =	sld [smem:$0x3FD0];
	(tm) =	ssettm $0x1  }
0x92: {  	s4 =	sld [smem:$0x3FFB];
	_ =	sdelay $0x3  }
0x93: {  	_ =	strace s4  }
0x94: {  	s4 =	sld [smem:$0x3FFC];
	_ =	sdelay $0x3  }
0x95: {  	_ =	strace s4  }
0x96: {  	s4 =	sld [smem:$0x3FFD];
	_ =	sdelay $0x3  }
0x97: {  	_ =	strace s4  }
0x98: {  	_ =	strace $0x8FFFFFFF  }
0x99: {  	s19 =	sld [smem:$0x3FDB];
	_ =	sdelay $0x1  }
0x9a: {  	s5 =	simm.s32 $_scs_section_size  }
0x9b: {  	s6 =	simm.s32 $_size__tile_overlayer_lowered;
	s7 =	simm.s32 $_tile_overlayer_lowered  }
0x9c: {  	s22 =	simm.s32 $0x1BFF;
	s21 =	sshll.u32 s7, $0x1;
	s4 =	sadd.s32 s5, s19  }
0x9d: {  	s8 =	simm.s32 $0x0;
	s20 =	sshll.u32 s6, $0x1;
	s6 =	sadd.s32 s21, s4  }
0x9e: {  	[timem:s8], [sflag:s22] =	dma.local [hbm:s6], s20  }
0x9f: {  	_ =	swait.ge [sflag:s22], s20  }
0xa0: {  	s5 =	ssub.s32 $0x0, s20;
	[sflag:s22] =	ssyncset.done $0x0  }
0xa1: {  	[sflag:s22] =	ssyncadd.s32 s5;
	_ =	sdelay $0x1  }
0xa2: {  	s23 =	simm.s32 $0x1B8B  }
0xa3: {  	_ =	swait.ge [sflag:s23], $0x1  }
0xa4: {  	[sflag:s23] =	ssyncset.done $0x0  }
0xa5: {  	s25 =	simm.s32 $0x1B8E;
	s24 =	sld [smem:$0x3FFE];
	[sflag:s23] =	ssyncadd.s32 $0xFFFFFFFF  }
0xa6: {  	s26 =	simm.s32 $execute0_lowered;
	[smem:$0x3FD2] =	sst s25  }
0xa7: {  	s6 =	sshll.u32 s26, $0x1;
	_ =	strace $0x80000046;
	[dreg:$0x1] =	wrdreg $0xFFFFFFFF  }
0xa8: {  	s28 =	simm.s32 $_size_execute0_lowered;
	s4 =	sadd.s32 s4, s6;
	[dreg:$0x0] =	wrdreg $0x0  }
0xa9: {  	s6 =	sshll.u32 s28, $0x1;
	[dreg:$0x2] =	wrdreg s4  }
0xaa: {  	[dreg:$0x3] =	wrdreg s6  }
0xab: {  	[dreg:$0x4] =	wrdreg $0xC0  }
0xac: {  	_ =	task [dreg:s8], $0x5FFFF  }
0xad: {  	[dreg:$0x1] =	wrdreg $0xFFFFFFFF  }
0xae: {  	[dreg:$0x0] =	wrdreg $0x60  }
0xaf: {  	[dreg:$0x2] =	wrdreg s2  }
0xb0: {  	[dreg:$0x3] =	wrdreg s24  }
0xb1: {  	[dreg:$0x4] =	wrdreg s18  }
0xb2: {  	[dreg:$0x5] =	wrdreg $0x9  }
0xb3: {  	_ =	task.clear_ibuf [dreg:s8], $0x6FFFF;
	_ =	strace $0x90000046  }
0xb4: {  	s29 =	simm.s32 $0x9;
	_ =	strace $0x80000048  }
0xb5: {  	_ =	swait.ge [sflag:s29], $0x1  }
0xb6: {  	[sflag:s29] =	ssyncadd.s32 $0xFFFFFFFF  }
0xb7: {  	_ =	strace $0x90000048  }
0xb8: {  	_ =	sfence  }
0xb9: {  	s30 =	sld [smem:$0x0];
	_ =	sdelay $0x2  }
0xba: {  	s31 =	sshll.u32 s1, $0xD;
	s1 =	sshrl.u32 s1, $0x2  }
0xbb: {  	s3 =	sand.u32 $0x4000, s31;
	s1 =	sadd.s32 s1, s30  }
0xbc: {  	s0 =	sor.u32 s3, s0;
	s1 =	sshll.u32 s1, $0x11  }
0xbd: {  	s0 =	sor.u32 s1, s0  }
0xbe: {  	s0 =	sadd.s32 $0x8F2B, s0  }
0xbf: {  	[sflag:s0] =	ssyncadd.remote.s32 $0x1  }
0xc0: {  	_ =	sfence.sel $0xFFFF  }
0xc1: {  	[dreg:$0x0] =	wrdreg $0xFFFFFFFF;
	(pc) =	sbr.abs _section_cstart, $3  }
0xc2: {  	[dreg:$0x1] =	wrdreg $0xFFFFFFFF  }
0xc3: {  	_ =	task.clear_ibuf [dreg:s8], $0x2FFFF;
	_ =	strace $0x9FFFFFFF  }
0xc4: {  	(tm) =	ssettm $0x7FFFFFFF  }
0xc5: {  	_ =	shalt  }
tec
execute0_lowered:
.L_overlay_start_1:
0x0: {  	(tag) =	ssettag $0x1  }
0x1: {  	s0 =	srdreg.scid;
	s5 =	rddreg [dreg:$0x1]  }
0x2: {  	s1 =	stileid.u32;
	s3 =	rddreg [dreg:$0x2];
	s22 =	simm.s32 $0x1  }
0x3: {  	s23 =	simm.s32 $0x0;
	s0 =	sand.u32 $0x1, s0;
	s2 =	sshll.u32 s1, $0x1  }
0x4: {  	s1 =	rddreg [dreg:$0x0];
	s5 =	sadd.s32 $0x400, s5;
	s9 =	sadd.s32 $0x1000, s3  }
0x5: {  	s10 =	sadd.s32 $0x2000, s3;
	s11 =	sadd.s32 $0x3000, s3;
	s2 =	sor.u32 s0, s2  }
0x6: {  	s12 =	sadd.s32 $0x4000, s3;
	s0 =	ssub.s32 $0x2, s0;
	s4 =	smul.u32 $0x6400, s2  }
0x7: {  	s6 =	sshll.u32 s2, $0xD;
	s7 =	smul.u32 $0x320, s2;
	s30 =	sshrl.u32 s0, $0x1  }
0x8: {  	s6 =	sand.u32 $0x6000, s6;
	s0 =	ssub.s32 s0, s30;
	s8 =	sand.u32 $0xF8000, s4  }
0x9: {  	s4 =	simm.s32 $0x0;
	s7 =	sand.u32 $0x380, s7;
	s6 =	sor.u32 s6, s8  }
0xa: {  	s0 =	smax.u32 s0, $0x1;
	[smem:$0x7FF] =	sst s4;
	s6 =	sor.u32 s7, s6  }
0xb: {  	_ =	strace $0x80000047;
	[dreg:$0x4] =	wrdreg s5;
	s6 =	sshrl.u32 s6, $0x3  }
0xc: {  	s13 =	sadd.s32 $0x5000, s3;
	[dreg:$0x7] =	wrdreg s0;
	s6 =	sadd.s32 s1, s6  }
0xd: {  	s14 =	sadd.s32 $0x6000, s3;
	[dreg:$0x5] =	wrdreg s6;
	s31 =	sadd.s32 $0x100, s6  }
0xe: {  	s15 =	sadd.s32 $0x7000, s3;
	s7 =	smul.u32 $0x64, s2;
	[dreg:$0x6] =	wrdreg s31  }
.LBB2_1:
0xf: {  	s0 =	rddreg [dreg:$0x4];
	s2 =	simm.s32 $0x3  }
0x10: {  	[tilespmem:s4], [sflag:$0x3] =	stream.linear.gather [hbm4b:s0+s4], $0xFE70, $0x38;
	[tilespmem:$0x18070] =	vst v63  }
0x11: {  	_ =	swait.ge [sflag:s2], $0xFE70  }
0x12: {  	s5 =	simm.s32 $0x80;
	s6 =	simm.s32 $0x400;
	[sflag:s2] =	ssyncset.done $0x0  }
0x13: {  	s8 =	simm.s32 $0x17E70;
	s29 =	rddreg [dreg:$0x5];
	[sflag:s2] =	ssyncadd.s32 $0xFFFF0190  }
0x14: {  	[tilespmem:s8], [sflag:$0x3] =	stream.strided.gather [hbm4b:s29+s5], $0x100, s6, s5, $0x38;
	[tilespmem:$0x18070] =	vst v63  }
0x15: {  	_ =	swait.ge [sflag:s2], $0x100  }
0x16: {  	s31 =	simm.s32 $0x17F70;
	[sflag:s2] =	ssyncset.done $0x0  }
0x17: {  	s24 =	simm.s32 $0x0;
	s30 =	rddreg [dreg:$0x6];
	[sflag:s2] =	ssyncadd.s32 $0xFFFFFF00  }
0x18: {  	[tilespmem:s31], [sflag:$0x2] =	stream.strided.gather [hbm4b:s30+s5], $0x100, s6, s5, $0x38;
	[tilespmem:$0x18070] =	vst v63  }
.LBB2_2:
0x19: {  	p0 =	seq.s32 s24, $0x0  }
0x1a: {  	s2 =	sand.u32 $0x1, s24;
	s0 =	simm.s32 @!p0 $0x2  }
0x1b: {  	s6 =	simm.s32 $0x0;
	p1 =	seq.s32 @!p0 s24, $0x1;
	_ =	swait.ge @!p0 [sflag:s0], $0x100  }
0x1c: {  	s21 =	simm.s32 $0x0;
	p1 =	por p1, p0;
	[sflag:s0] =	ssyncset.done @!p0 $0x0  }
0x1d: {  	s5 =	sshll.u32 s2, $0x8;
	[sflag:s0] =	ssyncadd.s32 @!p0 $0xFFFFFF00;
	s0 =	simm.s32 @!p1 $0x1  }
0x1e: {  	s6 =	sand.u32 $0x3FFFFF80, s6;
	s26 =	sor.u32 $0x17E70, s5;
	_ =	swait.ge @!p1 [sflag:s0], $0x4000  }
0x1f: {  	s5 =	sand.u32 $0x70, s21;
	s6 =	sadd.s32 s6, s26;
	[sflag:s0] =	ssyncset.done @!p1 $0x0  }
0x20: {  	s25 =	sadd.s32 s5, s6;
	[sflag:s0] =	ssyncadd.s32 @!p1 $0xFFFFC000  }
0x21: {  	v0 =	vld [tilespmem:s25+$0x0];
	_ =	sdelay $0x4  }
0x22: {  	v6 =	vmul.u32 $0x41, v0;
	_ =	sdelay $0x5  }
0x23: {  	v0 =	vld.idx.msk [tilespmem:v6+s4+$0x0], $0xffff  }
0x24: {  	s6 =	simm.s32 $0x0;
	s25 =	sshll.u32 s2, $0xE;
	v1 =	vadd.s32 $0x1, v6  }
0x25: {  	s0 =	sand.u32 $0x3FFFFC00, s6;
	s28 =	sadd.s32 $0xFE70, s25  }
0x26: {  	s0 =	sadd.s32 s0, s28  }
0x27: {  	s21 =	sadd.s32 s5, s0  }
0x28: {  	[tilespmem:s21+$0x0] =	vst v0  }
0x29: {  	v0 =	vld.idx.msk [tilespmem:v1+s4+$0x0], $0xffff  }
0x2a: {  	v1 =	vadd.s32 $0x2, v6;
	_ =	sdelay $0x3  }
0x2b: {  	[tilespmem:s21+$0x80] =	vst v0  }
0x2c: {  	v0 =	vld.idx.msk [tilespmem:v1+s4+$0x0], $0xffff  }
0x2d: {  	v1 =	vadd.s32 $0x3, v6;
	_ =	sdelay $0x3  }
0x2e: {  	[tilespmem:s21+$0x100] =	vst v0  }
0x2f: {  	v0 =	vld.idx.msk [tilespmem:v1+s4+$0x0], $0xffff  }
0x30: {  	v1 =	vadd.s32 $0x4, v6;
	_ =	sdelay $0x3  }
0x31: {  	[tilespmem:s21+$0x180] =	vst v0  }
0x32: {  	v0 =	vld.idx.msk [tilespmem:v1+s4+$0x0], $0xffff  }
0x33: {  	v1 =	vadd.s32 $0x5, v6;
	_ =	sdelay $0x3  }
0x34: {  	[tilespmem:s21+$0x200] =	vst v0  }
0x35: {  	v0 =	vld.idx.msk [tilespmem:v1+s4+$0x0], $0xffff  }
0x36: {  	v1 =	vadd.s32 $0x6, v6;
	_ =	sdelay $0x3  }
0x37: {  	[tilespmem:s21+$0x280] =	vst v0  }
0x38: {  	v0 =	vld.idx.msk [tilespmem:v1+s4+$0x0], $0xffff  }
0x39: {  	v1 =	vadd.s32 $0x7, v6;
	_ =	sdelay $0x3  }
0x3a: {  	s8 =	simm.s32 $0x10;
	[tilespmem:s21+$0x300] =	vst v0  }
0x3b: {  	s16 =	simm.s32 $0x10;
	s0 =	sand.u32 $0x3FFFFF80, s8;
	v0 =	vld.idx.msk [tilespmem:v1+s4+$0x0], $0xffff  }
0x3c: {  	s2 =	sand.u32 $0x70, s16;
	s0 =	sadd.s32 s0, s26;
	v1 =	vadd.s32 $0x8, v6  }
0x3d: {  	s0 =	sadd.s32 s2, s0  }
0x3e: {  	v2 =	vld [tilespmem:s0+$0x0];
	_ =	sdelay $0x1  }
0x3f: {  	[tilespmem:s21+$0x380] =	vst v0  }
0x40: {  	v0 =	vld.idx.msk [tilespmem:v1+s4+$0x0], $0xffff  }
0x41: {  	v1 =	vadd.s32 $0x9, v6  }
0x42: {  	v2 =	vmul.u32 $0x41, v2;
	_ =	sdelay $0x2  }
0x43: {  	[tilespmem:s21+$0x800] =	vst v0  }
0x44: {  	v0 =	vld.idx.msk [tilespmem:v1+s4+$0x0], $0xffff  }
0x45: {  	v1 =	vadd.s32 $0xA, v6  }
0x46: {  	v3 =	vld.idx.msk [tilespmem:v2+s4+$0x0], $0xffff  }
0x47: {  	s17 =	simm.s32 $0x80;
	v4 =	vadd.s32 $0x1, v2  }
0x48: {  	s0 =	sand.u32 $0x3FFFFC00, s17  }
0x49: {  	s0 =	sadd.s32 s0, s28;
	[tilespmem:s21+$0x880] =	vst v0  }
0x4a: {  	s31 =	sadd.s32 s2, s0;
	v0 =	vld.idx.msk [tilespmem:v1+s4+$0x0], $0xffff  }
0x4b: {  	[tilespmem:s31+$0x0] =	vst v3;
	v1 =	vadd.s32 $0xB, v6  }
0x4c: {  	v3 =	vld.idx.msk [tilespmem:v4+s4+$0x0], $0xffff  }
0x4d: {  	v4 =	vadd.s32 $0x2, v2;
	_ =	sdelay $0x1  }
0x4e: {  	[tilespmem:s21+$0x900] =	vst v0  }
0x4f: {  	v0 =	vld.idx.msk [tilespmem:v1+s4+$0x0], $0xffff  }
0x50: {  	[tilespmem:s31+$0x80] =	vst v3;
	v1 =	vadd.s32 $0xC, v6  }
0x51: {  	v3 =	vld.idx.msk [tilespmem:v4+s4+$0x0], $0xffff  }
0x52: {  	v4 =	vadd.s32 $0x3, v2;
	_ =	sdelay $0x1  }
0x53: {  	[tilespmem:s21+$0x980] =	vst v0  }
0x54: {  	v0 =	vld.idx.msk [tilespmem:v1+s4+$0x0], $0xffff  }
0x55: {  	[tilespmem:s31+$0x100] =	vst v3;
	v1 =	vadd.s32 $0xD, v6  }
0x56: {  	v3 =	vld.idx.msk [tilespmem:v4+s4+$0x0], $0xffff  }
0x57: {  	v4 =	vadd.s32 $0x4, v2;
	_ =	sdelay $0x1  }
0x58: {  	[tilespmem:s21+$0xA00] =	vst v0  }
0x59: {  	v0 =	vld.idx.msk [tilespmem:v1+s4+$0x0], $0xffff  }
0x5a: {  	[tilespmem:s31+$0x180] =	vst v3;
	v1 =	vadd.s32 $0xE, v6  }
0x5b: {  	v3 =	vld.idx.msk [tilespmem:v4+s4+$0x0], $0xffff  }
0x5c: {  	v4 =	vadd.s32 $0x5, v2;
	_ =	sdelay $0x1  }
0x5d: {  	[tilespmem:s21+$0xA80] =	vst v0  }
0x5e: {  	v0 =	vld.idx.msk [tilespmem:v1+s4+$0x0], $0xffff  }
0x5f: {  	[tilespmem:s31+$0x200] =	vst v3;
	v1 =	vadd.s32 $0xF, v6  }
0x60: {  	v3 =	vld.idx.msk [tilespmem:v4+s4+$0x0], $0xffff  }
0x61: {  	v4 =	vadd.s32 $0x6, v2;
	_ =	sdelay $0x1  }
0x62: {  	[tilespmem:s21+$0xB00] =	vst v0  }
0x63: {  	v0 =	vld.idx.msk [tilespmem:v1+s4+$0x0], $0xffff  }
0x64: {  	[tilespmem:s31+$0x280] =	vst v3;
	v1 =	vadd.s32 $0x10, v6  }
0x65: {  	v3 =	vld.idx.msk [tilespmem:v4+s4+$0x0], $0xffff  }
0x66: {  	v4 =	vadd.s32 $0x7, v2;
	_ =	sdelay $0x1  }
0x67: {  	[tilespmem:s21+$0xB80] =	vst v0  }
0x68: {  	v0 =	vld.idx.msk [tilespmem:v1+s4+$0x0], $0xffff  }
0x69: {  	s18 =	simm.s32 $0x20;
	[tilespmem:s31+$0x300] =	vst v3;
	v1 =	vadd.s32 $0x11, v6  }
0x6a: {  	s19 =	simm.s32 $0x20;
	s0 =	sand.u32 $0x3FFFFF80, s18;
	v3 =	vld.idx.msk [tilespmem:v4+s4+$0x0], $0xffff  }
0x6b: {  	s2 =	sand.u32 $0x70, s19;
	s0 =	sadd.s32 s0, s26;
	v4 =	vadd.s32 $0x8, v2  }
0x6c: {  	s0 =	sadd.s32 s2, s0  }
0x6d: {  	v5 =	vld [tilespmem:s0+$0x0];
	[tilespmem:s21+$0x1000] =	vst v0  }
0x6e: {  	v1 =	vld.idx.msk [tilespmem:v1+s4+$0x0], $0xffff  }
0x6f: {  	[tilespmem:s31+$0x380] =	vst v3;
	v3 =	vadd.s32 $0x12, v6  }
0x70: {  	v4 =	vld.idx.msk [tilespmem:v4+s4+$0x0], $0xffff  }
0x71: {  	v7 =	vadd.s32 $0x9, v2  }
0x72: {  	v0 =	vmul.u32 $0x41, v5  }
0x73: {  	[tilespmem:s21+$0x1080] =	vst v1  }
0x74: {  	v1 =	vld.idx.msk [tilespmem:v3+s4+$0x0], $0xffff  }
0x75: {  	[tilespmem:s31+$0x800] =	vst v4;
	v3 =	vadd.s32 $0x13, v6  }
0x76: {  	v4 =	vld.idx.msk [tilespmem:v7+s4+$0x0], $0xffff  }
0x77: {  	v5 =	vadd.s32 $0xA, v2  }
0x78: {  	v7 =	vld.idx.msk [tilespmem:v0+s4+$0x0], $0xffff  }
0x79: {  	s20 =	simm.s32 $0x100;
	v8 =	vadd.s32 $0x1, v0;
	[tilespmem:s21+$0x1100] =	vst v1  }
0x7a: {  	s0 =	sand.u32 $0x3FFFFC00, s20;
	v1 =	vld.idx.msk [tilespmem:v3+s4+$0x0], $0xffff  }
0x7b: {  	s0 =	sadd.s32 s0, s28;
	[tilespmem:s31+$0x880] =	vst v4;
	v3 =	vadd.s32 $0x14, v6  }
0x7c: {  	s29 =	sadd.s32 s2, s0;
	v4 =	vld.idx.msk [tilespmem:v5+s4+$0x0], $0xffff  }
0x7d: {  	v5 =	vadd.s32 $0xB, v2;
	[tilespmem:s29+$0x0] =	vst v7  }
0x7e: {  	v7 =	vld.idx.msk [tilespmem:v8+s4+$0x0], $0xffff  }
0x7f: {  	v8 =	vadd.s32 $0x2, v0;
	[tilespmem:s21+$0x1180] =	vst v1  }
0x80: {  	v1 =	vld.idx.msk [tilespmem:v3+s4+$0x0], $0xffff  }
0x81: {  	[tilespmem:s31+$0x900] =	vst v4;
	v3 =	vadd.s32 $0x15, v6  }
0x82: {  	v4 =	vld.idx.msk [tilespmem:v5+s4+$0x0], $0xffff  }
0x83: {  	v5 =	vadd.s32 $0xC, v2;
	[tilespmem:s29+$0x80] =	vst v7  }
0x84: {  	v7 =	vld.idx.msk [tilespmem:v8+s4+$0x0], $0xffff  }
0x85: {  	v8 =	vadd.s32 $0x3, v0;
	[tilespmem:s21+$0x1200] =	vst v1  }
0x86: {  	v1 =	vld.idx.msk [tilespmem:v3+s4+$0x0], $0xffff  }
0x87: {  	[tilespmem:s31+$0x980] =	vst v4;
	v3 =	vadd.s32 $0x16, v6  }
0x88: {  	v4 =	vld.idx.msk [tilespmem:v5+s4+$0x0], $0xffff  }
0x89: {  	v5 =	vadd.s32 $0xD, v2;
	[tilespmem:s29+$0x100] =	vst v7  }
0x8a: {  	v7 =	vld.idx.msk [tilespmem:v8+s4+$0x0], $0xffff  }
0x8b: {  	v8 =	vadd.s32 $0x4, v0;
	[tilespmem:s21+$0x1280] =	vst v1  }
0x8c: {  	v1 =	vld.idx.msk [tilespmem:v3+s4+$0x0], $0xffff  }
0x8d: {  	[tilespmem:s31+$0xA00] =	vst v4;
	v3 =	vadd.s32 $0x17, v6  }
0x8e: {  	v4 =	vld.idx.msk [tilespmem:v5+s4+$0x0], $0xffff  }
0x8f: {  	v5 =	vadd.s32 $0xE, v2;
	[tilespmem:s29+$0x180] =	vst v7  }
0x90: {  	v7 =	vld.idx.msk [tilespmem:v8+s4+$0x0], $0xffff  }
0x91: {  	v8 =	vadd.s32 $0x5, v0;
	[tilespmem:s21+$0x1300] =	vst v1  }
0x92: {  	v1 =	vld.idx.msk [tilespmem:v3+s4+$0x0], $0xffff  }
0x93: {  	[tilespmem:s31+$0xA80] =	vst v4;
	v3 =	vadd.s32 $0x18, v6  }
0x94: {  	v4 =	vld.idx.msk [tilespmem:v5+s4+$0x0], $0xffff  }
0x95: {  	v5 =	vadd.s32 $0xF, v2;
	[tilespmem:s29+$0x200] =	vst v7  }
0x96: {  	v7 =	vld.idx.msk [tilespmem:v8+s4+$0x0], $0xffff  }
0x97: {  	v8 =	vadd.s32 $0x6, v0;
	[tilespmem:s21+$0x1380] =	vst v1  }
0x98: {  	v1 =	vld.idx.msk [tilespmem:v3+s4+$0x0], $0xffff  }
0x99: {  	[tilespmem:s31+$0xB00] =	vst v4;
	v3 =	vadd.s32 $0x19, v6  }
0x9a: {  	v4 =	vld.idx.msk [tilespmem:v5+s4+$0x0], $0xffff  }
0x9b: {  	v5 =	vadd.s32 $0x10, v2;
	[tilespmem:s29+$0x280] =	vst v7  }
0x9c: {  	v7 =	vld.idx.msk [tilespmem:v8+s4+$0x0], $0xffff  }
0x9d: {  	v8 =	vadd.s32 $0x7, v0;
	[tilespmem:s21+$0x1800] =	vst v1  }
0x9e: {  	v1 =	vld.idx.msk [tilespmem:v3+s4+$0x0], $0xffff  }
0x9f: {  	s5 =	simm.s32 $0x30;
	[tilespmem:s31+$0xB80] =	vst v4;
	v3 =	vadd.s32 $0x1A, v6  }
0xa0: {  	s6 =	simm.s32 $0x30;
	s0 =	sand.u32 $0x3FFFFF80, s5;
	v4 =	vld.idx.msk [tilespmem:v5+s4+$0x0], $0xffff  }
0xa1: {  	s2 =	sand.u32 $0x70, s6;
	s0 =	sadd.s32 s0, s26;
	v5 =	vadd.s32 $0x11, v2;
	[tilespmem:s29+$0x300] =	vst v7  }
0xa2: {  	s0 =	sadd.s32 s2, s0;
	v7 =	vld.idx.msk [tilespmem:v8+s4+$0x0], $0xffff  }
0xa3: {  	v9 =	vadd.s32 $0x8, v0;
	v8 =	vld [tilespmem:s0+$0x0];
	[tilespmem:s21+$0x1880] =	vst v1  }
0xa4: {  	v1 =	vld.idx.msk [tilespmem:v3+s4+$0x0], $0xffff  }
0xa5: {  	[tilespmem:s31+$0x1000] =	vst v4;
	v3 =	vadd.s32 $0x1B, v6  }
0xa6: {  	v4 =	vld.idx.msk [tilespmem:v5+s4+$0x0], $0xffff  }
0xa7: {  	v5 =	vadd.s32 $0x12, v2;
	[tilespmem:s29+$0x380] =	vst v7  }
0xa8: {  	v7 =	vld.idx.msk [tilespmem:v9+s4+$0x0], $0xffff  }
0xa9: {  	v9 =	vadd.s32 $0x9, v0;
	[tilespmem:s21+$0x1900] =	vst v1;
	v1 =	vmul.u32 $0x41, v8  }
0xaa: {  	v3 =	vld.idx.msk [tilespmem:v3+s4+$0x0], $0xffff  }
0xab: {  	[tilespmem:s31+$0x1080] =	vst v4;
	v4 =	vadd.s32 $0x1C, v6  }
0xac: {  	v5 =	vld.idx.msk [tilespmem:v5+s4+$0x0], $0xffff  }
0xad: {  	[tilespmem:s29+$0x800] =	vst v7;
	v7 =	vadd.s32 $0x13, v2  }
0xae: {  	v8 =	vld.idx.msk [tilespmem:v9+s4+$0x0], $0xffff  }
0xaf: {  	v10 =	vadd.s32 $0xA, v0;
	v9 =	vld.idx.msk [tilespmem:v1+s4+$0x0], $0xffff;
	[tilespmem:s21+$0x1980] =	vst v3  }
0xb0: {  	s8 =	simm.s32 $0x180;
	v3 =	vld.idx.msk [tilespmem:v4+s4+$0x0], $0xffff;
	v4 =	vadd.s32 $0x1, v1  }
0xb1: {  	s0 =	sand.u32 $0x3FFFFC00, s8;
	[tilespmem:s31+$0x1100] =	vst v5;
	v5 =	vadd.s32 $0x1D, v6  }
0xb2: {  	s0 =	sadd.s32 s0, s28;
	v7 =	vld.idx.msk [tilespmem:v7+s4+$0x0], $0xffff  }
0xb3: {  	s30 =	sadd.s32 s2, s0;
	[tilespmem:s29+$0x880] =	vst v8;
	v8 =	vadd.s32 $0x14, v2  }
0xb4: {  	v10 =	vld.idx.msk [tilespmem:v10+s4+$0x0], $0xffff;
	[tilespmem:s30+$0x0] =	vst v9  }
0xb5: {  	v9 =	vadd.s32 $0xB, v0;
	v4 =	vld.idx.msk [tilespmem:v4+s4+$0x0], $0xffff;
	[tilespmem:s21+$0x1A00] =	vst v3  }
0xb6: {  	v3 =	vld.idx.msk [tilespmem:v5+s4+$0x0], $0xffff;
	v5 =	vadd.s32 $0x2, v1  }
0xb7: {  	[tilespmem:s31+$0x1180] =	vst v7;
	v7 =	vadd.s32 $0x1E, v6  }
0xb8: {  	v8 =	vld.idx.msk [tilespmem:v8+s4+$0x0], $0xffff  }
0xb9: {  	[tilespmem:s29+$0x900] =	vst v10;
	v10 =	vadd.s32 $0x15, v2  }
0xba: {  	v9 =	vld.idx.msk [tilespmem:v9+s4+$0x0], $0xffff;
	[tilespmem:s30+$0x80] =	vst v4  }
0xbb: {  	v4 =	vld.idx.msk [tilespmem:v5+s4+$0x0], $0xffff;
	v5 =	vadd.s32 $0xC, v0;
	[tilespmem:s21+$0x1A80] =	vst v3  }
0xbc: {  	v3 =	vld.idx.msk [tilespmem:v7+s4+$0x0], $0xffff;
	v7 =	vadd.s32 $0x3, v1  }
0xbd: {  	[tilespmem:s31+$0x1200] =	vst v8;
	v8 =	vadd.s32 $0x1F, v6  }
0xbe: {  	v10 =	vld.idx.msk [tilespmem:v10+s4+$0x0], $0xffff  }
0xbf: {  	[tilespmem:s29+$0x980] =	vst v9;
	v9 =	vadd.s32 $0x16, v2  }
0xc0: {  	v5 =	vld.idx.msk [tilespmem:v5+s4+$0x0], $0xffff;
	[tilespmem:s30+$0x100] =	vst v4  }
0xc1: {  	v4 =	vld.idx.msk [tilespmem:v7+s4+$0x0], $0xffff;
	v7 =	vadd.s32 $0xD, v0;
	[tilespmem:s21+$0x1B00] =	vst v3  }
0xc2: {  	v3 =	vld.idx.msk [tilespmem:v8+s4+$0x0], $0xffff;
	v8 =	vadd.s32 $0x4, v1  }
0xc3: {  	[tilespmem:s31+$0x1280] =	vst v10;
	v10 =	vadd.s32 $0x20, v6  }
0xc4: {  	v9 =	vld.idx.msk [tilespmem:v9+s4+$0x0], $0xffff  }
0xc5: {  	[tilespmem:s29+$0xA00] =	vst v5;
	v5 =	vadd.s32 $0x17, v2  }
0xc6: {  	v7 =	vld.idx.msk [tilespmem:v7+s4+$0x0], $0xffff;
	[tilespmem:s30+$0x180] =	vst v4  }
0xc7: {  	v4 =	vld.idx.msk [tilespmem:v8+s4+$0x0], $0xffff;
	v8 =	vadd.s32 $0xE, v0;
	[tilespmem:s21+$0x1B80] =	vst v3  }
0xc8: {  	v3 =	vld.idx.msk [tilespmem:v10+s4+$0x0], $0xffff;
	v10 =	vadd.s32 $0x5, v1  }
0xc9: {  	[tilespmem:s31+$0x1300] =	vst v9;
	v9 =	vadd.s32 $0x21, v6  }
0xca: {  	v5 =	vld.idx.msk [tilespmem:v5+s4+$0x0], $0xffff  }
0xcb: {  	[tilespmem:s29+$0xA80] =	vst v7;
	v7 =	vadd.s32 $0x18, v2  }
0xcc: {  	v8 =	vld.idx.msk [tilespmem:v8+s4+$0x0], $0xffff;
	[tilespmem:s30+$0x200] =	vst v4  }
0xcd: {  	v4 =	vld.idx.msk [tilespmem:v10+s4+$0x0], $0xffff;
	v10 =	vadd.s32 $0xF, v0;
	[tilespmem:s21+$0x2000] =	vst v3  }
0xce: {  	v3 =	vld.idx.msk [tilespmem:v9+s4+$0x0], $0xffff;
	v9 =	vadd.s32 $0x6, v1  }
0xcf: {  	[tilespmem:s31+$0x1380] =	vst v5;
	v5 =	vadd.s32 $0x22, v6  }
0xd0: {  	v7 =	vld.idx.msk [tilespmem:v7+s4+$0x0], $0xffff  }
0xd1: {  	[tilespmem:s29+$0xB00] =	vst v8  }
0xd2: {  	v8 =	vadd.s32 $0x19, v2;
	v10 =	vld.idx.msk [tilespmem:v10+s4+$0x0], $0xffff;
	[tilespmem:s30+$0x280] =	vst v4  }
0xd3: {  	v4 =	vld.idx.msk [tilespmem:v9+s4+$0x0], $0xffff;
	v9 =	vadd.s32 $0x10, v0;
	[tilespmem:s21+$0x2080] =	vst v3  }
0xd4: {  	v3 =	vld.idx.msk [tilespmem:v5+s4+$0x0], $0xffff;
	v5 =	vadd.s32 $0x7, v1  }
0xd5: {  	[tilespmem:s31+$0x1800] =	vst v7;
	v7 =	vadd.s32 $0x23, v6;
	_ =	sdelay $0x1  }
0xd6: {  	s16 =	simm.s32 $0x40;
	v8 =	vld.idx.msk [tilespmem:v8+s4+$0x0], $0xffff;
	[tilespmem:s29+$0xB80] =	vst v10  }
0xd7: {  	s17 =	simm.s32 $0x40;
	s0 =	sand.u32 $0x3FFFFF80, s16;
	v10 =	vadd.s32 $0x1A, v2;
	v9 =	vld.idx.msk [tilespmem:v9+s4+$0x0], $0xffff;
	[tilespmem:s30+$0x300] =	vst v4  }
0xd8: {  	s2 =	sand.u32 $0x70, s17;
	s0 =	sadd.s32 s0, s26;
	v4 =	vld.idx.msk [tilespmem:v5+s4+$0x0], $0xffff;
	v5 =	vadd.s32 $0x11, v0;
	[tilespmem:s21+$0x2100] =	vst v3  }
0xd9: {  	s0 =	sadd.s32 s2, s0;
	v3 =	vld.idx.msk [tilespmem:v7+s4+$0x0], $0xffff;
	v7 =	vadd.s32 $0x8, v1  }
0xda: {  	v11 =	vld [tilespmem:s0+$0x0]  }
0xdb: {  	[tilespmem:s31+$0x1880] =	vst v8;
	v8 =	vadd.s32 $0x24, v6  }
0xdc: {  	v10 =	vld.idx.msk [tilespmem:v10+s4+$0x0], $0xffff;
	[tilespmem:s29+$0x1000] =	vst v9  }
0xdd: {  	v9 =	vadd.s32 $0x1B, v2;
	v5 =	vld.idx.msk [tilespmem:v5+s4+$0x0], $0xffff;
	[tilespmem:s30+$0x380] =	vst v4  }
0xde: {  	v4 =	vld.idx.msk [tilespmem:v7+s4+$0x0], $0xffff;
	v7 =	vadd.s32 $0x12, v0  }
0xdf: {  	v12 =	vadd.s32 $0x9, v1;
	[tilespmem:s21+$0x2180] =	vst v3;
	v3 =	vmul.u32 $0x41, v11  }
0xe0: {  	v8 =	vld.idx.msk [tilespmem:v8+s4+$0x0], $0xffff  }
0xe1: {  	[tilespmem:s31+$0x1900] =	vst v10;
	v10 =	vadd.s32 $0x25, v6  }
0xe2: {  	v9 =	vld.idx.msk [tilespmem:v9+s4+$0x0], $0xffff;
	[tilespmem:s29+$0x1080] =	vst v5  }
0xe3: {  	v7 =	vld.idx.msk [tilespmem:v7+s4+$0x0], $0xffff;
	[tilespmem:s30+$0x800] =	vst v4  }
0xe4: {  	v5 =	vadd.s32 $0x1C, v2;
	v4 =	vld.idx.msk [tilespmem:v12+s4+$0x0], $0xffff  }
0xe5: {  	v11 =	vadd.s32 $0x13, v0;
	[tilespmem:s21+$0x2200] =	vst v8;
	v12 =	vld.idx.msk [tilespmem:v3+s4+$0x0], $0xffff  }
0xe6: {  	v8 =	vld.idx.msk [tilespmem:v10+s4+$0x0], $0xffff;
	v10 =	vadd.s32 $0xA, v1  }
0xe7: {  	s18 =	simm.s32 $0x200;
	v13 =	vadd.s32 $0x1, v3  }
0xe8: {  	s0 =	sand.u32 $0x3FFFFC00, s18;
	[tilespmem:s31+$0x1980] =	vst v9;
	v9 =	vadd.s32 $0x26, v6  }
0xe9: {  	s0 =	sadd.s32 s0, s28;
	v5 =	vld.idx.msk [tilespmem:v5+s4+$0x0], $0xffff;
	[tilespmem:s29+$0x1100] =	vst v7  }
0xea: {  	s2 =	sadd.s32 s2, s0;
	v11 =	vld.idx.msk [tilespmem:v11+s4+$0x0], $0xffff;
	[tilespmem:s30+$0x880] =	vst v4  }
0xeb: {  	v7 =	vadd.s32 $0x1D, v2;
	[tilespmem:s2+$0x0] =	vst v12;
	v4 =	vld.idx.msk [tilespmem:v10+s4+$0x0], $0xffff  }
0xec: {  	v10 =	vadd.s32 $0x14, v0;
	[tilespmem:s21+$0x2280] =	vst v8;
	v12 =	vld.idx.msk [tilespmem:v13+s4+$0x0], $0xffff  }
0xed: {  	v8 =	vld.idx.msk [tilespmem:v9+s4+$0x0], $0xffff;
	v9 =	vadd.s32 $0xB, v1  }
0xee: {  	v13 =	vadd.s32 $0x2, v3  }
0xef: {  	[tilespmem:s31+$0x1A00] =	vst v5;
	v5 =	vadd.s32 $0x27, v6  }
0xf0: {  	v7 =	vld.idx.msk [tilespmem:v7+s4+$0x0], $0xffff;
	[tilespmem:s29+$0x1180] =	vst v11  }
0xf1: {  	v11 =	vadd.s32 $0x1E, v2;
	v10 =	vld.idx.msk [tilespmem:v10+s4+$0x0], $0xffff;
	[tilespmem:s30+$0x900] =	vst v4  }
0xf2: {  	[tilespmem:s2+$0x80] =	vst v12;
	v4 =	vld.idx.msk [tilespmem:v9+s4+$0x0], $0xffff;
	v9 =	vadd.s32 $0x15, v0  }
0xf3: {  	[tilespmem:s21+$0x2300] =	vst v8;
	v8 =	vadd.s32 $0xC, v1;
	v12 =	vld.idx.msk [tilespmem:v13+s4+$0x0], $0xffff  }
0xf4: {  	v13 =	vadd.s32 $0x3, v3;
	v5 =	vld.idx.msk [tilespmem:v5+s4+$0x0], $0xffff  }
0xf5: {  	[tilespmem:s31+$0x1A80] =	vst v7;
	v7 =	vadd.s32 $0x28, v6  }
0xf6: {  	v11 =	vld.idx.msk [tilespmem:v11+s4+$0x0], $0xffff;
	[tilespmem:s29+$0x1200] =	vst v10  }
0xf7: {  	v9 =	vld.idx.msk [tilespmem:v9+s4+$0x0], $0xffff;
	[tilespmem:s30+$0x980] =	vst v4  }
0xf8: {  	v10 =	vadd.s32 $0x1F, v2;
	[tilespmem:s2+$0x100] =	vst v12;
	v4 =	vld.idx.msk [tilespmem:v8+s4+$0x0], $0xffff  }
0xf9: {  	v8 =	vadd.s32 $0x16, v0;
	[tilespmem:s21+$0x2380] =	vst v5;
	v12 =	vld.idx.msk [tilespmem:v13+s4+$0x0], $0xffff  }
0xfa: {  	v5 =	vld.idx.msk [tilespmem:v7+s4+$0x0], $0xffff;
	v7 =	vadd.s32 $0xD, v1  }
0xfb: {  	v13 =	vadd.s32 $0x4, v3  }
0xfc: {  	[tilespmem:s31+$0x1B00] =	vst v11;
	v11 =	vadd.s32 $0x29, v6  }
0xfd: {  	v10 =	vld.idx.msk [tilespmem:v10+s4+$0x0], $0xffff;
	[tilespmem:s29+$0x1280] =	vst v9  }
0xfe: {  	v8 =	vld.idx.msk [tilespmem:v8+s4+$0x0], $0xffff;
	[tilespmem:s30+$0xA00] =	vst v4  }
0xff: {  	v9 =	vadd.s32 $0x20, v2;
	[tilespmem:s2+$0x180] =	vst v12;
	v4 =	vld.idx.msk [tilespmem:v7+s4+$0x0], $0xffff  }
0x100: {  	v7 =	vadd.s32 $0x17, v0;
	[tilespmem:s21+$0x2800] =	vst v5;
	v12 =	vld.idx.msk [tilespmem:v13+s4+$0x0], $0xffff  }
0x101: {  	v5 =	vld.idx.msk [tilespmem:v11+s4+$0x0], $0xffff;
	v11 =	vadd.s32 $0xE, v1  }
0x102: {  	v13 =	vadd.s32 $0x5, v3  }
0x103: {  	[tilespmem:s31+$0x1B80] =	vst v10;
	v10 =	vadd.s32 $0x2A, v6  }
0x104: {  	v9 =	vld.idx.msk [tilespmem:v9+s4+$0x0], $0xffff;
	[tilespmem:s29+$0x1300] =	vst v8  }
0x105: {  	v7 =	vld.idx.msk [tilespmem:v7+s4+$0x0], $0xffff;
	[tilespmem:s30+$0xA80] =	vst v4  }
0x106: {  	v8 =	vadd.s32 $0x21, v2;
	[tilespmem:s2+$0x200] =	vst v12;
	v4 =	vld.idx.msk [tilespmem:v11+s4+$0x0], $0xffff  }
0x107: {  	v11 =	vadd.s32 $0x18, v0;
	[tilespmem:s21+$0x2880] =	vst v5;
	v12 =	vld.idx.msk [tilespmem:v13+s4+$0x0], $0xffff  }
0x108: {  	v5 =	vld.idx.msk [tilespmem:v10+s4+$0x0], $0xffff;
	v10 =	vadd.s32 $0xF, v1  }
0x109: {  	v13 =	vadd.s32 $0x6, v3  }
0x10a: {  	[tilespmem:s31+$0x2000] =	vst v9;
	v9 =	vadd.s32 $0x2B, v6  }
0x10b: {  	v8 =	vld.idx.msk [tilespmem:v8+s4+$0x0], $0xffff;
	[tilespmem:s29+$0x1380] =	vst v7  }
0x10c: {  	v11 =	vld.idx.msk [tilespmem:v11+s4+$0x0], $0xffff;
	[tilespmem:s30+$0xB00] =	vst v4  }
0x10d: {  	v7 =	vadd.s32 $0x22, v2;
	[tilespmem:s2+$0x280] =	vst v12;
	v4 =	vld.idx.msk [tilespmem:v10+s4+$0x0], $0xffff  }
0x10e: {  	v10 =	vadd.s32 $0x19, v0;
	[tilespmem:s21+$0x2900] =	vst v5;
	v12 =	vld.idx.msk [tilespmem:v13+s4+$0x0], $0xffff  }
0x10f: {  	v5 =	vld.idx.msk [tilespmem:v9+s4+$0x0], $0xffff;
	v9 =	vadd.s32 $0x10, v1  }
0x110: {  	v13 =	vadd.s32 $0x7, v3  }
0x111: {  	[tilespmem:s31+$0x2080] =	vst v8;
	v8 =	vadd.s32 $0x2C, v6  }
0x112: {  	v7 =	vld.idx.msk [tilespmem:v7+s4+$0x0], $0xffff;
	[tilespmem:s29+$0x1800] =	vst v11  }
0x113: {  	v10 =	vld.idx.msk [tilespmem:v10+s4+$0x0], $0xffff;
	[tilespmem:s30+$0xB80] =	vst v4  }
0x114: {  	s19 =	simm.s32 $0x50;
	v11 =	vadd.s32 $0x23, v2;
	[tilespmem:s2+$0x300] =	vst v12;
	v4 =	vld.idx.msk [tilespmem:v9+s4+$0x0], $0xffff  }
0x115: {  	s20 =	simm.s32 $0x50;
	s0 =	sand.u32 $0x3FFFFF80, s19;
	v9 =	vadd.s32 $0x1A, v0;
	[tilespmem:s21+$0x2980] =	vst v5;
	v12 =	vld.idx.msk [tilespmem:v13+s4+$0x0], $0xffff  }
0x116: {  	s5 =	sand.u32 $0x70, s20;
	s0 =	sadd.s32 s0, s26;
	v5 =	vld.idx.msk [tilespmem:v8+s4+$0x0], $0xffff;
	v8 =	vadd.s32 $0x11, v1  }
0x117: {  	s0 =	sadd.s32 s5, s0;
	v13 =	vadd.s32 $0x8, v3  }
0x118: {  	v14 =	vld [tilespmem:s0+$0x0];
	[tilespmem:s31+$0x2100] =	vst v7;
	v7 =	vadd.s32 $0x2D, v6  }
0x119: {  	v11 =	vld.idx.msk [tilespmem:v11+s4+$0x0], $0xffff;
	[tilespmem:s29+$0x1880] =	vst v10  }
0x11a: {  	v10 =	vadd.s32 $0x24, v2;
	v9 =	vld.idx.msk [tilespmem:v9+s4+$0x0], $0xffff;
	[tilespmem:s30+$0x1000] =	vst v4  }
0x11b: {  	v15 =	vadd.s32 $0x1B, v0;
	[tilespmem:s2+$0x380] =	vst v12;
	v8 =	vld.idx.msk [tilespmem:v8+s4+$0x0], $0xffff  }
0x11c: {  	v12 =	vadd.s32 $0x12, v1;
	[tilespmem:s21+$0x2A00] =	vst v5;
	v13 =	vld.idx.msk [tilespmem:v13+s4+$0x0], $0xffff  }
0x11d: {  	v16 =	vadd.s32 $0x9, v3;
	v7 =	vld.idx.msk [tilespmem:v7+s4+$0x0], $0xffff  }
0x11e: {  	[tilespmem:s31+$0x2180] =	vst v11;
	v11 =	vadd.s32 $0x2E, v6  }
0x11f: {  	v4 =	vmul.u32 $0x41, v14;
	v10 =	vld.idx.msk [tilespmem:v10+s4+$0x0], $0xffff;
	[tilespmem:s29+$0x1900] =	vst v9  }
0x120: {  	s6 =	simm.s32 $0x60;
	v14 =	vld.idx.msk [tilespmem:v15+s4+$0x0], $0xffff;
	[tilespmem:s30+$0x1080] =	vst v8  }
0x121: {  	s8 =	simm.s32 $0x60;
	s0 =	sand.u32 $0x3FFFFF80, s6;
	v9 =	vadd.s32 $0x25, v2;
	[tilespmem:s2+$0x800] =	vst v13;
	v8 =	vld.idx.msk [tilespmem:v12+s4+$0x0], $0xffff  }
0x122: {  	s8 =	sand.u32 $0x70, s8;
	s0 =	sadd.s32 s0, s26;
	v12 =	vadd.s32 $0x1C, v0;
	[tilespmem:s21+$0x2A80] =	vst v7;
	v13 =	vld.idx.msk [tilespmem:v16+s4+$0x0], $0xffff  }
0x123: {  	s0 =	sadd.s32 s8, s0;
	v7 =	vld.idx.msk [tilespmem:v11+s4+$0x0], $0xffff;
	v11 =	vadd.s32 $0x13, v1  }
0x124: {  	v5 =	vld [tilespmem:s0+$0x0];
	v15 =	vadd.s32 $0xA, v3  }
0x125: {  	v16 =	vld.idx.msk [tilespmem:v4+s4+$0x0], $0xffff;
	[tilespmem:s31+$0x2200] =	vst v10;
	v10 =	vadd.s32 $0x2F, v6  }
0x126: {  	s16 =	simm.s32 $0x280;
	v17 =	vadd.s32 $0x1, v4;
	v9 =	vld.idx.msk [tilespmem:v9+s4+$0x0], $0xffff;
	[tilespmem:s29+$0x1980] =	vst v14  }
0x127: {  	s0 =	sand.u32 $0x3FFFFC00, s16;
	v12 =	vld.idx.msk [tilespmem:v12+s4+$0x0], $0xffff;
	[tilespmem:s30+$0x1100] =	vst v8  }
0x128: {  	s0 =	sadd.s32 s0, s28;
	v14 =	vadd.s32 $0x26, v2;
	[tilespmem:s2+$0x880] =	vst v13;
	v8 =	vld.idx.msk [tilespmem:v11+s4+$0x0], $0xffff  }
0x129: {  	s0 =	sadd.s32 s5, s0;
	v11 =	vadd.s32 $0x1D, v0;
	[tilespmem:s21+$0x2B00] =	vst v7;
	v13 =	vld.idx.msk [tilespmem:v15+s4+$0x0], $0xffff  }
0x12a: {  	[tilespmem:s0+$0x0] =	vst v16;
	v7 =	vld.idx.msk [tilespmem:v10+s4+$0x0], $0xffff;
	v10 =	vadd.s32 $0x14, v1  }
0x12b: {  	v15 =	vadd.s32 $0xB, v3;
	v16 =	vld.idx.msk [tilespmem:v17+s4+$0x0], $0xffff  }
0x12c: {  	v17 =	vadd.s32 $0x2, v4;
	[tilespmem:s31+$0x2280] =	vst v9  }
0x12d: {  	v9 =	vadd.s32 $0x30, v6;
	v14 =	vld.idx.msk [tilespmem:v14+s4+$0x0], $0xffff;
	[tilespmem:s29+$0x1A00] =	vst v12  }
0x12e: {  	v11 =	vld.idx.msk [tilespmem:v11+s4+$0x0], $0xffff;
	[tilespmem:s30+$0x1180] =	vst v8  }
0x12f: {  	[tilespmem:s2+$0x900] =	vst v13;
	v8 =	vld.idx.msk [tilespmem:v10+s4+$0x0], $0xffff  }
0x130: {  	v12 =	vadd.s32 $0x27, v2;
	[tilespmem:s0+$0x80] =	vst v16;
	v13 =	vld.idx.msk [tilespmem:v15+s4+$0x0], $0xffff  }
0x131: {  	v10 =	vadd.s32 $0x1E, v0;
	[tilespmem:s21+$0x2B80] =	vst v7;
	v16 =	vld.idx.msk [tilespmem:v17+s4+$0x0], $0xffff  }
0x132: {  	v7 =	vld.idx.msk [tilespmem:v9+s4+$0x0], $0xffff;
	v9 =	vadd.s32 $0x15, v1  }
0x133: {  	v17 =	vadd.s32 $0x3, v4;
	[tilespmem:s31+$0x2300] =	vst v14  }
0x134: {  	v14 =	vadd.s32 $0x31, v6;
	[tilespmem:s29+$0x1A80] =	vst v11  }
0x135: {  	v15 =	vadd.s32 $0xC, v3;
	v12 =	vld.idx.msk [tilespmem:v12+s4+$0x0], $0xffff;
	[tilespmem:s30+$0x1200] =	vst v8  }
0x136: {  	v11 =	vadd.s32 $0x28, v2;
	v10 =	vld.idx.msk [tilespmem:v10+s4+$0x0], $0xffff;
	[tilespmem:s2+$0x980] =	vst v13  }
0x137: {  	[tilespmem:s0+$0x100] =	vst v16;
	v8 =	vld.idx.msk [tilespmem:v9+s4+$0x0], $0xffff;
	v9 =	vadd.s32 $0x1F, v0  }
0x138: {  	v13 =	vadd.s32 $0x16, v1;
	[tilespmem:s21+$0x3000] =	vst v7;
	v16 =	vld.idx.msk [tilespmem:v17+s4+$0x0], $0xffff  }
0x139: {  	v17 =	vadd.s32 $0x4, v4;
	v7 =	vld.idx.msk [tilespmem:v14+s4+$0x0], $0xffff  }
0x13a: {  	v14 =	vld.idx.msk [tilespmem:v15+s4+$0x0], $0xffff;
	[tilespmem:s31+$0x2380] =	vst v12;
	v12 =	vadd.s32 $0x32, v6  }
0x13b: {  	v11 =	vld.idx.msk [tilespmem:v11+s4+$0x0], $0xffff;
	[tilespmem:s29+$0x1B00] =	vst v10  }
0x13c: {  	v15 =	vadd.s32 $0xD, v3;
	v9 =	vld.idx.msk [tilespmem:v9+s4+$0x0], $0xffff;
	[tilespmem:s30+$0x1280] =	vst v8  }
0x13d: {  	v10 =	vadd.s32 $0x29, v2;
	[tilespmem:s0+$0x180] =	vst v16;
	v8 =	vld.idx.msk [tilespmem:v13+s4+$0x0], $0xffff  }
0x13e: {  	v13 =	vadd.s32 $0x20, v0;
	[tilespmem:s21+$0x3080] =	vst v7;
	v16 =	vld.idx.msk [tilespmem:v17+s4+$0x0], $0xffff  }
0x13f: {  	v7 =	vld.idx.msk [tilespmem:v12+s4+$0x0], $0xffff;
	v12 =	vadd.s32 $0x17, v1  }
0x140: {  	[tilespmem:s2+$0xA00] =	vst v14;
	v17 =	vadd.s32 $0x5, v4  }
0x141: {  	v14 =	vld.idx.msk [tilespmem:v15+s4+$0x0], $0xffff;
	[tilespmem:s31+$0x2800] =	vst v11;
	v11 =	vadd.s32 $0x33, v6  }
0x142: {  	v10 =	vld.idx.msk [tilespmem:v10+s4+$0x0], $0xffff;
	[tilespmem:s29+$0x1B80] =	vst v9  }
0x143: {  	v15 =	vadd.s32 $0xE, v3;
	v13 =	vld.idx.msk [tilespmem:v13+s4+$0x0], $0xffff;
	[tilespmem:s30+$0x1300] =	vst v8  }
0x144: {  	v9 =	vadd.s32 $0x2A, v2;
	[tilespmem:s0+$0x200] =	vst v16;
	v8 =	vld.idx.msk [tilespmem:v12+s4+$0x0], $0xffff  }
0x145: {  	v12 =	vadd.s32 $0x21, v0;
	[tilespmem:s21+$0x3100] =	vst v7;
	v16 =	vld.idx.msk [tilespmem:v17+s4+$0x0], $0xffff  }
0x146: {  	v7 =	vld.idx.msk [tilespmem:v11+s4+$0x0], $0xffff;
	v11 =	vadd.s32 $0x18, v1  }
0x147: {  	[tilespmem:s2+$0xA80] =	vst v14;
	v17 =	vadd.s32 $0x6, v4  }
0x148: {  	v14 =	vld.idx.msk [tilespmem:v15+s4+$0x0], $0xffff;
	[tilespmem:s31+$0x2880] =	vst v10;
	v10 =	vadd.s32 $0x34, v6  }
0x149: {  	v9 =	vld.idx.msk [tilespmem:v9+s4+$0x0], $0xffff;
	[tilespmem:s29+$0x2000] =	vst v13  }
0x14a: {  	v15 =	vadd.s32 $0xF, v3;
	v12 =	vld.idx.msk [tilespmem:v12+s4+$0x0], $0xffff;
	[tilespmem:s30+$0x1380] =	vst v8  }
0x14b: {  	v13 =	vadd.s32 $0x2B, v2;
	[tilespmem:s0+$0x280] =	vst v16;
	v8 =	vld.idx.msk [tilespmem:v11+s4+$0x0], $0xffff  }
0x14c: {  	v11 =	vadd.s32 $0x22, v0;
	[tilespmem:s21+$0x3180] =	vst v7;
	v16 =	vld.idx.msk [tilespmem:v17+s4+$0x0], $0xffff  }
0x14d: {  	v7 =	vld.idx.msk [tilespmem:v10+s4+$0x0], $0xffff;
	v10 =	vadd.s32 $0x19, v1  }
0x14e: {  	[tilespmem:s2+$0xB00] =	vst v14;
	v17 =	vadd.s32 $0x7, v4  }
0x14f: {  	v14 =	vld.idx.msk [tilespmem:v15+s4+$0x0], $0xffff;
	[tilespmem:s31+$0x2900] =	vst v9;
	v9 =	vadd.s32 $0x35, v6  }
0x150: {  	v15 =	vadd.s32 $0x10, v3;
	v13 =	vld.idx.msk [tilespmem:v13+s4+$0x0], $0xffff;
	[tilespmem:s29+$0x2080] =	vst v12  }
0x151: {  	v11 =	vld.idx.msk [tilespmem:v11+s4+$0x0], $0xffff;
	[tilespmem:s30+$0x1800] =	vst v8  }
0x152: {  	v12 =	vadd.s32 $0x2C, v2;
	[tilespmem:s0+$0x300] =	vst v16;
	v8 =	vld.idx.msk [tilespmem:v10+s4+$0x0], $0xffff  }
0x153: {  	v10 =	vadd.s32 $0x23, v0;
	[tilespmem:s21+$0x3200] =	vst v7;
	v16 =	vld.idx.msk [tilespmem:v17+s4+$0x0], $0xffff  }
0x154: {  	[tilespmem:s2+$0xB80] =	vst v14;
	v7 =	vld.idx.msk [tilespmem:v9+s4+$0x0], $0xffff;
	v9 =	vadd.s32 $0x1A, v1  }
0x155: {  	v17 =	vadd.s32 $0x8, v4;
	v14 =	vld.idx.msk [tilespmem:v15+s4+$0x0], $0xffff  }
0x156: {  	v15 =	vadd.s32 $0x11, v3;
	[tilespmem:s31+$0x2980] =	vst v13  }
0x157: {  	v13 =	vadd.s32 $0x36, v6;
	v12 =	vld.idx.msk [tilespmem:v12+s4+$0x0], $0xffff;
	[tilespmem:s29+$0x2100] =	vst v11  }
0x158: {  	v10 =	vld.idx.msk [tilespmem:v10+s4+$0x0], $0xffff;
	[tilespmem:s30+$0x1880] =	vst v8  }
0x159: {  	s17 =	simm.s32 $0x70;
	v11 =	vadd.s32 $0x2D, v2;
	[tilespmem:s0+$0x380] =	vst v16;
	v8 =	vld.idx.msk [tilespmem:v9+s4+$0x0], $0xffff  }
0x15a: {  	s18 =	sand.u32 $0x3FFFFF80, s17;
	s5 =	simm.s32 $0x70;
	v9 =	vadd.s32 $0x24, v0;
	[tilespmem:s2+$0x1000] =	vst v14;
	v16 =	vld.idx.msk [tilespmem:v17+s4+$0x0], $0xffff  }
0x15b: {  	s6 =	sadd.s32 s18, s26;
	s19 =	sand.u32 $0x70, s5;
	[tilespmem:s21+$0x3280] =	vst v7;
	v14 =	vld.idx.msk [tilespmem:v15+s4+$0x0], $0xffff;
	v15 =	vadd.s32 $0x1B, v1  }
0x15c: {  	v18 =	vadd.s32 $0x9, v4;
	s6 =	sadd.s32 s19, s6;
	v13 =	vld.idx.msk [tilespmem:v13+s4+$0x0], $0xffff  }
0x15d: {  	v7 =	vld [tilespmem:s6+$0x0];
	[tilespmem:s31+$0x2A00] =	vst v12;
	v12 =	vadd.s32 $0x37, v6  }
0x15e: {  	v17 =	vadd.s32 $0x12, v3;
	v11 =	vld.idx.msk [tilespmem:v11+s4+$0x0], $0xffff;
	[tilespmem:s29+$0x2180] =	vst v10  }
0x15f: {  	v10 =	vadd.s32 $0x2E, v2;
	v9 =	vld.idx.msk [tilespmem:v9+s4+$0x0], $0xffff;
	[tilespmem:s30+$0x1900] =	vst v8  }
0x160: {  	v5 =	vmul.u32 $0x41, v5;
	[tilespmem:s0+$0x800] =	vst v16;
	v8 =	vld.idx.msk [tilespmem:v15+s4+$0x0], $0xffff;
	v15 =	vadd.s32 $0x25, v0  }
0x161: {  	[tilespmem:s21+$0x3300] =	vst v13;
	v16 =	vld.idx.msk [tilespmem:v18+s4+$0x0], $0xffff  }
0x162: {  	[tilespmem:s2+$0x1080] =	vst v14;
	v14 =	vadd.s32 $0x1C, v1;
	v12 =	vld.idx.msk [tilespmem:v12+s4+$0x0], $0xffff  }
0x163: {  	v13 =	vld.idx.msk [tilespmem:v17+s4+$0x0], $0xffff;
	[tilespmem:s31+$0x2A80] =	vst v11;
	v11 =	vadd.s32 $0x38, v6  }
0x164: {  	v17 =	vadd.s32 $0x13, v3;
	v10 =	vld.idx.msk [tilespmem:v10+s4+$0x0], $0xffff;
	[tilespmem:s29+$0x2200] =	vst v9  }
0x165: {  	v9 =	vld.idx.msk [tilespmem:v15+s4+$0x0], $0xffff;
	v15 =	vadd.s32 $0x2F, v2  }
0x166: {  	v19 =	vadd.s32 $0xA, v4;
	v18 =	vld.idx.msk [tilespmem:v5+s4+$0x0], $0xffff;
	[tilespmem:s30+$0x1980] =	vst v8  }
0x167: {  	v8 =	vld.idx.msk [tilespmem:v14+s4+$0x0], $0xffff;
	v14 =	vadd.s32 $0x26, v0;
	[tilespmem:s21+$0x3380] =	vst v12  }
0x168: {  	s20 =	simm.s32 $0x300;
	v12 =	vadd.s32 $0x1, v5;
	[tilespmem:s2+$0x1100] =	vst v13;
	v11 =	vld.idx.msk [tilespmem:v11+s4+$0x0], $0xffff  }
0x169: {  	s6 =	sand.u32 $0x3FFFFC00, s20;
	v13 =	vld.idx.msk [tilespmem:v17+s4+$0x0], $0xffff;
	v17 =	vadd.s32 $0x1D, v1;
	[tilespmem:s31+$0x2B00] =	vst v10  }
0x16a: {  	s6 =	sadd.s32 s6, s28;
	[tilespmem:s0+$0x880] =	vst v16;
	v10 =	vld.idx.msk [tilespmem:v15+s4+$0x0], $0xffff;
	v15 =	vadd.s32 $0x39, v6  }
0x16b: {  	s20 =	sadd.s32 s8, s6;
	v16 =	vld.idx.msk [tilespmem:v19+s4+$0x0], $0xffff;
	v19 =	vadd.s32 $0x14, v3;
	[tilespmem:s29+$0x2280] =	vst v9  }
0x16c: {  	[tilespmem:s20+$0x0] =	vst v18;
	v9 =	vld.idx.msk [tilespmem:v14+s4+$0x0], $0xffff;
	v14 =	vadd.s32 $0x30, v2  }
0x16d: {  	v18 =	vadd.s32 $0xB, v4;
	v12 =	vld.idx.msk [tilespmem:v12+s4+$0x0], $0xffff;
	[tilespmem:s30+$0x1A00] =	vst v8  }
0x16e: {  	v8 =	vld.idx.msk [tilespmem:v17+s4+$0x0], $0xffff;
	v17 =	vadd.s32 $0x27, v0;
	[tilespmem:s21+$0x3800] =	vst v11  }
0x16f: {  	v11 =	vadd.s32 $0x2, v5;
	[tilespmem:s2+$0x1180] =	vst v13;
	v13 =	vld.idx.msk [tilespmem:v15+s4+$0x0], $0xffff  }
0x170: {  	v15 =	vld.idx.msk [tilespmem:v19+s4+$0x0], $0xffff;
	v19 =	vadd.s32 $0x1E, v1;
	[tilespmem:s31+$0x2B80] =	vst v10  }
0x171: {  	[tilespmem:s0+$0x900] =	vst v16;
	v10 =	vld.idx.msk [tilespmem:v14+s4+$0x0], $0xffff;
	v14 =	vadd.s32 $0x3A, v6  }
0x172: {  	v16 =	vld.idx.msk [tilespmem:v18+s4+$0x0], $0xffff;
	v18 =	vadd.s32 $0x15, v3;
	[tilespmem:s29+$0x2300] =	vst v9  }
0x173: {  	[tilespmem:s20+$0x80] =	vst v12;
	v12 =	vadd.s32 $0x31, v2;
	v9 =	vld.idx.msk [tilespmem:v17+s4+$0x0], $0xffff  }
0x174: {  	v11 =	vld.idx.msk [tilespmem:v11+s4+$0x0], $0xffff;
	v17 =	vadd.s32 $0xC, v4;
	[tilespmem:s30+$0x1A80] =	vst v8  }
0x175: {  	v8 =	vld.idx.msk [tilespmem:v19+s4+$0x0], $0xffff;
	v19 =	vadd.s32 $0x28, v0;
	[tilespmem:s21+$0x3880] =	vst v13  }
0x176: {  	v13 =	vadd.s32 $0x3, v5;
	[tilespmem:s2+$0x1200] =	vst v15;
	v14 =	vld.idx.msk [tilespmem:v14+s4+$0x0], $0xffff  }
0x177: {  	v15 =	vld.idx.msk [tilespmem:v18+s4+$0x0], $0xffff;
	v18 =	vadd.s32 $0x1F, v1;
	[tilespmem:s31+$0x3000] =	vst v10  }
0x178: {  	[tilespmem:s0+$0x980] =	vst v16;
	v10 =	vld.idx.msk [tilespmem:v12+s4+$0x0], $0xffff;
	v12 =	vadd.s32 $0x3B, v6  }
0x179: {  	v16 =	vld.idx.msk [tilespmem:v17+s4+$0x0], $0xffff;
	v17 =	vadd.s32 $0x16, v3;
	[tilespmem:s29+$0x2380] =	vst v9  }
0x17a: {  	[tilespmem:s20+$0x100] =	vst v11;
	v11 =	vadd.s32 $0x32, v2;
	v9 =	vld.idx.msk [tilespmem:v19+s4+$0x0], $0xffff  }
0x17b: {  	v13 =	vld.idx.msk [tilespmem:v13+s4+$0x0], $0xffff;
	v19 =	vadd.s32 $0xD, v4;
	[tilespmem:s30+$0x1B00] =	vst v8  }
0x17c: {  	v8 =	vld.idx.msk [tilespmem:v18+s4+$0x0], $0xffff;
	v18 =	vadd.s32 $0x29, v0;
	[tilespmem:s21+$0x3900] =	vst v14  }
0x17d: {  	v14 =	vadd.s32 $0x4, v5;
	[tilespmem:s2+$0x1280] =	vst v15;
	v12 =	vld.idx.msk [tilespmem:v12+s4+$0x0], $0xffff  }
0x17e: {  	v15 =	vld.idx.msk [tilespmem:v17+s4+$0x0], $0xffff;
	v17 =	vadd.s32 $0x20, v1;
	[tilespmem:s31+$0x3080] =	vst v10  }
0x17f: {  	[tilespmem:s0+$0xA00] =	vst v16;
	v10 =	vld.idx.msk [tilespmem:v11+s4+$0x0], $0xffff;
	v11 =	vadd.s32 $0x3C, v6  }
0x180: {  	v16 =	vld.idx.msk [tilespmem:v19+s4+$0x0], $0xffff;
	v19 =	vadd.s32 $0x17, v3;
	[tilespmem:s29+$0x2800] =	vst v9  }
0x181: {  	[tilespmem:s20+$0x180] =	vst v13;
	v13 =	vadd.s32 $0x33, v2;
	v9 =	vld.idx.msk [tilespmem:v18+s4+$0x0], $0xffff  }
0x182: {  	v14 =	vld.idx.msk [tilespmem:v14+s4+$0x0], $0xffff;
	v18 =	vadd.s32 $0xE, v4;
	[tilespmem:s30+$0x1B80] =	vst v8  }
0x183: {  	v8 =	vld.idx.msk [tilespmem:v17+s4+$0x0], $0xffff;
	v17 =	vadd.s32 $0x2A, v0;
	[tilespmem:s21+$0x3980] =	vst v12  }
0x184: {  	v12 =	vadd.s32 $0x5, v5;
	[tilespmem:s2+$0x1300] =	vst v15;
	v11 =	vld.idx.msk [tilespmem:v11+s4+$0x0], $0xffff  }
0x185: {  	[tilespmem:s31+$0x3100] =	vst v10;
	v15 =	vld.idx.msk [tilespmem:v19+s4+$0x0], $0xffff;
	v19 =	vadd.s32 $0x21, v1  }
0x186: {  	[tilespmem:s0+$0xA80] =	vst v16;
	v10 =	vld.idx.msk [tilespmem:v13+s4+$0x0], $0xffff;
	v13 =	vadd.s32 $0x3D, v6  }
0x187: {  	v16 =	vld.idx.msk [tilespmem:v18+s4+$0x0], $0xffff;
	v18 =	vadd.s32 $0x18, v3;
	[tilespmem:s29+$0x2880] =	vst v9  }
0x188: {  	[tilespmem:s20+$0x200] =	vst v14;
	v14 =	vadd.s32 $0x34, v2;
	v9 =	vld.idx.msk [tilespmem:v17+s4+$0x0], $0xffff  }
0x189: {  	v12 =	vld.idx.msk [tilespmem:v12+s4+$0x0], $0xffff;
	v17 =	vadd.s32 $0xF, v4;
	[tilespmem:s30+$0x2000] =	vst v8  }
0x18a: {  	[tilespmem:s21+$0x3A00] =	vst v11;
	v11 =	vadd.s32 $0x6, v5;
	v8 =	vld.idx.msk [tilespmem:v19+s4+$0x0], $0xffff  }
0x18b: {  	v19 =	vadd.s32 $0x2B, v0;
	[tilespmem:s2+$0x1380] =	vst v15;
	v13 =	vld.idx.msk [tilespmem:v13+s4+$0x0], $0xffff  }
0x18c: {  	[tilespmem:s31+$0x3180] =	vst v10;
	v15 =	vld.idx.msk [tilespmem:v18+s4+$0x0], $0xffff;
	v18 =	vadd.s32 $0x22, v1  }
0x18d: {  	[tilespmem:s0+$0xB00] =	vst v16;
	v10 =	vld.idx.msk [tilespmem:v14+s4+$0x0], $0xffff;
	v14 =	vadd.s32 $0x3E, v6  }
0x18e: {  	v16 =	vld.idx.msk [tilespmem:v17+s4+$0x0], $0xffff;
	v17 =	vadd.s32 $0x19, v3;
	[tilespmem:s20+$0x280] =	vst v12  }
0x18f: {  	[tilespmem:s29+$0x2900] =	vst v9;
	v9 =	vadd.s32 $0x35, v2;
	v11 =	vld.idx.msk [tilespmem:v11+s4+$0x0], $0xffff  }
0x190: {  	v21 =	vadd.s32 $0x7, v5;
	v12 =	vld.idx.msk [tilespmem:v19+s4+$0x0], $0xffff;
	[tilespmem:s30+$0x2080] =	vst v8  }
0x191: {  	v19 =	vadd.s32 $0x10, v4;
	[tilespmem:s21+$0x3A80] =	vst v13;
	v18 =	vld.idx.msk [tilespmem:v18+s4+$0x0], $0xffff  }
0x192: {  	v20 =	vadd.s32 $0x2C, v0;
	[tilespmem:s2+$0x1800] =	vst v15;
	v22 =	vld.idx.msk [tilespmem:v14+s4+$0x0], $0xffff  }
0x193: {  	v14 =	vadd.s32 $0x23, v1;
	[tilespmem:s31+$0x3200] =	vst v10;
	v8 =	vld.idx.msk [tilespmem:v17+s4+$0x0], $0xffff  }
0x194: {  	v13 =	vadd.s32 $0x3F, v6;
	v9 =	vld.idx.msk [tilespmem:v9+s4+$0x0], $0xffff;
	[tilespmem:s20+$0x300] =	vst v11  }
0x195: {  	v15 =	vadd.s32 $0x1A, v3;
	[tilespmem:s0+$0xB80] =	vst v16;
	v6 =	vld.idx.msk [tilespmem:v21+s4+$0x0], $0xffff  }
0x196: {  	v17 =	vadd.s32 $0x36, v2;
	v10 =	vld.idx.msk [tilespmem:v19+s4+$0x0], $0xffff;
	[tilespmem:s29+$0x2980] =	vst v12  }
0x197: {  	v16 =	vadd.s32 $0x11, v4;
	v11 =	vld.idx.msk [tilespmem:v20+s4+$0x0], $0xffff;
	[tilespmem:s30+$0x2100] =	vst v18  }
0x198: {  	s18 =	sadd.s32 s7, s24;
	s16 =	simm.s32 $0x8;
	s8 =	simm.s32 $0x7;
	[tilespmem:s21+$0x3B00] =	vst v22;
	v12 =	vld.idx.msk [tilespmem:v14+s4+$0x0], $0xffff;
	v14 =	vadd.s32 $0x2D, v0  }
.LBB2_3:
0x199: {  	p0 =	sne.s32 s16, $0xF;
	v18 =	vadd.s32 $0x8, v5;
	[tilespmem:s2+$0x1880] =	vst v8;
	v8 =	vld.idx.msk [tilespmem:v13+s4+$0x0], $0xffff  }
0x19a: {  	v13 =	vld.idx.msk [tilespmem:v15+s4+$0x0], $0xffff;
	v15 =	vadd.s32 $0x24, v1;
	[tilespmem:s31+$0x3280] =	vst v9  }
0x19b: {  	[tilespmem:s0+$0x1000] =	vst v10;
	v9 =	vld.idx.msk [tilespmem:v17+s4+$0x0], $0xffff  }
0x19c: {  	s6 =	sshll.u32 s16, $0x4;
	v10 =	vld.idx.msk [tilespmem:v16+s4+$0x0], $0xffff;
	v16 =	vadd.s32 $0x1B, v3;
	[tilespmem:s29+$0x2A00] =	vst v11  }
0x19d: {  	s5 =	sadd.s32 $0x10, s5;
	s17 =	sand.u32 $0x3FFFFF80, s6;
	[tilespmem:s20+$0x380] =	vst v6;
	v11 =	vld.idx.msk [tilespmem:v14+s4+$0x0], $0xffff;
	v14 =	vadd.s32 $0x37, v2  }
0x19e: {  	s6 =	sand.u32 $0x70, s5;
	s17 =	sadd.s32 s17, s26;
	v17 =	vld.idx.msk [tilespmem:v18+s4+$0x0], $0xffff;
	v18 =	vadd.s32 $0x12, v4;
	[tilespmem:s30+$0x2180] =	vst v12  }
0x19f: {  	s17 =	sadd.s32 s6, s17;
	v12 =	vld.idx.msk [tilespmem:v15+s4+$0x0], $0xffff;
	v15 =	vadd.s32 $0x2E, v0;
	[tilespmem:s21+$0x3B80] =	vst v8;
	s21 =	smov.u32 s31;
	s31 =	smov.u32 s29  }
0x1a0: {  	v19 =	vadd.s32 $0x9, v5;
	s29 =	smov.u32 s30;
	s30 =	smov.u32 s2;
	v8 =	vld [tilespmem:s17+$0x0];
	[tilespmem:s2+$0x1900] =	vst v13;
	s2 =	smov.u32 s0  }
0x1a1: {  	v6 =	vmul.u32 $0x41, v7;
	s0 =	smov.u32 s20;
	v13 =	vld.idx.msk [tilespmem:v16+s4+$0x0], $0xffff;
	v16 =	vadd.s32 $0x25, v1;
	[tilespmem:s21+$0x3300] =	vst v9  }
0x1a2: {  	[tilespmem:s2+$0x1080] =	vst v10;
	v9 =	vld.idx.msk [tilespmem:v14+s4+$0x0], $0xffff  }
0x1a3: {  	v14 =	vadd.s32 $0x1C, v3;
	v10 =	vld.idx.msk [tilespmem:v18+s4+$0x0], $0xffff;
	[tilespmem:s31+$0x2A80] =	vst v11  }
0x1a4: {  	[tilespmem:s0+$0x800] =	vst v17;
	v11 =	vld.idx.msk [tilespmem:v15+s4+$0x0], $0xffff;
	v15 =	vadd.s32 $0x38, v2  }
0x1a5: {  	v18 =	vadd.s32 $0x13, v4;
	v17 =	vld.idx.msk [tilespmem:v19+s4+$0x0], $0xffff;
	[tilespmem:s29+$0x2200] =	vst v12;
	v7 =	vmov v8  }
0x1a6: {  	v12 =	vadd.s32 $0x2F, v0;
	v8 =	vld.idx.msk [tilespmem:v16+s4+$0x0], $0xffff  }
0x1a7: {  	v19 =	vadd.s32 $0xA, v5;
	v16 =	vld.idx.msk [tilespmem:v6+s4+$0x0], $0xffff;
	[tilespmem:s30+$0x1980] =	vst v13  }
0x1a8: {  	v13 =	vld.idx.msk [tilespmem:v14+s4+$0x0], $0xffff;
	v14 =	vadd.s32 $0x26, v1;
	[tilespmem:s21+$0x3380] =	vst v9  }
0x1a9: {  	s17 =	sshll.u32 s8, $0x7;
	s8 =	smov.u32 s16;
	v9 =	vadd.s32 $0x1, v6;
	[tilespmem:s2+$0x1100] =	vst v10;
	v10 =	vld.idx.msk [tilespmem:v15+s4+$0x0], $0xffff  }
0x1aa: {  	s17 =	sand.u32 $0x3FFFFC00, s17;
	v15 =	vld.idx.msk [tilespmem:v18+s4+$0x0], $0xffff;
	v18 =	vadd.s32 $0x1D, v3;
	[tilespmem:s31+$0x2B00] =	vst v11  }
0x1ab: {  	s17 =	sadd.s32 s17, s28;
	[tilespmem:s0+$0x880] =	vst v17;
	v11 =	vld.idx.msk [tilespmem:v12+s4+$0x0], $0xffff;
	v12 =	vadd.s32 $0x39, v2  }
0x1ac: {  	s20 =	sadd.s32 s19, s17;
	s19 =	smov.u32 s6;
	v17 =	vld.idx.msk [tilespmem:v19+s4+$0x0], $0xffff;
	v19 =	vadd.s32 $0x14, v4;
	[tilespmem:s29+$0x2280] =	vst v8  }
0x1ad: {  	[tilespmem:s20+$0x0] =	vst v16;
	v8 =	vld.idx.msk [tilespmem:v14+s4+$0x0], $0xffff;
	v14 =	vadd.s32 $0x30, v0  }
0x1ae: {  	v16 =	vadd.s32 $0xB, v5;
	v9 =	vld.idx.msk [tilespmem:v9+s4+$0x0], $0xffff;
	[tilespmem:s30+$0x1A00] =	vst v13  }
0x1af: {  	v13 =	vld.idx.msk [tilespmem:v18+s4+$0x0], $0xffff;
	v18 =	vadd.s32 $0x27, v1;
	[tilespmem:s21+$0x3800] =	vst v10  }
0x1b0: {  	v10 =	vadd.s32 $0x2, v6;
	[tilespmem:s2+$0x1180] =	vst v15;
	v12 =	vld.idx.msk [tilespmem:v12+s4+$0x0], $0xffff  }
0x1b1: {  	v15 =	vld.idx.msk [tilespmem:v19+s4+$0x0], $0xffff;
	v19 =	vadd.s32 $0x1E, v3;
	[tilespmem:s31+$0x2B80] =	vst v11  }
0x1b2: {  	[tilespmem:s0+$0x900] =	vst v17;
	v11 =	vld.idx.msk [tilespmem:v14+s4+$0x0], $0xffff;
	v14 =	vadd.s32 $0x3A, v2  }
0x1b3: {  	v17 =	vadd.s32 $0x15, v4;
	v16 =	vld.idx.msk [tilespmem:v16+s4+$0x0], $0xffff;
	[tilespmem:s29+$0x2300] =	vst v8  }
0x1b4: {  	[tilespmem:s20+$0x80] =	vst v9;
	v8 =	vld.idx.msk [tilespmem:v18+s4+$0x0], $0xffff;
	v9 =	vadd.s32 $0x31, v0  }
0x1b5: {  	v18 =	vadd.s32 $0xC, v5;
	v10 =	vld.idx.msk [tilespmem:v10+s4+$0x0], $0xffff;
	[tilespmem:s30+$0x1A80] =	vst v13  }
0x1b6: {  	v13 =	vld.idx.msk [tilespmem:v19+s4+$0x0], $0xffff;
	v19 =	vadd.s32 $0x28, v1;
	[tilespmem:s21+$0x3880] =	vst v12  }
0x1b7: {  	v12 =	vadd.s32 $0x3, v6;
	[tilespmem:s2+$0x1200] =	vst v15;
	v14 =	vld.idx.msk [tilespmem:v14+s4+$0x0], $0xffff  }
0x1b8: {  	v15 =	vld.idx.msk [tilespmem:v17+s4+$0x0], $0xffff;
	v17 =	vadd.s32 $0x1F, v3;
	[tilespmem:s31+$0x3000] =	vst v11  }
0x1b9: {  	v11 =	vadd.s32 $0x3B, v2;
	[tilespmem:s0+$0x980] =	vst v16;
	v9 =	vld.idx.msk [tilespmem:v9+s4+$0x0], $0xffff  }
0x1ba: {  	v16 =	vld.idx.msk [tilespmem:v18+s4+$0x0], $0xffff;
	v18 =	vadd.s32 $0x16, v4;
	[tilespmem:s29+$0x2380] =	vst v8  }
0x1bb: {  	[tilespmem:s20+$0x100] =	vst v10;
	v8 =	vld.idx.msk [tilespmem:v19+s4+$0x0], $0xffff;
	v10 =	vadd.s32 $0x32, v0  }
0x1bc: {  	v19 =	vadd.s32 $0xD, v5;
	v12 =	vld.idx.msk [tilespmem:v12+s4+$0x0], $0xffff;
	[tilespmem:s30+$0x1B00] =	vst v13  }
0x1bd: {  	v13 =	vld.idx.msk [tilespmem:v17+s4+$0x0], $0xffff;
	v17 =	vadd.s32 $0x29, v1;
	[tilespmem:s21+$0x3900] =	vst v14  }
0x1be: {  	v14 =	vadd.s32 $0x4, v6;
	[tilespmem:s2+$0x1280] =	vst v15;
	v11 =	vld.idx.msk [tilespmem:v11+s4+$0x0], $0xffff  }
0x1bf: {  	v15 =	vld.idx.msk [tilespmem:v18+s4+$0x0], $0xffff;
	v18 =	vadd.s32 $0x20, v3;
	[tilespmem:s31+$0x3080] =	vst v9  }
0x1c0: {  	[tilespmem:s0+$0xA00] =	vst v16;
	v9 =	vld.idx.msk [tilespmem:v10+s4+$0x0], $0xffff;
	v10 =	vadd.s32 $0x3C, v2  }
0x1c1: {  	v16 =	vld.idx.msk [tilespmem:v19+s4+$0x0], $0xffff;
	v19 =	vadd.s32 $0x17, v4;
	[tilespmem:s29+$0x2800] =	vst v8  }
0x1c2: {  	[tilespmem:s20+$0x180] =	vst v12;
	v8 =	vld.idx.msk [tilespmem:v17+s4+$0x0], $0xffff;
	v12 =	vadd.s32 $0x33, v0  }
0x1c3: {  	v17 =	vadd.s32 $0xE, v5;
	v14 =	vld.idx.msk [tilespmem:v14+s4+$0x0], $0xffff;
	[tilespmem:s30+$0x1B80] =	vst v13  }
0x1c4: {  	v13 =	vld.idx.msk [tilespmem:v18+s4+$0x0], $0xffff;
	v18 =	vadd.s32 $0x2A, v1;
	[tilespmem:s21+$0x3980] =	vst v11  }
0x1c5: {  	v11 =	vadd.s32 $0x5, v6;
	[tilespmem:s2+$0x1300] =	vst v15;
	v10 =	vld.idx.msk [tilespmem:v10+s4+$0x0], $0xffff  }
0x1c6: {  	v15 =	vld.idx.msk [tilespmem:v19+s4+$0x0], $0xffff;
	v19 =	vadd.s32 $0x21, v3;
	[tilespmem:s31+$0x3100] =	vst v9  }
0x1c7: {  	[tilespmem:s0+$0xA80] =	vst v16;
	v9 =	vld.idx.msk [tilespmem:v12+s4+$0x0], $0xffff;
	v12 =	vadd.s32 $0x3D, v2  }
0x1c8: {  	v16 =	vld.idx.msk [tilespmem:v17+s4+$0x0], $0xffff;
	v17 =	vadd.s32 $0x18, v4;
	[tilespmem:s29+$0x2880] =	vst v8  }
0x1c9: {  	[tilespmem:s20+$0x200] =	vst v14;
	v8 =	vld.idx.msk [tilespmem:v18+s4+$0x0], $0xffff;
	v14 =	vadd.s32 $0x34, v0  }
0x1ca: {  	v18 =	vadd.s32 $0xF, v5;
	v11 =	vld.idx.msk [tilespmem:v11+s4+$0x0], $0xffff;
	[tilespmem:s30+$0x2000] =	vst v13  }
0x1cb: {  	v13 =	vld.idx.msk [tilespmem:v19+s4+$0x0], $0xffff;
	v19 =	vadd.s32 $0x2B, v1;
	[tilespmem:s21+$0x3A00] =	vst v10  }
0x1cc: {  	v10 =	vadd.s32 $0x6, v6;
	[tilespmem:s2+$0x1380] =	vst v15;
	v12 =	vld.idx.msk [tilespmem:v12+s4+$0x0], $0xffff  }
0x1cd: {  	v15 =	vld.idx.msk [tilespmem:v17+s4+$0x0], $0xffff;
	v17 =	vadd.s32 $0x22, v3;
	[tilespmem:s31+$0x3180] =	vst v9  }
0x1ce: {  	[tilespmem:s0+$0xB00] =	vst v16;
	v9 =	vld.idx.msk [tilespmem:v14+s4+$0x0], $0xffff;
	v14 =	vadd.s32 $0x3E, v2  }
0x1cf: {  	v16 =	vld.idx.msk [tilespmem:v18+s4+$0x0], $0xffff;
	v18 =	vadd.s32 $0x19, v4;
	[tilespmem:s29+$0x2900] =	vst v8  }
0x1d0: {  	[tilespmem:s20+$0x280] =	vst v11;
	v11 =	vld.idx.msk [tilespmem:v19+s4+$0x0], $0xffff;
	v19 =	vadd.s32 $0x35, v0  }
0x1d1: {  	v20 =	vld.idx.msk [tilespmem:v10+s4+$0x0], $0xffff;
	v10 =	vadd.s32 $0x10, v5;
	[tilespmem:s30+$0x2080] =	vst v13  }
0x1d2: {  	v21 =	vld.idx.msk [tilespmem:v17+s4+$0x0], $0xffff;
	v17 =	vadd.s32 $0x2C, v1;
	[tilespmem:s21+$0x3A80] =	vst v12  }
0x1d3: {  	v12 =	vadd.s32 $0x7, v6;
	[tilespmem:s2+$0x1800] =	vst v15;
	v22 =	vld.idx.msk [tilespmem:v14+s4+$0x0], $0xffff  }
0x1d4: {  	v14 =	vadd.s32 $0x23, v3;
	v8 =	vld.idx.msk [tilespmem:v18+s4+$0x0], $0xffff;
	[tilespmem:s31+$0x3200] =	vst v9  }
.Ltmp0:
0x1d5: {  	v13 =	vadd.s32 $0x3F, v2;
	v2 =	vmovc v0;
	v0 =	vmovc v1;
	v1 =	vmov v3;
	v3 =	vmov v4;
	[tilespmem:s0+$0xB80] =	vst v16;
	v9 =	vld.idx.msk [tilespmem:v19+s4+$0x0], $0xffff;
	(pc) =	sbr.rel @p0 .LBB2_3-.Ltmp0, $4  }
0x1d6: {  	v4 =	vmov v5;
	v5 =	vmov v6;
	v15 =	vadd.s32 $0x1A, v3;
	v10 =	vld.idx.msk [tilespmem:v10+s4+$0x0], $0xffff;
	[tilespmem:s29+$0x2980] =	vst v11  }
0x1d7: {  	[tilespmem:s20+$0x300] =	vst v20;
	v11 =	vld.idx.msk [tilespmem:v17+s4+$0x0], $0xffff;
	v17 =	vadd.s32 $0x36, v2  }
0x1d8: {  	v16 =	vadd.s32 $0x11, v4;
	v6 =	vld.idx.msk [tilespmem:v12+s4+$0x0], $0xffff;
	[tilespmem:s30+$0x2100] =	vst v21  }
0x1d9: {  	s16 =	sadd.s32 $0x1, s16;
	v12 =	vld.idx.msk [tilespmem:v14+s4+$0x0], $0xffff;
	v14 =	vadd.s32 $0x2D, v0;
	[tilespmem:s21+$0x3B00] =	vst v22  }
0x1da: {  	_ =	sdelay $0x3  }
0x1db: {  	v18 =	vadd.s32 $0x8, v5;
	[tilespmem:s2+$0x1880] =	vst v8;
	v13 =	vld.idx.msk [tilespmem:v13+s4+$0x0], $0xffff  }
0x1dc: {  	v46 =	vadd.s32 $0x24, v1;
	[tilespmem:s31+$0x3280] =	vst v9;
	v8 =	vld.idx.msk [tilespmem:v15+s4+$0x0], $0xffff  }
0x1dd: {  	v47 =	vadd.s32 $0x1B, v3;
	[tilespmem:s0+$0x1000] =	vst v10;
	v9 =	vld.idx.msk [tilespmem:v17+s4+$0x0], $0xffff  }
0x1de: {  	v48 =	vadd.s32 $0x37, v2;
	v16 =	vld.idx.msk [tilespmem:v16+s4+$0x0], $0xffff;
	[tilespmem:s29+$0x2A00] =	vst v11  }
0x1df: {  	v49 =	vadd.s32 $0x12, v4;
	[tilespmem:s20+$0x380] =	vst v6;
	v14 =	vld.idx.msk [tilespmem:v14+s4+$0x0], $0xffff;
	v6 =	vmul.u32 $0x41, v7  }
0x1e0: {  	[tilespmem:s30+$0x2180] =	vst v12;
	v18 =	vld.idx.msk [tilespmem:v18+s4+$0x0], $0xffff  }
0x1e1: {  	v50 =	vadd.s32 $0x2E, v0;
	v51 =	vld.idx.msk [tilespmem:v46+s4+$0x0], $0xffff;
	[tilespmem:s2+$0x1900] =	vst v8  }
0x1e2: {  	v52 =	vadd.s32 $0x9, v5;
	[tilespmem:s31+$0x3300] =	vst v9;
	v10 =	vld.idx.msk [tilespmem:v47+s4+$0x0], $0xffff  }
0x1e3: {  	v53 =	vadd.s32 $0x25, v1;
	[tilespmem:s0+$0x1080] =	vst v16;
	v11 =	vld.idx.msk [tilespmem:v48+s4+$0x0], $0xffff  }
0x1e4: {  	v55 =	vadd.s32 $0x1C, v3;
	[tilespmem:s21+$0x3B80] =	vst v13;
	v54 =	vld.idx.msk [tilespmem:v49+s4+$0x0], $0xffff  }
0x1e5: {  	v56 =	vadd.s32 $0x38, v2;
	[tilespmem:s29+$0x2A80] =	vst v14;
	v58 =	vld.idx.msk [tilespmem:v6+s4+$0x0], $0xffff  }
0x1e6: {  	s5 =	sshll.u32 s8, $0x7;
	v59 =	vadd.s32 $0x1, v6;
	v12 =	vld.idx.msk [tilespmem:v50+s4+$0x0], $0xffff;
	[tilespmem:s20+$0x800] =	vst v18  }
0x1e7: {  	v57 =	vadd.s32 $0x13, v4;
	s5 =	sand.u32 $0x3FFFFC00, s5;
	[tilespmem:s30+$0x2200] =	vst v51;
	v19 =	vld.idx.msk [tilespmem:v52+s4+$0x0], $0xffff  }
0x1e8: {  	v60 =	vadd.s32 $0x2F, v0;
	s5 =	sadd.s32 s5, s28;
	v9 =	vld.idx.msk [tilespmem:v53+s4+$0x0], $0xffff;
	[tilespmem:s2+$0x1980] =	vst v10  }
0x1e9: {  	v61 =	vadd.s32 $0xA, v5;
	s19 =	sadd.s32 s19, s5;
	[tilespmem:s31+$0x3380] =	vst v11;
	v16 =	vld.idx.msk [tilespmem:v55+s4+$0x0], $0xffff  }
0x1ea: {  	v62 =	vadd.s32 $0x26, v1;
	v8 =	vld.idx.msk [tilespmem:v56+s4+$0x0], $0xffff;
	[tilespmem:s19+$0x0] =	vst v58  }
0x1eb: {  	[tilespmem:s0+$0x1100] =	vst v54;
	v17 =	vld.idx.msk [tilespmem:v59+s4+$0x0], $0xffff  }
0x1ec: {  	v18 =	vadd.s32 $0x2, v6;
	v63 =	vld.idx.msk [tilespmem:v57+s4+$0x0], $0xffff;
	[tilespmem:s29+$0x2B00] =	vst v12  }
0x1ed: {  	v7 =	vld.idx.msk [tilespmem:v60+s4+$0x0], $0xffff;
	[tilespmem:s20+$0x880] =	vst v19  }
0x1ee: {  	[tilespmem:s30+$0x2280] =	vst v9;
	v11 =	vld.idx.msk [tilespmem:v61+s4+$0x0], $0xffff  }
0x1ef: {  	v9 =	vld.idx.msk [tilespmem:v62+s4+$0x0], $0xffff;
	[tilespmem:s2+$0x1A00] =	vst v16  }
0x1f0: {  	[tilespmem:s19+$0x80] =	vst v17  }
0x1f1: {  	v10 =	vld.idx.msk [tilespmem:v18+s4+$0x0], $0xffff  }
0x1f2: {  	v19 =	vadd.s32 $0x3, v6;
	_ =	sdelay $0x3  }
0x1f3: {  	[tilespmem:s19+$0x100] =	vst v10  }
0x1f4: {  	v10 =	vld.idx.msk [tilespmem:v19+s4+$0x0], $0xffff  }
0x1f5: {  	v20 =	vadd.s32 $0x4, v6;
	_ =	sdelay $0x3  }
0x1f6: {  	[tilespmem:s19+$0x180] =	vst v10  }
0x1f7: {  	v10 =	vld.idx.msk [tilespmem:v20+s4+$0x0], $0xffff  }
0x1f8: {  	v21 =	vadd.s32 $0x5, v6;
	_ =	sdelay $0x3  }
0x1f9: {  	[tilespmem:s19+$0x200] =	vst v10  }
0x1fa: {  	v10 =	vld.idx.msk [tilespmem:v21+s4+$0x0], $0xffff  }
0x1fb: {  	v22 =	vadd.s32 $0x6, v6;
	_ =	sdelay $0x3  }
0x1fc: {  	[tilespmem:s19+$0x280] =	vst v10  }
0x1fd: {  	v10 =	vld.idx.msk [tilespmem:v22+s4+$0x0], $0xffff  }
0x1fe: {  	v23 =	vadd.s32 $0x7, v6;
	_ =	sdelay $0x3  }
0x1ff: {  	[tilespmem:s19+$0x300] =	vst v10  }
0x200: {  	v10 =	vld.idx.msk [tilespmem:v23+s4+$0x0], $0xffff  }
0x201: {  	v24 =	vadd.s32 $0x8, v6;
	_ =	sdelay $0x3  }
0x202: {  	[tilespmem:s19+$0x380] =	vst v10  }
0x203: {  	v10 =	vld.idx.msk [tilespmem:v24+s4+$0x0], $0xffff  }
0x204: {  	v25 =	vadd.s32 $0x9, v6;
	_ =	sdelay $0x3  }
0x205: {  	[tilespmem:s19+$0x800] =	vst v10  }
0x206: {  	v10 =	vld.idx.msk [tilespmem:v25+s4+$0x0], $0xffff  }
0x207: {  	v26 =	vadd.s32 $0xA, v6;
	_ =	sdelay $0x3  }
0x208: {  	[tilespmem:s19+$0x880] =	vst v10  }
0x209: {  	v27 =	vadd.s32 $0xB, v5;
	v12 =	vld.idx.msk [tilespmem:v26+s4+$0x0], $0xffff  }
0x20a: {  	v28 =	vadd.s32 $0xB, v6;
	_ =	sdelay $0x2  }
0x20b: {  	[tilespmem:s20+$0x900] =	vst v11  }
0x20c: {  	v10 =	vld.idx.msk [tilespmem:v27+s4+$0x0], $0xffff;
	[tilespmem:s19+$0x900] =	vst v12  }
0x20d: {  	v29 =	vadd.s32 $0xC, v5;
	v12 =	vld.idx.msk [tilespmem:v28+s4+$0x0], $0xffff  }
0x20e: {  	v30 =	vadd.s32 $0xC, v6;
	_ =	sdelay $0x2  }
0x20f: {  	[tilespmem:s20+$0x980] =	vst v10  }
0x210: {  	v10 =	vld.idx.msk [tilespmem:v29+s4+$0x0], $0xffff;
	[tilespmem:s19+$0x980] =	vst v12  }
0x211: {  	v31 =	vadd.s32 $0xD, v5;
	v12 =	vld.idx.msk [tilespmem:v30+s4+$0x0], $0xffff  }
0x212: {  	v32 =	vadd.s32 $0xD, v6;
	_ =	sdelay $0x2  }
0x213: {  	[tilespmem:s20+$0xA00] =	vst v10  }
0x214: {  	v10 =	vld.idx.msk [tilespmem:v31+s4+$0x0], $0xffff;
	[tilespmem:s19+$0xA00] =	vst v12  }
0x215: {  	v33 =	vadd.s32 $0xE, v5;
	v12 =	vld.idx.msk [tilespmem:v32+s4+$0x0], $0xffff  }
0x216: {  	v34 =	vadd.s32 $0xE, v6;
	_ =	sdelay $0x2  }
0x217: {  	[tilespmem:s20+$0xA80] =	vst v10  }
0x218: {  	v10 =	vld.idx.msk [tilespmem:v33+s4+$0x0], $0xffff;
	[tilespmem:s19+$0xA80] =	vst v12  }
0x219: {  	v35 =	vadd.s32 $0xF, v5;
	v12 =	vld.idx.msk [tilespmem:v34+s4+$0x0], $0xffff  }
0x21a: {  	v36 =	vadd.s32 $0xF, v6;
	_ =	sdelay $0x2  }
0x21b: {  	[tilespmem:s20+$0xB00] =	vst v10  }
0x21c: {  	v10 =	vld.idx.msk [tilespmem:v35+s4+$0x0], $0xffff;
	[tilespmem:s19+$0xB00] =	vst v12  }
0x21d: {  	v37 =	vadd.s32 $0x10, v5;
	v12 =	vld.idx.msk [tilespmem:v36+s4+$0x0], $0xffff  }
0x21e: {  	v38 =	vadd.s32 $0x10, v6;
	_ =	sdelay $0x2  }
0x21f: {  	[tilespmem:s20+$0xB80] =	vst v10  }
0x220: {  	v10 =	vld.idx.msk [tilespmem:v37+s4+$0x0], $0xffff;
	[tilespmem:s19+$0xB80] =	vst v12  }
0x221: {  	v39 =	vadd.s32 $0x11, v5;
	v12 =	vld.idx.msk [tilespmem:v38+s4+$0x0], $0xffff  }
0x222: {  	v40 =	vadd.s32 $0x11, v6;
	_ =	sdelay $0x2  }
0x223: {  	[tilespmem:s20+$0x1000] =	vst v10  }
0x224: {  	v10 =	vld.idx.msk [tilespmem:v39+s4+$0x0], $0xffff;
	[tilespmem:s19+$0x1000] =	vst v12  }
0x225: {  	v41 =	vadd.s32 $0x12, v5;
	v12 =	vld.idx.msk [tilespmem:v40+s4+$0x0], $0xffff  }
0x226: {  	v42 =	vadd.s32 $0x12, v6;
	_ =	sdelay $0x2  }
0x227: {  	[tilespmem:s20+$0x1080] =	vst v10  }
0x228: {  	v10 =	vld.idx.msk [tilespmem:v41+s4+$0x0], $0xffff;
	[tilespmem:s19+$0x1080] =	vst v12  }
0x229: {  	v43 =	vadd.s32 $0x13, v5;
	v12 =	vld.idx.msk [tilespmem:v42+s4+$0x0], $0xffff  }
0x22a: {  	v44 =	vadd.s32 $0x13, v6;
	_ =	sdelay $0x2  }
0x22b: {  	[tilespmem:s20+$0x1100] =	vst v10  }
0x22c: {  	v45 =	vadd.s32 $0x14, v4;
	v11 =	vld.idx.msk [tilespmem:v43+s4+$0x0], $0xffff;
	[tilespmem:s19+$0x1100] =	vst v12  }
0x22d: {  	v46 =	vadd.s32 $0x14, v5;
	v13 =	vld.idx.msk [tilespmem:v44+s4+$0x0], $0xffff  }
0x22e: {  	v47 =	vadd.s32 $0x14, v6;
	_ =	sdelay $0x1  }
0x22f: {  	[tilespmem:s0+$0x1180] =	vst v63  }
0x230: {  	v10 =	vld.idx.msk [tilespmem:v45+s4+$0x0], $0xffff;
	[tilespmem:s20+$0x1180] =	vst v11  }
0x231: {  	v48 =	vadd.s32 $0x15, v4;
	v12 =	vld.idx.msk [tilespmem:v46+s4+$0x0], $0xffff;
	[tilespmem:s19+$0x1180] =	vst v13  }
0x232: {  	v49 =	vadd.s32 $0x15, v5;
	v50 =	vld.idx.msk [tilespmem:v47+s4+$0x0], $0xffff  }
0x233: {  	v51 =	vadd.s32 $0x15, v6;
	_ =	sdelay $0x1  }
0x234: {  	[tilespmem:s0+$0x1200] =	vst v10  }
0x235: {  	v10 =	vld.idx.msk [tilespmem:v48+s4+$0x0], $0xffff;
	[tilespmem:s20+$0x1200] =	vst v12  }
0x236: {  	v52 =	vadd.s32 $0x16, v4;
	v12 =	vld.idx.msk [tilespmem:v49+s4+$0x0], $0xffff;
	[tilespmem:s19+$0x1200] =	vst v50  }
0x237: {  	v53 =	vadd.s32 $0x16, v5;
	v14 =	vld.idx.msk [tilespmem:v51+s4+$0x0], $0xffff  }
0x238: {  	v54 =	vadd.s32 $0x16, v6;
	_ =	sdelay $0x1  }
0x239: {  	[tilespmem:s0+$0x1280] =	vst v10  }
0x23a: {  	v10 =	vld.idx.msk [tilespmem:v52+s4+$0x0], $0xffff;
	[tilespmem:s20+$0x1280] =	vst v12  }
0x23b: {  	v55 =	vadd.s32 $0x17, v4;
	v12 =	vld.idx.msk [tilespmem:v53+s4+$0x0], $0xffff;
	[tilespmem:s19+$0x1280] =	vst v14  }
0x23c: {  	v56 =	vadd.s32 $0x17, v5;
	v14 =	vld.idx.msk [tilespmem:v54+s4+$0x0], $0xffff  }
0x23d: {  	v57 =	vadd.s32 $0x17, v6;
	_ =	sdelay $0x1  }
0x23e: {  	[tilespmem:s0+$0x1300] =	vst v10  }
0x23f: {  	v10 =	vld.idx.msk [tilespmem:v55+s4+$0x0], $0xffff;
	[tilespmem:s20+$0x1300] =	vst v12  }
0x240: {  	v58 =	vadd.s32 $0x18, v4;
	v12 =	vld.idx.msk [tilespmem:v56+s4+$0x0], $0xffff;
	[tilespmem:s19+$0x1300] =	vst v14  }
0x241: {  	v59 =	vadd.s32 $0x18, v5;
	v14 =	vld.idx.msk [tilespmem:v57+s4+$0x0], $0xffff  }
0x242: {  	v60 =	vadd.s32 $0x18, v6;
	_ =	sdelay $0x1  }
0x243: {  	[tilespmem:s0+$0x1380] =	vst v10  }
0x244: {  	v10 =	vld.idx.msk [tilespmem:v58+s4+$0x0], $0xffff;
	[tilespmem:s20+$0x1380] =	vst v12  }
0x245: {  	v61 =	vadd.s32 $0x19, v4;
	v12 =	vld.idx.msk [tilespmem:v59+s4+$0x0], $0xffff;
	[tilespmem:s19+$0x1380] =	vst v14  }
0x246: {  	v62 =	vadd.s32 $0x19, v5;
	v14 =	vld.idx.msk [tilespmem:v60+s4+$0x0], $0xffff  }
0x247: {  	v63 =	vadd.s32 $0x19, v6;
	_ =	sdelay $0x1  }
0x248: {  	[tilespmem:s0+$0x1800] =	vst v10  }
0x249: {  	v10 =	vld.idx.msk [tilespmem:v61+s4+$0x0], $0xffff;
	[tilespmem:s20+$0x1800] =	vst v12  }
0x24a: {  	v18 =	vadd.s32 $0x1A, v4;
	v12 =	vld.idx.msk [tilespmem:v62+s4+$0x0], $0xffff;
	[tilespmem:s19+$0x1800] =	vst v14  }
0x24b: {  	v19 =	vadd.s32 $0x1A, v5;
	v14 =	vld.idx.msk [tilespmem:v63+s4+$0x0], $0xffff  }
0x24c: {  	v20 =	vadd.s32 $0x1A, v6;
	_ =	sdelay $0x1  }
0x24d: {  	[tilespmem:s0+$0x1880] =	vst v10  }
0x24e: {  	v10 =	vld.idx.msk [tilespmem:v18+s4+$0x0], $0xffff;
	[tilespmem:s20+$0x1880] =	vst v12  }
0x24f: {  	v21 =	vadd.s32 $0x1B, v4;
	v12 =	vld.idx.msk [tilespmem:v19+s4+$0x0], $0xffff;
	[tilespmem:s19+$0x1880] =	vst v14  }
0x250: {  	v22 =	vadd.s32 $0x1B, v5;
	v14 =	vld.idx.msk [tilespmem:v20+s4+$0x0], $0xffff  }
0x251: {  	v23 =	vadd.s32 $0x1B, v6;
	_ =	sdelay $0x1  }
0x252: {  	[tilespmem:s0+$0x1900] =	vst v10  }
0x253: {  	v10 =	vld.idx.msk [tilespmem:v21+s4+$0x0], $0xffff;
	[tilespmem:s20+$0x1900] =	vst v12  }
0x254: {  	v24 =	vadd.s32 $0x1C, v4;
	v12 =	vld.idx.msk [tilespmem:v22+s4+$0x0], $0xffff;
	[tilespmem:s19+$0x1900] =	vst v14  }
0x255: {  	v25 =	vadd.s32 $0x1C, v5;
	v14 =	vld.idx.msk [tilespmem:v23+s4+$0x0], $0xffff  }
0x256: {  	v26 =	vadd.s32 $0x1C, v6;
	_ =	sdelay $0x1  }
0x257: {  	[tilespmem:s0+$0x1980] =	vst v10  }
0x258: {  	v27 =	vadd.s32 $0x1D, v3;
	v11 =	vld.idx.msk [tilespmem:v24+s4+$0x0], $0xffff;
	[tilespmem:s20+$0x1980] =	vst v12  }
0x259: {  	v28 =	vadd.s32 $0x1D, v4;
	v13 =	vld.idx.msk [tilespmem:v25+s4+$0x0], $0xffff;
	[tilespmem:s19+$0x1980] =	vst v14  }
0x25a: {  	v29 =	vadd.s32 $0x1D, v5;
	v15 =	vld.idx.msk [tilespmem:v26+s4+$0x0], $0xffff  }
0x25b: {  	v30 =	vadd.s32 $0x1D, v6;
	_ =	sdelay $0x1  }
0x25c: {  	v10 =	vld.idx.msk [tilespmem:v27+s4+$0x0], $0xffff;
	[tilespmem:s0+$0x1A00] =	vst v11  }
0x25d: {  	v31 =	vadd.s32 $0x1E, v3;
	v12 =	vld.idx.msk [tilespmem:v28+s4+$0x0], $0xffff;
	[tilespmem:s20+$0x1A00] =	vst v13  }
0x25e: {  	v32 =	vadd.s32 $0x1E, v4;
	v14 =	vld.idx.msk [tilespmem:v29+s4+$0x0], $0xffff;
	[tilespmem:s19+$0x1A00] =	vst v15  }
0x25f: {  	v33 =	vadd.s32 $0x1E, v5;
	v16 =	vld.idx.msk [tilespmem:v30+s4+$0x0], $0xffff  }
0x260: {  	v34 =	vadd.s32 $0x1E, v6  }
0x261: {  	[tilespmem:s2+$0x1A80] =	vst v10  }
0x262: {  	v10 =	vld.idx.msk [tilespmem:v31+s4+$0x0], $0xffff;
	[tilespmem:s0+$0x1A80] =	vst v12  }
0x263: {  	v35 =	vadd.s32 $0x1F, v3;
	v12 =	vld.idx.msk [tilespmem:v32+s4+$0x0], $0xffff;
	[tilespmem:s20+$0x1A80] =	vst v14  }
0x264: {  	v36 =	vadd.s32 $0x1F, v4;
	v14 =	vld.idx.msk [tilespmem:v33+s4+$0x0], $0xffff;
	[tilespmem:s19+$0x1A80] =	vst v16  }
0x265: {  	v37 =	vadd.s32 $0x1F, v5;
	v16 =	vld.idx.msk [tilespmem:v34+s4+$0x0], $0xffff  }
0x266: {  	v38 =	vadd.s32 $0x1F, v6  }
0x267: {  	[tilespmem:s2+$0x1B00] =	vst v10  }
0x268: {  	v10 =	vld.idx.msk [tilespmem:v35+s4+$0x0], $0xffff;
	[tilespmem:s0+$0x1B00] =	vst v12  }
0x269: {  	v39 =	vadd.s32 $0x20, v3;
	v12 =	vld.idx.msk [tilespmem:v36+s4+$0x0], $0xffff;
	[tilespmem:s20+$0x1B00] =	vst v14  }
0x26a: {  	v40 =	vadd.s32 $0x20, v4;
	v14 =	vld.idx.msk [tilespmem:v37+s4+$0x0], $0xffff;
	[tilespmem:s19+$0x1B00] =	vst v16  }
0x26b: {  	v41 =	vadd.s32 $0x20, v5;
	v16 =	vld.idx.msk [tilespmem:v38+s4+$0x0], $0xffff  }
0x26c: {  	v42 =	vadd.s32 $0x20, v6  }
0x26d: {  	[tilespmem:s2+$0x1B80] =	vst v10  }
0x26e: {  	v10 =	vld.idx.msk [tilespmem:v39+s4+$0x0], $0xffff;
	[tilespmem:s0+$0x1B80] =	vst v12  }
0x26f: {  	v43 =	vadd.s32 $0x21, v3;
	v12 =	vld.idx.msk [tilespmem:v40+s4+$0x0], $0xffff;
	[tilespmem:s20+$0x1B80] =	vst v14  }
0x270: {  	v44 =	vadd.s32 $0x21, v4;
	v14 =	vld.idx.msk [tilespmem:v41+s4+$0x0], $0xffff;
	[tilespmem:s19+$0x1B80] =	vst v16  }
0x271: {  	v45 =	vadd.s32 $0x21, v5;
	v16 =	vld.idx.msk [tilespmem:v42+s4+$0x0], $0xffff  }
0x272: {  	v46 =	vadd.s32 $0x21, v6  }
0x273: {  	[tilespmem:s2+$0x2000] =	vst v10  }
0x274: {  	v10 =	vld.idx.msk [tilespmem:v43+s4+$0x0], $0xffff;
	[tilespmem:s0+$0x2000] =	vst v12  }
0x275: {  	v47 =	vadd.s32 $0x22, v3;
	v12 =	vld.idx.msk [tilespmem:v44+s4+$0x0], $0xffff;
	[tilespmem:s20+$0x2000] =	vst v14  }
0x276: {  	v48 =	vadd.s32 $0x22, v4;
	v14 =	vld.idx.msk [tilespmem:v45+s4+$0x0], $0xffff;
	[tilespmem:s19+$0x2000] =	vst v16  }
0x277: {  	v49 =	vadd.s32 $0x22, v5;
	v16 =	vld.idx.msk [tilespmem:v46+s4+$0x0], $0xffff  }
0x278: {  	v50 =	vadd.s32 $0x22, v6  }
0x279: {  	[tilespmem:s2+$0x2080] =	vst v10  }
0x27a: {  	v10 =	vld.idx.msk [tilespmem:v47+s4+$0x0], $0xffff;
	[tilespmem:s0+$0x2080] =	vst v12  }
0x27b: {  	v51 =	vadd.s32 $0x23, v3;
	v12 =	vld.idx.msk [tilespmem:v48+s4+$0x0], $0xffff;
	[tilespmem:s20+$0x2080] =	vst v14  }
0x27c: {  	v52 =	vadd.s32 $0x23, v4;
	v14 =	vld.idx.msk [tilespmem:v49+s4+$0x0], $0xffff;
	[tilespmem:s19+$0x2080] =	vst v16  }
0x27d: {  	v53 =	vadd.s32 $0x23, v5;
	v16 =	vld.idx.msk [tilespmem:v50+s4+$0x0], $0xffff  }
0x27e: {  	v54 =	vadd.s32 $0x23, v6  }
0x27f: {  	[tilespmem:s2+$0x2100] =	vst v10  }
0x280: {  	v10 =	vld.idx.msk [tilespmem:v51+s4+$0x0], $0xffff;
	[tilespmem:s0+$0x2100] =	vst v12  }
0x281: {  	v55 =	vadd.s32 $0x24, v3;
	v12 =	vld.idx.msk [tilespmem:v52+s4+$0x0], $0xffff;
	[tilespmem:s20+$0x2100] =	vst v14  }
0x282: {  	v56 =	vadd.s32 $0x24, v4;
	v14 =	vld.idx.msk [tilespmem:v53+s4+$0x0], $0xffff;
	[tilespmem:s19+$0x2100] =	vst v16  }
0x283: {  	v57 =	vadd.s32 $0x24, v5;
	v16 =	vld.idx.msk [tilespmem:v54+s4+$0x0], $0xffff  }
0x284: {  	v58 =	vadd.s32 $0x24, v6  }
0x285: {  	[tilespmem:s2+$0x2180] =	vst v10  }
0x286: {  	v10 =	vld.idx.msk [tilespmem:v55+s4+$0x0], $0xffff;
	[tilespmem:s0+$0x2180] =	vst v12  }
0x287: {  	v59 =	vadd.s32 $0x25, v3;
	v12 =	vld.idx.msk [tilespmem:v56+s4+$0x0], $0xffff;
	[tilespmem:s20+$0x2180] =	vst v14  }
0x288: {  	v60 =	vadd.s32 $0x25, v4;
	v14 =	vld.idx.msk [tilespmem:v57+s4+$0x0], $0xffff;
	[tilespmem:s19+$0x2180] =	vst v16  }
0x289: {  	v61 =	vadd.s32 $0x25, v5;
	v16 =	vld.idx.msk [tilespmem:v58+s4+$0x0], $0xffff  }
0x28a: {  	v62 =	vadd.s32 $0x25, v6  }
0x28b: {  	[tilespmem:s2+$0x2200] =	vst v10  }
0x28c: {  	v10 =	vld.idx.msk [tilespmem:v59+s4+$0x0], $0xffff;
	[tilespmem:s0+$0x2200] =	vst v12  }
0x28d: {  	v63 =	vadd.s32 $0x26, v3;
	v12 =	vld.idx.msk [tilespmem:v60+s4+$0x0], $0xffff;
	[tilespmem:s20+$0x2200] =	vst v14  }
0x28e: {  	v20 =	vadd.s32 $0x26, v4;
	v14 =	vld.idx.msk [tilespmem:v61+s4+$0x0], $0xffff;
	[tilespmem:s19+$0x2200] =	vst v16  }
0x28f: {  	v21 =	vadd.s32 $0x26, v5;
	v16 =	vld.idx.msk [tilespmem:v62+s4+$0x0], $0xffff  }
0x290: {  	v22 =	vadd.s32 $0x26, v6  }
0x291: {  	[tilespmem:s2+$0x2280] =	vst v10  }
0x292: {  	v23 =	vadd.s32 $0x27, v1;
	v11 =	vld.idx.msk [tilespmem:v63+s4+$0x0], $0xffff;
	[tilespmem:s0+$0x2280] =	vst v12  }
0x293: {  	v24 =	vadd.s32 $0x27, v3;
	v13 =	vld.idx.msk [tilespmem:v20+s4+$0x0], $0xffff;
	[tilespmem:s20+$0x2280] =	vst v14  }
0x294: {  	v25 =	vadd.s32 $0x27, v4;
	v15 =	vld.idx.msk [tilespmem:v21+s4+$0x0], $0xffff;
	[tilespmem:s19+$0x2280] =	vst v16  }
0x295: {  	v26 =	vadd.s32 $0x27, v5;
	v17 =	vld.idx.msk [tilespmem:v22+s4+$0x0], $0xffff  }
0x296: {  	[tilespmem:s30+$0x2300] =	vst v9;
	v27 =	vadd.s32 $0x27, v6  }
0x297: {  	v10 =	vld.idx.msk [tilespmem:v23+s4+$0x0], $0xffff;
	[tilespmem:s2+$0x2300] =	vst v11  }
0x298: {  	v28 =	vadd.s32 $0x28, v1;
	v12 =	vld.idx.msk [tilespmem:v24+s4+$0x0], $0xffff;
	[tilespmem:s0+$0x2300] =	vst v13  }
0x299: {  	v29 =	vadd.s32 $0x28, v3;
	v14 =	vld.idx.msk [tilespmem:v25+s4+$0x0], $0xffff;
	[tilespmem:s20+$0x2300] =	vst v15  }
0x29a: {  	v30 =	vadd.s32 $0x28, v4;
	v16 =	vld.idx.msk [tilespmem:v26+s4+$0x0], $0xffff;
	[tilespmem:s19+$0x2300] =	vst v17  }
0x29b: {  	[tilespmem:s31+$0x3800] =	vst v8;
	v31 =	vadd.s32 $0x28, v5;
	v9 =	vld.idx.msk [tilespmem:v27+s4+$0x0], $0xffff  }
0x29c: {  	v32 =	vadd.s32 $0x28, v6;
	[tilespmem:s30+$0x2380] =	vst v10  }
0x29d: {  	v33 =	vadd.s32 $0x39, v2;
	v11 =	vld.idx.msk [tilespmem:v28+s4+$0x0], $0xffff;
	[tilespmem:s2+$0x2380] =	vst v12  }
0x29e: {  	v34 =	vadd.s32 $0x29, v1;
	v13 =	vld.idx.msk [tilespmem:v29+s4+$0x0], $0xffff;
	[tilespmem:s0+$0x2380] =	vst v14  }
0x29f: {  	v35 =	vadd.s32 $0x29, v3;
	v15 =	vld.idx.msk [tilespmem:v30+s4+$0x0], $0xffff;
	[tilespmem:s20+$0x2380] =	vst v16  }
0x2a0: {  	v36 =	vadd.s32 $0x29, v4;
	v8 =	vld.idx.msk [tilespmem:v31+s4+$0x0], $0xffff;
	[tilespmem:s19+$0x2380] =	vst v9  }
0x2a1: {  	[tilespmem:s29+$0x2B80] =	vst v7;
	v37 =	vadd.s32 $0x29, v5;
	v9 =	vld.idx.msk [tilespmem:v32+s4+$0x0], $0xffff  }
0x2a2: {  	v39 =	vadd.s32 $0x29, v6;
	v38 =	vld.idx.msk [tilespmem:v33+s4+$0x0], $0xffff;
	[tilespmem:s30+$0x2800] =	vst v11  }
0x2a3: {  	v40 =	vadd.s32 $0x30, v0;
	v12 =	vld.idx.msk [tilespmem:v34+s4+$0x0], $0xffff;
	[tilespmem:s2+$0x2800] =	vst v13  }
0x2a4: {  	v41 =	vadd.s32 $0x2A, v1;
	v14 =	vld.idx.msk [tilespmem:v35+s4+$0x0], $0xffff;
	[tilespmem:s0+$0x2800] =	vst v15  }
0x2a5: {  	v42 =	vadd.s32 $0x2A, v3;
	v16 =	vld.idx.msk [tilespmem:v36+s4+$0x0], $0xffff;
	[tilespmem:s20+$0x2800] =	vst v8  }
0x2a6: {  	v43 =	vadd.s32 $0x2A, v4;
	v7 =	vld.idx.msk [tilespmem:v37+s4+$0x0], $0xffff;
	[tilespmem:s19+$0x2800] =	vst v9  }
0x2a7: {  	v44 =	vadd.s32 $0x2A, v5;
	[tilespmem:s31+$0x3880] =	vst v38;
	v45 =	vld.idx.msk [tilespmem:v39+s4+$0x0], $0xffff  }
0x2a8: {  	v47 =	vadd.s32 $0x2A, v6;
	v46 =	vld.idx.msk [tilespmem:v40+s4+$0x0], $0xffff;
	[tilespmem:s30+$0x2880] =	vst v12  }
0x2a9: {  	v48 =	vadd.s32 $0x3A, v2;
	v13 =	vld.idx.msk [tilespmem:v41+s4+$0x0], $0xffff;
	[tilespmem:s2+$0x2880] =	vst v14  }
0x2aa: {  	v49 =	vadd.s32 $0x2B, v1;
	v15 =	vld.idx.msk [tilespmem:v42+s4+$0x0], $0xffff;
	[tilespmem:s0+$0x2880] =	vst v16  }
0x2ab: {  	v50 =	vadd.s32 $0x2B, v3;
	v8 =	vld.idx.msk [tilespmem:v43+s4+$0x0], $0xffff;
	[tilespmem:s20+$0x2880] =	vst v7  }
0x2ac: {  	v51 =	vadd.s32 $0x2B, v4;
	v9 =	vld.idx.msk [tilespmem:v44+s4+$0x0], $0xffff;
	[tilespmem:s19+$0x2880] =	vst v45  }
0x2ad: {  	v52 =	vadd.s32 $0x2B, v5;
	[tilespmem:s29+$0x3000] =	vst v46;
	v53 =	vld.idx.msk [tilespmem:v47+s4+$0x0], $0xffff  }
0x2ae: {  	v55 =	vadd.s32 $0x2B, v6;
	v54 =	vld.idx.msk [tilespmem:v48+s4+$0x0], $0xffff;
	[tilespmem:s30+$0x2900] =	vst v13  }
0x2af: {  	v56 =	vadd.s32 $0x31, v0;
	v14 =	vld.idx.msk [tilespmem:v49+s4+$0x0], $0xffff;
	[tilespmem:s2+$0x2900] =	vst v15  }
0x2b0: {  	v57 =	vadd.s32 $0x2C, v1;
	v16 =	vld.idx.msk [tilespmem:v50+s4+$0x0], $0xffff;
	[tilespmem:s0+$0x2900] =	vst v8  }
0x2b1: {  	v58 =	vadd.s32 $0x2C, v3;
	v7 =	vld.idx.msk [tilespmem:v51+s4+$0x0], $0xffff;
	[tilespmem:s20+$0x2900] =	vst v9  }
0x2b2: {  	v59 =	vadd.s32 $0x2C, v4;
	v10 =	vld.idx.msk [tilespmem:v52+s4+$0x0], $0xffff;
	[tilespmem:s19+$0x2900] =	vst v53  }
0x2b3: {  	v60 =	vadd.s32 $0x2C, v5;
	[tilespmem:s31+$0x3900] =	vst v54;
	v61 =	vld.idx.msk [tilespmem:v55+s4+$0x0], $0xffff  }
0x2b4: {  	v63 =	vadd.s32 $0x2C, v6;
	v62 =	vld.idx.msk [tilespmem:v56+s4+$0x0], $0xffff;
	[tilespmem:s30+$0x2980] =	vst v14  }
0x2b5: {  	v20 =	vadd.s32 $0x3B, v2;
	v15 =	vld.idx.msk [tilespmem:v57+s4+$0x0], $0xffff;
	[tilespmem:s2+$0x2980] =	vst v16  }
0x2b6: {  	v21 =	vadd.s32 $0x2D, v1;
	v8 =	vld.idx.msk [tilespmem:v58+s4+$0x0], $0xffff;
	[tilespmem:s0+$0x2980] =	vst v7  }
0x2b7: {  	v22 =	vadd.s32 $0x2D, v3;
	v9 =	vld.idx.msk [tilespmem:v59+s4+$0x0], $0xffff;
	[tilespmem:s20+$0x2980] =	vst v10  }
0x2b8: {  	v23 =	vadd.s32 $0x2D, v4;
	v11 =	vld.idx.msk [tilespmem:v60+s4+$0x0], $0xffff;
	[tilespmem:s19+$0x2980] =	vst v61  }
0x2b9: {  	v24 =	vadd.s32 $0x2D, v5;
	[tilespmem:s29+$0x3080] =	vst v62;
	v25 =	vld.idx.msk [tilespmem:v63+s4+$0x0], $0xffff  }
0x2ba: {  	v26 =	vld.idx.msk [tilespmem:v20+s4+$0x0], $0xffff;
	v27 =	vadd.s32 $0x2D, v6;
	[tilespmem:s30+$0x2A00] =	vst v15  }
0x2bb: {  	v28 =	vadd.s32 $0x32, v0;
	v16 =	vld.idx.msk [tilespmem:v21+s4+$0x0], $0xffff;
	[tilespmem:s2+$0x2A00] =	vst v8  }
0x2bc: {  	v29 =	vadd.s32 $0x2E, v1;
	v7 =	vld.idx.msk [tilespmem:v22+s4+$0x0], $0xffff;
	[tilespmem:s0+$0x2A00] =	vst v9  }
0x2bd: {  	v30 =	vadd.s32 $0x2E, v3;
	v10 =	vld.idx.msk [tilespmem:v23+s4+$0x0], $0xffff;
	[tilespmem:s20+$0x2A00] =	vst v11  }
0x2be: {  	v31 =	vadd.s32 $0x2E, v4;
	v12 =	vld.idx.msk [tilespmem:v24+s4+$0x0], $0xffff;
	[tilespmem:s19+$0x2A00] =	vst v25  }
0x2bf: {  	[tilespmem:s31+$0x3980] =	vst v26;
	v32 =	vadd.s32 $0x2E, v5;
	v33 =	vld.idx.msk [tilespmem:v27+s4+$0x0], $0xffff  }
0x2c0: {  	v35 =	vadd.s32 $0x2E, v6;
	v34 =	vld.idx.msk [tilespmem:v28+s4+$0x0], $0xffff;
	[tilespmem:s30+$0x2A80] =	vst v16  }
0x2c1: {  	v36 =	vadd.s32 $0x3C, v2;
	v8 =	vld.idx.msk [tilespmem:v29+s4+$0x0], $0xffff;
	[tilespmem:s2+$0x2A80] =	vst v7  }
0x2c2: {  	v37 =	vadd.s32 $0x2F, v1;
	v9 =	vld.idx.msk [tilespmem:v30+s4+$0x0], $0xffff;
	[tilespmem:s0+$0x2A80] =	vst v10  }
0x2c3: {  	v38 =	vadd.s32 $0x2F, v3;
	v11 =	vld.idx.msk [tilespmem:v31+s4+$0x0], $0xffff;
	[tilespmem:s20+$0x2A80] =	vst v12  }
0x2c4: {  	v39 =	vadd.s32 $0x2F, v4;
	v13 =	vld.idx.msk [tilespmem:v32+s4+$0x0], $0xffff;
	[tilespmem:s19+$0x2A80] =	vst v33  }
0x2c5: {  	v40 =	vadd.s32 $0x2F, v5;
	[tilespmem:s29+$0x3100] =	vst v34;
	v41 =	vld.idx.msk [tilespmem:v35+s4+$0x0], $0xffff  }
0x2c6: {  	v42 =	vld.idx.msk [tilespmem:v36+s4+$0x0], $0xffff;
	v43 =	vadd.s32 $0x2F, v6;
	[tilespmem:s30+$0x2B00] =	vst v8  }
0x2c7: {  	v51 =	vadd.s32 $0x3D, v2;
	v7 =	vld.idx.msk [tilespmem:v37+s4+$0x0], $0xffff;
	[tilespmem:s2+$0x2B00] =	vst v9  }
0x2c8: {  	v45 =	vadd.s32 $0x30, v1;
	v10 =	vld.idx.msk [tilespmem:v38+s4+$0x0], $0xffff;
	[tilespmem:s0+$0x2B00] =	vst v11  }
0x2c9: {  	v46 =	vadd.s32 $0x30, v3;
	v12 =	vld.idx.msk [tilespmem:v39+s4+$0x0], $0xffff;
	[tilespmem:s20+$0x2B00] =	vst v13  }
0x2ca: {  	v47 =	vadd.s32 $0x30, v4;
	v14 =	vld.idx.msk [tilespmem:v40+s4+$0x0], $0xffff;
	[tilespmem:s19+$0x2B00] =	vst v41  }
0x2cb: {  	v48 =	vadd.s32 $0x30, v5;
	[tilespmem:s31+$0x3A00] =	vst v42;
	v8 =	vld.idx.msk [tilespmem:v43+s4+$0x0], $0xffff  }
0x2cc: {  	v50 =	vadd.s32 $0x30, v6;
	v56 =	vld.idx.msk [tilespmem:v51+s4+$0x0], $0xffff;
	[tilespmem:s30+$0x2B80] =	vst v7  }
0x2cd: {  	v44 =	vadd.s32 $0x33, v0;
	v9 =	vld.idx.msk [tilespmem:v45+s4+$0x0], $0xffff;
	[tilespmem:s2+$0x2B80] =	vst v10  }
0x2ce: {  	v52 =	vadd.s32 $0x31, v1;
	v11 =	vld.idx.msk [tilespmem:v46+s4+$0x0], $0xffff;
	[tilespmem:s0+$0x2B80] =	vst v12  }
0x2cf: {  	v53 =	vadd.s32 $0x31, v3;
	v13 =	vld.idx.msk [tilespmem:v47+s4+$0x0], $0xffff;
	[tilespmem:s20+$0x2B80] =	vst v14  }
0x2d0: {  	v54 =	vadd.s32 $0x31, v4;
	v15 =	vld.idx.msk [tilespmem:v48+s4+$0x0], $0xffff;
	[tilespmem:s19+$0x2B80] =	vst v8  }
0x2d1: {  	[tilespmem:s31+$0x3A80] =	vst v56;
	v55 =	vadd.s32 $0x31, v5;
	v7 =	vld.idx.msk [tilespmem:v50+s4+$0x0], $0xffff  }
0x2d2: {  	v57 =	vadd.s32 $0x31, v6;
	v49 =	vld.idx.msk [tilespmem:v44+s4+$0x0], $0xffff;
	[tilespmem:s30+$0x3000] =	vst v9  }
0x2d3: {  	v21 =	vadd.s32 $0x3E, v2;
	v10 =	vld.idx.msk [tilespmem:v52+s4+$0x0], $0xffff;
	[tilespmem:s2+$0x3000] =	vst v11  }
0x2d4: {  	v59 =	vadd.s32 $0x32, v1;
	v12 =	vld.idx.msk [tilespmem:v53+s4+$0x0], $0xffff;
	[tilespmem:s0+$0x3000] =	vst v13  }
0x2d5: {  	v60 =	vadd.s32 $0x32, v3;
	v14 =	vld.idx.msk [tilespmem:v54+s4+$0x0], $0xffff;
	[tilespmem:s20+$0x3000] =	vst v15  }
0x2d6: {  	v61 =	vadd.s32 $0x32, v4;
	v8 =	vld.idx.msk [tilespmem:v55+s4+$0x0], $0xffff;
	[tilespmem:s19+$0x3000] =	vst v7  }
0x2d7: {  	v62 =	vadd.s32 $0x32, v5;
	[tilespmem:s29+$0x3180] =	vst v49;
	v9 =	vld.idx.msk [tilespmem:v57+s4+$0x0], $0xffff  }
0x2d8: {  	v20 =	vadd.s32 $0x32, v6;
	v26 =	vld.idx.msk [tilespmem:v21+s4+$0x0], $0xffff;
	[tilespmem:s30+$0x3080] =	vst v10  }
0x2d9: {  	v58 =	vadd.s32 $0x34, v0;
	v11 =	vld.idx.msk [tilespmem:v59+s4+$0x0], $0xffff;
	[tilespmem:s2+$0x3080] =	vst v12  }
0x2da: {  	v22 =	vadd.s32 $0x33, v1;
	v13 =	vld.idx.msk [tilespmem:v60+s4+$0x0], $0xffff;
	[tilespmem:s0+$0x3080] =	vst v14  }
0x2db: {  	v23 =	vadd.s32 $0x33, v3;
	v15 =	vld.idx.msk [tilespmem:v61+s4+$0x0], $0xffff;
	[tilespmem:s20+$0x3080] =	vst v8  }
0x2dc: {  	v24 =	vadd.s32 $0x33, v4;
	v7 =	vld.idx.msk [tilespmem:v62+s4+$0x0], $0xffff;
	[tilespmem:s19+$0x3080] =	vst v9  }
0x2dd: {  	[tilespmem:s31+$0x3B00] =	vst v26;
	v25 =	vadd.s32 $0x33, v5;
	v10 =	vld.idx.msk [tilespmem:v20+s4+$0x0], $0xffff  }
0x2de: {  	v63 =	vld.idx.msk [tilespmem:v58+s4+$0x0], $0xffff;
	v27 =	vadd.s32 $0x33, v6;
	[tilespmem:s30+$0x3100] =	vst v11  }
0x2df: {  	v28 =	vadd.s32 $0x35, v0;
	v12 =	vld.idx.msk [tilespmem:v22+s4+$0x0], $0xffff;
	[tilespmem:s2+$0x3100] =	vst v13  }
0x2e0: {  	v29 =	vadd.s32 $0x34, v1;
	v14 =	vld.idx.msk [tilespmem:v23+s4+$0x0], $0xffff;
	[tilespmem:s0+$0x3100] =	vst v15  }
0x2e1: {  	v30 =	vadd.s32 $0x34, v3;
	v8 =	vld.idx.msk [tilespmem:v24+s4+$0x0], $0xffff;
	[tilespmem:s20+$0x3100] =	vst v7  }
0x2e2: {  	v31 =	vadd.s32 $0x34, v4;
	v9 =	vld.idx.msk [tilespmem:v25+s4+$0x0], $0xffff;
	[tilespmem:s19+$0x3100] =	vst v10  }
0x2e3: {  	[tilespmem:s29+$0x3200] =	vst v63;
	v32 =	vadd.s32 $0x34, v5;
	v11 =	vld.idx.msk [tilespmem:v27+s4+$0x0], $0xffff  }
0x2e4: {  	v34 =	vadd.s32 $0x34, v6;
	v33 =	vld.idx.msk [tilespmem:v28+s4+$0x0], $0xffff;
	[tilespmem:s30+$0x3180] =	vst v12  }
0x2e5: {  	v35 =	vadd.s32 $0x3F, v2;
	v13 =	vld.idx.msk [tilespmem:v29+s4+$0x0], $0xffff;
	[tilespmem:s2+$0x3180] =	vst v14  }
0x2e6: {  	v36 =	vadd.s32 $0x35, v1;
	v15 =	vld.idx.msk [tilespmem:v30+s4+$0x0], $0xffff;
	[tilespmem:s0+$0x3180] =	vst v8  }
0x2e7: {  	v37 =	vadd.s32 $0x35, v3;
	v7 =	vld.idx.msk [tilespmem:v31+s4+$0x0], $0xffff;
	[tilespmem:s20+$0x3180] =	vst v9  }
0x2e8: {  	v38 =	vadd.s32 $0x35, v4;
	v10 =	vld.idx.msk [tilespmem:v32+s4+$0x0], $0xffff;
	[tilespmem:s19+$0x3180] =	vst v11  }
0x2e9: {  	v39 =	vadd.s32 $0x35, v5;
	[tilespmem:s29+$0x3280] =	vst v33;
	v12 =	vld.idx.msk [tilespmem:v34+s4+$0x0], $0xffff  }
0x2ea: {  	v40 =	vadd.s32 $0x35, v6;
	v2 =	vld.idx.msk [tilespmem:v35+s4+$0x0], $0xffff;
	[tilespmem:s30+$0x3200] =	vst v13  }
0x2eb: {  	v41 =	vadd.s32 $0x36, v0;
	v14 =	vld.idx.msk [tilespmem:v36+s4+$0x0], $0xffff;
	[tilespmem:s2+$0x3200] =	vst v15  }
0x2ec: {  	v42 =	vadd.s32 $0x36, v1;
	v8 =	vld.idx.msk [tilespmem:v37+s4+$0x0], $0xffff;
	[tilespmem:s0+$0x3200] =	vst v7  }
0x2ed: {  	v43 =	vadd.s32 $0x36, v3;
	v9 =	vld.idx.msk [tilespmem:v38+s4+$0x0], $0xffff;
	[tilespmem:s20+$0x3200] =	vst v10  }
0x2ee: {  	v44 =	vadd.s32 $0x36, v4;
	v11 =	vld.idx.msk [tilespmem:v39+s4+$0x0], $0xffff;
	[tilespmem:s19+$0x3200] =	vst v12  }
0x2ef: {  	v45 =	vadd.s32 $0x36, v5;
	[tilespmem:s31+$0x3B80] =	vst v2;
	v12 =	vld.idx.msk [tilespmem:v40+s4+$0x0], $0xffff  }
0x2f0: {  	v47 =	vadd.s32 $0x36, v6;
	v46 =	vld.idx.msk [tilespmem:v41+s4+$0x0], $0xffff;
	[tilespmem:s30+$0x3280] =	vst v14  }
0x2f1: {  	v48 =	vadd.s32 $0x37, v0;
	v15 =	vld.idx.msk [tilespmem:v42+s4+$0x0], $0xffff;
	[tilespmem:s2+$0x3280] =	vst v8  }
0x2f2: {  	v49 =	vadd.s32 $0x37, v1;
	v7 =	vld.idx.msk [tilespmem:v43+s4+$0x0], $0xffff;
	[tilespmem:s0+$0x3280] =	vst v9  }
0x2f3: {  	v50 =	vadd.s32 $0x37, v3;
	v10 =	vld.idx.msk [tilespmem:v44+s4+$0x0], $0xffff;
	[tilespmem:s20+$0x3280] =	vst v11  }
0x2f4: {  	v51 =	vadd.s32 $0x37, v4;
	v2 =	vld.idx.msk [tilespmem:v45+s4+$0x0], $0xffff;
	[tilespmem:s19+$0x3280] =	vst v12  }
0x2f5: {  	v52 =	vadd.s32 $0x37, v5;
	[tilespmem:s29+$0x3300] =	vst v46;
	v53 =	vld.idx.msk [tilespmem:v47+s4+$0x0], $0xffff  }
0x2f6: {  	v55 =	vadd.s32 $0x37, v6;
	v54 =	vld.idx.msk [tilespmem:v48+s4+$0x0], $0xffff;
	[tilespmem:s30+$0x3300] =	vst v15  }
0x2f7: {  	v56 =	vadd.s32 $0x38, v0;
	v8 =	vld.idx.msk [tilespmem:v49+s4+$0x0], $0xffff;
	[tilespmem:s2+$0x3300] =	vst v7  }
0x2f8: {  	v57 =	vadd.s32 $0x38, v1;
	v9 =	vld.idx.msk [tilespmem:v50+s4+$0x0], $0xffff;
	[tilespmem:s0+$0x3300] =	vst v10  }
0x2f9: {  	v58 =	vadd.s32 $0x38, v3;
	v11 =	vld.idx.msk [tilespmem:v51+s4+$0x0], $0xffff;
	[tilespmem:s20+$0x3300] =	vst v2  }
0x2fa: {  	v59 =	vadd.s32 $0x38, v4;
	v12 =	vld.idx.msk [tilespmem:v52+s4+$0x0], $0xffff;
	[tilespmem:s19+$0x3300] =	vst v53  }
0x2fb: {  	v60 =	vadd.s32 $0x38, v5;
	[tilespmem:s29+$0x3380] =	vst v54;
	v61 =	vld.idx.msk [tilespmem:v55+s4+$0x0], $0xffff  }
0x2fc: {  	v63 =	vadd.s32 $0x38, v6;
	v62 =	vld.idx.msk [tilespmem:v56+s4+$0x0], $0xffff;
	[tilespmem:s30+$0x3380] =	vst v8  }
0x2fd: {  	v20 =	vadd.s32 $0x39, v0;
	v7 =	vld.idx.msk [tilespmem:v57+s4+$0x0], $0xffff;
	[tilespmem:s2+$0x3380] =	vst v9  }
0x2fe: {  	v21 =	vadd.s32 $0x39, v1;
	v10 =	vld.idx.msk [tilespmem:v58+s4+$0x0], $0xffff;
	[tilespmem:s0+$0x3380] =	vst v11  }
0x2ff: {  	v22 =	vadd.s32 $0x39, v3;
	v2 =	vld.idx.msk [tilespmem:v59+s4+$0x0], $0xffff;
	[tilespmem:s20+$0x3380] =	vst v12  }
0x300: {  	v23 =	vadd.s32 $0x39, v4;
	v13 =	vld.idx.msk [tilespmem:v60+s4+$0x0], $0xffff;
	[tilespmem:s19+$0x3380] =	vst v61  }
0x301: {  	v24 =	vadd.s32 $0x39, v5;
	[tilespmem:s29+$0x3800] =	vst v62;
	v8 =	vld.idx.msk [tilespmem:v63+s4+$0x0], $0xffff  }
0x302: {  	v25 =	vadd.s32 $0x39, v6;
	v15 =	vld.idx.msk [tilespmem:v20+s4+$0x0], $0xffff;
	[tilespmem:s30+$0x3800] =	vst v7  }
0x303: {  	v26 =	vadd.s32 $0x3A, v0;
	v9 =	vld.idx.msk [tilespmem:v21+s4+$0x0], $0xffff;
	[tilespmem:s2+$0x3800] =	vst v10  }
0x304: {  	v27 =	vadd.s32 $0x3A, v1;
	v11 =	vld.idx.msk [tilespmem:v22+s4+$0x0], $0xffff;
	[tilespmem:s0+$0x3800] =	vst v2  }
0x305: {  	v28 =	vadd.s32 $0x3A, v3;
	v12 =	vld.idx.msk [tilespmem:v23+s4+$0x0], $0xffff;
	[tilespmem:s20+$0x3800] =	vst v13  }
0x306: {  	v29 =	vadd.s32 $0x3A, v4;
	v14 =	vld.idx.msk [tilespmem:v24+s4+$0x0], $0xffff;
	[tilespmem:s19+$0x3800] =	vst v8  }
0x307: {  	v30 =	vadd.s32 $0x3A, v5;
	[tilespmem:s29+$0x3880] =	vst v15;
	v7 =	vld.idx.msk [tilespmem:v25+s4+$0x0], $0xffff  }
0x308: {  	v31 =	vadd.s32 $0x3A, v6;
	v15 =	vld.idx.msk [tilespmem:v26+s4+$0x0], $0xffff;
	[tilespmem:s30+$0x3880] =	vst v9  }
0x309: {  	v32 =	vadd.s32 $0x3B, v0;
	v10 =	vld.idx.msk [tilespmem:v27+s4+$0x0], $0xffff;
	[tilespmem:s2+$0x3880] =	vst v11  }
0x30a: {  	v33 =	vadd.s32 $0x3B, v1;
	v2 =	vld.idx.msk [tilespmem:v28+s4+$0x0], $0xffff;
	[tilespmem:s0+$0x3880] =	vst v12  }
0x30b: {  	v34 =	vadd.s32 $0x3B, v3;
	v13 =	vld.idx.msk [tilespmem:v29+s4+$0x0], $0xffff;
	[tilespmem:s20+$0x3880] =	vst v14  }
0x30c: {  	v35 =	vadd.s32 $0x3B, v4;
	v8 =	vld.idx.msk [tilespmem:v30+s4+$0x0], $0xffff;
	[tilespmem:s19+$0x3880] =	vst v7  }
0x30d: {  	v36 =	vadd.s32 $0x3B, v5;
	[tilespmem:s29+$0x3900] =	vst v15;
	v9 =	vld.idx.msk [tilespmem:v31+s4+$0x0], $0xffff  }
0x30e: {  	v37 =	vadd.s32 $0x3B, v6;
	v15 =	vld.idx.msk [tilespmem:v32+s4+$0x0], $0xffff;
	[tilespmem:s30+$0x3900] =	vst v10  }
0x30f: {  	v38 =	vadd.s32 $0x3C, v0;
	v11 =	vld.idx.msk [tilespmem:v33+s4+$0x0], $0xffff;
	[tilespmem:s2+$0x3900] =	vst v2  }
0x310: {  	v39 =	vadd.s32 $0x3C, v1;
	v12 =	vld.idx.msk [tilespmem:v34+s4+$0x0], $0xffff;
	[tilespmem:s0+$0x3900] =	vst v13  }
0x311: {  	v40 =	vadd.s32 $0x3C, v3;
	v14 =	vld.idx.msk [tilespmem:v35+s4+$0x0], $0xffff;
	[tilespmem:s20+$0x3900] =	vst v8  }
0x312: {  	v41 =	vadd.s32 $0x3C, v4;
	v7 =	vld.idx.msk [tilespmem:v36+s4+$0x0], $0xffff;
	[tilespmem:s19+$0x3900] =	vst v9  }
0x313: {  	v42 =	vadd.s32 $0x3C, v5;
	[tilespmem:s29+$0x3980] =	vst v15;
	v10 =	vld.idx.msk [tilespmem:v37+s4+$0x0], $0xffff  }
0x314: {  	v43 =	vadd.s32 $0x3C, v6;
	v15 =	vld.idx.msk [tilespmem:v38+s4+$0x0], $0xffff;
	[tilespmem:s30+$0x3980] =	vst v11  }
0x315: {  	v44 =	vadd.s32 $0x3D, v0;
	v2 =	vld.idx.msk [tilespmem:v39+s4+$0x0], $0xffff;
	[tilespmem:s2+$0x3980] =	vst v12  }
0x316: {  	v45 =	vadd.s32 $0x3D, v1;
	v13 =	vld.idx.msk [tilespmem:v40+s4+$0x0], $0xffff;
	[tilespmem:s0+$0x3980] =	vst v14  }
0x317: {  	v46 =	vadd.s32 $0x3D, v3;
	v8 =	vld.idx.msk [tilespmem:v41+s4+$0x0], $0xffff;
	[tilespmem:s20+$0x3980] =	vst v7  }
0x318: {  	v47 =	vadd.s32 $0x3D, v4;
	v9 =	vld.idx.msk [tilespmem:v42+s4+$0x0], $0xffff;
	[tilespmem:s19+$0x3980] =	vst v10  }
0x319: {  	v48 =	vadd.s32 $0x3D, v5;
	[tilespmem:s29+$0x3A00] =	vst v15;
	v11 =	vld.idx.msk [tilespmem:v43+s4+$0x0], $0xffff  }
0x31a: {  	v49 =	vadd.s32 $0x3D, v6;
	v15 =	vld.idx.msk [tilespmem:v44+s4+$0x0], $0xffff;
	[tilespmem:s30+$0x3A00] =	vst v2  }
0x31b: {  	v50 =	vadd.s32 $0x3E, v0;
	v12 =	vld.idx.msk [tilespmem:v45+s4+$0x0], $0xffff;
	[tilespmem:s2+$0x3A00] =	vst v13  }
0x31c: {  	v51 =	vadd.s32 $0x3E, v1;
	v14 =	vld.idx.msk [tilespmem:v46+s4+$0x0], $0xffff;
	[tilespmem:s0+$0x3A00] =	vst v8  }
0x31d: {  	v52 =	vadd.s32 $0x3E, v3;
	v7 =	vld.idx.msk [tilespmem:v47+s4+$0x0], $0xffff;
	[tilespmem:s20+$0x3A00] =	vst v9  }
0x31e: {  	v53 =	vadd.s32 $0x3E, v4;
	v10 =	vld.idx.msk [tilespmem:v48+s4+$0x0], $0xffff;
	[tilespmem:s19+$0x3A00] =	vst v11  }
0x31f: {  	v54 =	vadd.s32 $0x3E, v5;
	[tilespmem:s29+$0x3A80] =	vst v15;
	v2 =	vld.idx.msk [tilespmem:v49+s4+$0x0], $0xffff  }
0x320: {  	v55 =	vadd.s32 $0x3E, v6;
	v15 =	vld.idx.msk [tilespmem:v50+s4+$0x0], $0xffff;
	[tilespmem:s30+$0x3A80] =	vst v12  }
0x321: {  	v56 =	vadd.s32 $0x3F, v0;
	v13 =	vld.idx.msk [tilespmem:v51+s4+$0x0], $0xffff;
	[tilespmem:s2+$0x3A80] =	vst v14  }
0x322: {  	v57 =	vadd.s32 $0x3F, v1;
	v8 =	vld.idx.msk [tilespmem:v52+s4+$0x0], $0xffff;
	[tilespmem:s0+$0x3A80] =	vst v7  }
0x323: {  	v58 =	vadd.s32 $0x3F, v3;
	v7 =	vld.idx.msk [tilespmem:v53+s4+$0x0], $0xffff;
	[tilespmem:s20+$0x3A80] =	vst v10  }
0x324: {  	v59 =	vadd.s32 $0x3F, v4;
	v60 =	vld.idx.msk [tilespmem:v54+s4+$0x0], $0xffff;
	[tilespmem:s19+$0x3A80] =	vst v2  }
0x325: {  	v61 =	vadd.s32 $0x3F, v5;
	[tilespmem:s29+$0x3B00] =	vst v15;
	v62 =	vld.idx.msk [tilespmem:v55+s4+$0x0], $0xffff  }
0x326: {  	v6 =	vadd.s32 $0x3F, v6;
	v0 =	vld.idx.msk [tilespmem:v56+s4+$0x0], $0xffff;
	[tilespmem:s30+$0x3B00] =	vst v13  }
0x327: {  	v1 =	vld.idx.msk [tilespmem:v57+s4+$0x0], $0xffff;
	[tilespmem:s2+$0x3B00] =	vst v8  }
0x328: {  	v3 =	vld.idx.msk [tilespmem:v58+s4+$0x0], $0xffff;
	[tilespmem:s0+$0x3B00] =	vst v7  }
0x329: {  	v4 =	vld.idx.msk [tilespmem:v59+s4+$0x0], $0xffff;
	[tilespmem:s20+$0x3B00] =	vst v60  }
0x32a: {  	v2 =	vld.idx.msk [tilespmem:v61+s4+$0x0], $0xffff;
	[tilespmem:s19+$0x3B00] =	vst v62  }
0x32b: {  	p0 =	sgt.u32 s24, $0x61;
	[tilespmem:s29+$0x3B80] =	vst v0;
	v63 =	vld.idx.msk [tilespmem:v6+s4+$0x0], $0xffff  }
0x32c: {  	s5 =	sadd.s32 @!p0 $0x2, s18;
	[tilespmem:s30+$0x3B80] =	vst v1  }
0x32d: {  	s6 =	sshll.u32 @!p0 s5, $0x8;
	[tilespmem:s2+$0x3B80] =	vst v3;
	s2 =	sshll.u32 @!p0 s5, $0x5  }
0x32e: {  	s5 =	sand.u32 @!p0 $0x70, s5;
	[tilespmem:s0+$0x3B80] =	vst v4;
	s0 =	sand.u32 @!p0 $0xFFFF000, s2;
	s2 =	sand.u32 @!p0 $0xF00, s6  }
0x32f: {  	s0 =	sor.u32 @!p0 s2, s0;
	s2 =	sadd.s32 @!p0 s1, s5;
	[tilespmem:s20+$0x3B80] =	vst v2  }
0x330: {  	s5 =	simm.s32 @!p0 $0x400;
	s0 =	sadd.s32 @!p0 s0, s2;
	s2 =	simm.s32 @!p0 $0x80;
	[tilespmem:s19+$0x3B80] =	vst v63  }
0x331: {  	[tilespmem:s26], [sflag:$0x2] =	stream.strided.gather @!p0 [hbm4b:s0+s2], $0x100, s5, s2, $0x38;
	[tilespmem:$0x18070] =	vst v63  }
0x332: {  	s2 =	sshll.u32 s18, $0xB;
	s5 =	sshll.u32 s18, $0x8  }
0x333: {  	s0 =	sand.u32 $0xFFF8000, s2;
	s2 =	sand.u32 $0xF00, s5  }
0x334: {  	s0 =	sor.u32 s2, s0  }
0x335: {  	s2 =	sadd.s32 s3, s0  }
0x336: {  	[hbm4b:s2+s4] =	stream.linear.scatter [tilespmem:s28], [sflag:$0x1], $0x800, $0x38;
	[tilespmem:$0x18070] =	vst v63  }
0x337: {  	s8 =	sadd.s32 $0x10670, s25;
	s6 =	sadd.s32 s0, s9  }
0x338: {  	[hbm4b:s6+s4] =	stream.linear.scatter [tilespmem:s8], [sflag:$0x1], $0x800, $0x38;
	[tilespmem:$0x18070] =	vst v63  }
0x339: {  	s17 =	sadd.s32 $0x10E70, s25;
	s16 =	sadd.s32 s0, s10  }
0x33a: {  	[hbm4b:s16+s4] =	stream.linear.scatter [tilespmem:s17], [sflag:$0x1], $0x800, $0x38;
	[tilespmem:$0x18070] =	vst v63  }
0x33b: {  	s19 =	sadd.s32 $0x11670, s25;
	s18 =	sadd.s32 s0, s11  }
0x33c: {  	[hbm4b:s18+s4] =	stream.linear.scatter [tilespmem:s19], [sflag:$0x1], $0x800, $0x38;
	[tilespmem:$0x18070] =	vst v63  }
0x33d: {  	s24 =	sadd.s32 $0x1, s24;
	s21 =	sadd.s32 $0x11E70, s25;
	s20 =	sadd.s32 s0, s12  }
0x33e: {  	[hbm4b:s20+s4] =	stream.linear.scatter [tilespmem:s21], [sflag:$0x1], $0x800, $0x38;
	[tilespmem:$0x18070] =	vst v63  }
0x33f: {  	p0 =	sne.s32 s24, $0x64;
	s26 =	sadd.s32 s0, s13;
	s28 =	sadd.s32 $0x12670, s25  }
0x340: {  	[hbm4b:s26+s4] =	stream.linear.scatter [tilespmem:s28], [sflag:$0x1], $0x800, $0x38;
	[tilespmem:$0x18070] =	vst v63  }
.Ltmp1:
0x341: {  	_ = 	snop;
	(pc) =	sbr.rel @p0 .LBB2_2-.Ltmp1, $4  }
0x342: {  	s30 =	sadd.s32 $0x12E70, s25;
	s29 =	sadd.s32 s0, s14  }
0x343: {  	[hbm4b:s29+s4] =	stream.linear.scatter [tilespmem:s30], [sflag:$0x1], $0x800, $0x38;
	[tilespmem:$0x18070] =	vst v63  }
0x344: {  	s31 =	sadd.s32 $0x13670, s25;
	s0 =	sadd.s32 s0, s15  }
0x345: {  	[hbm4b:s0+s4] =	stream.linear.scatter [tilespmem:s31], [sflag:$0x1], $0x800, $0x38;
	[tilespmem:$0x18070] =	vst v63  }
0x346: {  	_ =	swait.ge [sflag:s22], $0x4000  }
0x347: {  	[sflag:s22] =	ssyncset.done $0x0  }
0x348: {  	[sflag:s22] =	ssyncadd.s32 $0xFFFFC000  }
0x349: {  	_ =	swait.ge [sflag:s22], $0x4000  }
0x34a: {  	s23 =	sadd.s32 $0x1, s23;
	s0 =	rddreg [dreg:$0x7]  }
0x34b: {  	p0 =	sne.s32 s23, s0  }
.Ltmp2:
0x34c: {  	_ = 	snop;
	(pc) =	sbr.rel @p0 .LBB2_1-.Ltmp2, $3  }
0x34d: {  	_ =	sdelay $0x1  }
0x34e: {  	[sflag:s22] =	ssyncset.done $0x0  }
0x34f: {  	[sflag:s22] =	ssyncadd.s32 $0xFFFFC000  }
0x350: {  	_ =	sfence.sel $0x180000  }
0x351: {  	[bflag:$0x0] =	sbarrier.arrive $0xFFFF  }
0x352: {  	_ =	strace $0x90000047  }
0x353: {  	s0 =	stileid.u32;
	[bflag:$0x2] =	sbarrier.arrive $0xFFFF  }
0x354: {  	p0 =	sne.s32 s0, $0x0;
	s0 =	rddreg [dreg:$0x3]  }
0x355: {  	s0 =	sadd.s32 @!p0 $0x100000, s0  }
0x356: {  	[sflag:s0] =	ssyncadd.tile.s32 @!p0 $0x1;
	_ =	shalt  }
.Lfunc_end2:
_tile_overlayer_lowered:
.L_overlay_start_2:
0x357: {  	(tag) =	ssettag $0x2  }
0x358: {  	s0 =	rddreg [dreg:$0x0];
	s2 =	stileid.u32  }
0x359: {  	s1 =	rddreg [dreg:$0x1];
	p0 =	sne.s32 s2, $0x0  }
0x35a: {  	s3 =	rddreg [dreg:$0x2];
	[bflag:$0x3] =	sbarrier.arrive $0xFFFF;
	s2 =	simm.s32 @!p0 $0x1C03  }
0x35b: {  	[timem:s3], [sflag:s2] =	dma.local @!p0 [hbm:s0], s1  }
0x35c: {  	s0 =	simm.s32 @!p0 $0x3  }
0x35d: {  	_ =	swait.ge @!p0 [sflag:s0], s1  }
0x35e: {  	s1 =	ssub.s32 @!p0 $0x0, s1;
	[sflag:s0] =	ssyncset.done @!p0 $0x0  }
0x35f: {  	[sflag:s0] =	ssyncadd.s32 @!p0 s1  }
0x360: {  	[bflag:$0x3] =	sbarrier.arrive $0xFFFF  }
0x361: {  	_ =	shalt  }

</sc_bundles>
